<compile_context>
chip_gen: v7x
topology: tpu7x:2x2x1
jax: 0.10.2.dev20260603
libtpu: 0.0.44.dev20260713+nightly
codegen_flags: <defaults>
</compile_context>

<pallas_src>
import functools

import jax
import jax.numpy as jnp
from jax import lax
from jax.experimental import pallas as pl
from jax.experimental.pallas import tpu as pltpu
from jax.experimental.pallas import tpu_sc as plsc

R = 128
N = 32768
K = (N - 1) // 2
L = 16
NW = 32
RPW = R // NW
UC = 8
U = 8
NCOUNT = 5
SEG = N // L
REGS = SEG + 1
BLEN = (L - 1) * REGS + SEG + L
HI0 = 0x3F7FFFFF
MAXIT = 64

_mesh = plsc.VectorSubcoreMesh(core_axis_name="c", subcore_axis_name="s")


def _xsum(v):
    return plsc.cumsum(v)[L - 1]


@functools.partial(
    pl.kernel,
    mesh=_mesh,
    out_type=jax.ShapeDtypeStruct((NW, L), jnp.float32),
    compiler_params=pltpu.CompilerParams(needs_layout_passes=False),
    scratch_types=[
        pltpu.VMEM((BLEN,), jnp.float32),
        pltpu.VMEM((BLEN,), jnp.float32),
        pltpu.VMEM((BLEN,), jnp.float32),
        pltpu.VMEM((2 * L,), jnp.float32),
        pltpu.VMEM((L,), jnp.float32),
    ],
)
def _soft_majority_sc(x_hbm, out_hbm, buf0, buf1, buf2, tiny_v, res_v):
    wid = lax.axis_index("s") * 2 + lax.axis_index("c")
    lane = lax.iota(jnp.int32, L)
    zero_i = jnp.zeros((L,), jnp.int32)
    one_i = jnp.ones((L,), jnp.int32)
    base_v = lane * REGS

    def mk_probe(lo_v, hi_v):
        lo_f = lax.bitcast_convert_type(lo_v, jnp.float32)
        hi_f = lax.bitcast_convert_type(hi_v, jnp.float32)
        vmid = 0.5 * (lo_f + hi_f)
        pmid = lax.bitcast_convert_type(vmid, jnp.int32)
        probe_pat = jnp.minimum(jnp.maximum(pmid, lo_v), hi_v - 1)
        return probe_pat, lax.bitcast_convert_type(probe_pat, jnp.float32)

    def count_pass(src, probe_f, with_sum):
        def body(i, carry):
            if with_sum:
                cacc, acc = carry
            else:
                cacc = carry
            b = i * (L * UC)
            for u in range(UC):
                v = src[pl.ds(b + u * L, L)]
                cacc = cacc + plsc.all_reduce_population_count(v <= probe_f)
                if with_sum:
                    acc = acc + v
            return (cacc, acc) if with_sum else cacc

        init = (zero_i, jnp.zeros((L,), jnp.float32)) if with_sum else zero_i
        out = lax.fori_loop(0, SEG // UC, body, init)
        if with_sum:
            return out[0][0], out[1]
        return out[0], None

    def extract(src, dst, lo_f, hi_f):
        def body(i, off):
            b = i * (L * U)
            for u in range(U):
                v = src[pl.ds(b + u * L, L)]
                m = jnp.logical_and(v >= lo_f, v <= hi_f)
                plsc.store_scatter(dst, [off], v, mask=m)
                off = off + jnp.where(m, one_i, zero_i)
            return off

        off = lax.fori_loop(0, SEG // U, body, base_v)
        return off - base_v

    def splitn(src, d_lo, d_hi, s_vec, probe_f):
        trip = plsc.cummax(s_vec)[L - 1]

        def body(i, carry):
            offL, offH = carry
            for u in range(U):
                iu = i * U + u
                idx = base_v + iu
                v = plsc.load_gather(src, [idx])
                valid = s_vec > iu
                le0 = v <= probe_f
                m = jnp.logical_and(le0, valid)
                mh = jnp.logical_and(jnp.logical_not(le0), valid)
                plsc.store_scatter(d_lo, [offL], v, mask=m)
                plsc.store_scatter(d_hi, [offH], v, mask=mh)
                offL = offL + jnp.where(m, one_i, zero_i)
                offH = offH + jnp.where(mh, one_i, zero_i)
            return (offL, offH)

        nit = (trip + (U - 1)) // U
        offL, offH = lax.fori_loop(0, nit, body, (base_v, base_v))
        return offL - base_v, offH - base_v

    def split_from(src_id, s_vec, probe_f):
        return lax.cond(
            src_id == 0,
            lambda: splitn(buf0, buf1, buf2, s_vec, probe_f),
            lambda: lax.cond(
                src_id == 1,
                lambda: splitn(buf1, buf0, buf2, s_vec, probe_f),
                lambda: splitn(buf2, buf0, buf1, s_vec, probe_f)))

    def collect(src_id, s_vec, size_s, k_s):
        def coll(src):
            off = jnp.int32(0)
            for i in range(L):
                v = plsc.load_gather(src, [base_v + i])
                valid = s_vec > i
                plsc.store_compressed(tiny_v.at[pl.ds(off, L)], v,
                                      mask=valid)
                off = off + plsc.all_reduce_population_count(valid)[0]
            w = tiny_v[pl.ds(0, L)]
            valid2 = lane < jnp.broadcast_to(size_s, (L,))
            skeys, _, _ = plsc.sort_key_val(w, w, mask=valid2)
            sel = jnp.where(lane == jnp.broadcast_to(k_s, (L,)), skeys, 0.0)
            return _xsum(sel)
        return lax.cond(
            src_id == 0, lambda: coll(buf0),
            lambda: lax.cond(src_id == 1, lambda: coll(buf1),
                             lambda: coll(buf2)))

    def process_row(jj, res):
        row = wid * RPW + jj
        pltpu.sync_copy(x_hbm.at[row], buf0.at[pl.ds(0, N)])

        lo_v = zero_i
        hi_v = jnp.full((L,), HI0, jnp.int32)
        kk = jnp.int32(K)
        below = jnp.int32(0)
        mean = jnp.float32(0.0)
        for p in range(NCOUNT):
            if p == 0:
                probe_pat = jnp.full((L,), 0x3F000000, jnp.int32)
                probe_f = jnp.full((L,), 0.5, jnp.float32)
                c_le, acc = count_pass(buf0, probe_f, True)
                mean = _xsum(acc) * (1.0 / N)
            else:
                probe_pat, probe_f = mk_probe(lo_v, hi_v)
                c_le, _ = count_pass(buf0, probe_f, False)
            cin = c_le - below
            go = kk < cin
            go_v = jnp.broadcast_to(go, (L,))
            hi_v = jnp.where(go_v, probe_pat, hi_v)
            lo_v = jnp.where(go_v, lo_v, probe_pat + 1)
            kk = jnp.where(go, kk, kk - cin)
            below = jnp.where(go, below, c_le)

        s1 = extract(buf0, buf1,
                     lax.bitcast_convert_type(lo_v, jnp.float32),
                     lax.bitcast_convert_type(hi_v, jnp.float32))
        size1 = _xsum(s1)

        def w_cond(st):
            src_id, s_vec, size_s, k_s, it, lo_v, hi_v = st
            return (size_s > L) & (lo_v[0] < hi_v[0]) & (it < MAXIT)

        def w_body(st):
            src_id, s_vec, size_s, k_s, it, lo_v, hi_v = st
            probe_pat, probe_f = mk_probe(lo_v, hi_v)
            sL2, sH2 = split_from(src_id, s_vec, probe_f)
            cL2 = _xsum(sL2)
            go2 = k_s < cL2
            go_v = jnp.broadcast_to(go2, (L,))
            k2 = jnp.where(go2, k_s, k_s - cL2)
            size2 = jnp.where(go2, cL2, size_s - cL2)
            s2 = jnp.where(go_v, sL2, sH2)
            hi2 = jnp.where(go_v, probe_pat, hi_v)
            lo2 = jnp.where(go_v, lo_v, probe_pat + 1)
            lodest = jnp.where(src_id == 0, 1, 0)
            hidest = jnp.where(src_id == 2, 1, 2)
            src2 = jnp.where(go2, lodest, hidest)
            return (src2, s2, size2, k2, it + 1, lo2, hi2)

        src_id, s_vec, size_s, k_s, _, lo_v, _ = lax.while_loop(
            w_cond, w_body,
            (jnp.int32(1), s1, size1, kk, jnp.int32(0), lo_v, hi_v))

        m_sorted = lax.cond(
            size_s <= L,
            lambda: collect(src_id, s_vec, size_s, k_s),
            lambda: jnp.float32(0.0))
        m_bit = jnp.where(size_s <= L, m_sorted,
                          lax.bitcast_convert_type(lo_v, jnp.float32)[0])

        margin = jnp.abs(m_bit - 0.5)
        md = mean * margin
        rep = jnp.where(m_bit > 0.5, 0.5 + md, m_bit + md)
        return jnp.where(lane == jnp.broadcast_to(jj, (L,)),
                         jnp.broadcast_to(rep, (L,)), res)

    res = lax.fori_loop(0, RPW, process_row, jnp.zeros((L,), jnp.float32))
    res_v[...] = res
    pltpu.sync_copy(res_v, out_hbm.at[wid])


def kernel(x):
    padded = _soft_majority_sc(x)
    return padded[:, :RPW].reshape(R)

# --- scband reference (transcript-rebuilt; emitter-appended) ---
"""Pipeline reference for scband-soft-majority-layer-24730421690851 (READ-ONLY COPY).

The authoritative reference and input builder live on the scoring server;
editing this copy changes nothing except your own understanding.
"""

import jax, jax.numpy as jnp
import numpy as np


def setup_inputs(seed: int = 0) -> dict:
    key = jax.random.key(seed)
    x = jax.random.uniform(key, (128, 32768), dtype=jnp.float32)
    return {"x": x}


def reference(x):
    # vmap(soft_majority, in_axes=0) over rows == vectorized computation below
    index = (x.shape[-1] - 1) // 2
    sorted_x = jnp.sort(x, axis=-1)
    m_bit = jnp.take(sorted_x, index, axis=-1)  # median-ish bit per row
    margin = jnp.abs(m_bit - 0.5)
    mean = jnp.mean(x, axis=-1)
    margin_delta = mean * margin
    representative_bit = jnp.where(m_bit > 0.5, 0.5 + margin_delta, m_bit + margin_delta)
    return representative_bit

if __name__ == "__main__":
    import jax
    _d = setup_inputs()
    print(jax.jit(kernel)(*tuple(_d.values())))

</pallas_src>

<mosaic_0001>
#map = affine_map<(d0, d1) -> (0, 0)>
module attributes {stable_mosaic.version = 14 : i64} {
  func.func @_soft_majority_sc(%arg0: i32, %arg1: i32, %arg2: memref<128x32768xf32, #tpu.memory_space<hbm>>, %arg3: memref<32x16xf32, #tpu.memory_space<hbm>>, %arg4: memref<32799xf32, #tpu.memory_space<vmem>>, %arg5: memref<32799xf32, #tpu.memory_space<vmem>>, %arg6: memref<32799xf32, #tpu.memory_space<vmem>>, %arg7: memref<32xf32, #tpu.memory_space<vmem>>, %arg8: memref<16xf32, #tpu.memory_space<vmem>>) attributes {dimension_semantics = [#tpu.dimension_semantics<core_parallel>, #tpu.dimension_semantics<subcore_parallel>], iteration_bounds = array<i64: 2, 16>, scalar_prefetch = 0 : i64, scratch_operands = 5 : i64, tpu.core_type = #tpu.core_type<sc_vector_subcore>, window_params = [{transform_indices = #map}, {transform_indices = #map}]} {
    %mul3A = arith.constant 2 : i32
    %mul3A_0 = arith.muli %arg1, %mul3A : i32
    %add3A = arith.addi %mul3A_0, %arg0 : i32
    %iota3A = tpu.iota {dimensions = array<i32: 0>} : vector<16xi32>
    %broadcast_in_dim3A = arith.constant 0 : i32
    %broadcast_in_dim3A_1 = vector.broadcast %broadcast_in_dim3A : i32 to vector<16xi32>
    %broadcast_in_dim3A_2 = arith.constant 1 : i32
    %broadcast_in_dim3A_3 = vector.broadcast %broadcast_in_dim3A_2 : i32 to vector<16xi32>
    %mul3A_4 = arith.constant 2049 : i32
    %mul3A_5 = vector.broadcast %mul3A_4 : i32 to vector<16xi32>
    %mul3A_6 = arith.muli %iota3A, %mul3A_5 : vector<16xi32>
    %broadcast_in_dim3A_7 = arith.constant 0.000000e+00 : f32
    %broadcast_in_dim3A_8 = vector.broadcast %broadcast_in_dim3A_7 : f32 to vector<16xf32>
    %scan3A = arith.constant 0 : i32
    %scan3A_9 = arith.constant 4 : i32
    %scan3A_10 = arith.addi %scan3A, %scan3A_9 : i32
    %scan3A_11 = arith.constant 1 : i32
    %scan3A_12 = scf.for %scan3A_15 = %scan3A to %scan3A_10 step %scan3A_11 iter_args(%scan3A_16 = %broadcast_in_dim3A_8) -> (vector<16xf32>)  : i32 {
      %mul3A_17 = arith.constant 4 : i32
      %mul3A_18 = arith.muli %add3A, %mul3A_17 : i32
      %add3A_19 = arith.addi %mul3A_18, %scan3A_15 : i32
      "tpu.region"() ({
        %run_scoped3A = tpu.sem_alloc : memref<!tpu.dma_semaphore, #tpu.memory_space<semaphore_mem>>
        %dma_start3A = arith.constant 0 : i32
        %dma_start3A_213 = tpu.memref_slice %arg4[%dma_start3A] : memref<32799xf32, #tpu.memory_space<vmem>> -> memref<32768xf32, #tpu.memory_space<vmem>>
        %dma_start3A_214 = arith.constant 0 : i32
        %dma_start3A_215 = tpu.memref_slice %arg2[%add3A_19, %dma_start3A_214] : memref<128x32768xf32, #tpu.memory_space<hbm>> -> memref<1x32768xf32, #tpu.memory_space<hbm>>
        %dma_start3A_216 = tpu.memref_squeeze %dma_start3A_215 : memref<1x32768xf32, #tpu.memory_space<hbm>> -> memref<32768xf32, #tpu.memory_space<hbm>>
        %dma_start3A_217 = arith.constant 0 : i32
        %dma_start3A_218 = tpu.memref_slice %arg4[%dma_start3A_217] : memref<32799xf32, #tpu.memory_space<vmem>> -> memref<32768xf32, #tpu.memory_space<vmem>>
        %dma_start3A_219 = arith.constant 0 : i32
        %dma_start3A_220 = tpu.memref_slice %arg2[%add3A_19, %dma_start3A_219] : memref<128x32768xf32, #tpu.memory_space<hbm>> -> memref<1x32768xf32, #tpu.memory_space<hbm>>
        %dma_start3A_221 = tpu.memref_squeeze %dma_start3A_220 : memref<1x32768xf32, #tpu.memory_space<hbm>> -> memref<32768xf32, #tpu.memory_space<hbm>>
        tpu.enqueue_dma source(%dma_start3A_221 : memref<32768xf32, #tpu.memory_space<hbm>>) target(%dma_start3A_218 : memref<32768xf32, #tpu.memory_space<vmem>>) target_semaphore(%run_scoped3A : memref<!tpu.dma_semaphore, #tpu.memory_space<semaphore_mem>>)
        %dma_wait3A = arith.constant 0 : i32
        %dma_wait3A_222 = tpu.memref_slice %arg4[%dma_wait3A] : memref<32799xf32, #tpu.memory_space<vmem>> -> memref<32768xf32, #tpu.memory_space<vmem>>
        %dma_wait3A_223 = arith.constant 0 : i32
        %dma_wait3A_224 = tpu.memref_slice %arg2[%add3A_19, %dma_wait3A_223] : memref<128x32768xf32, #tpu.memory_space<hbm>> -> memref<1x32768xf32, #tpu.memory_space<hbm>>
        %dma_wait3A_225 = tpu.memref_squeeze %dma_wait3A_224 : memref<1x32768xf32, #tpu.memory_space<hbm>> -> memref<32768xf32, #tpu.memory_space<hbm>>
        %dma_wait3A_226 = arith.constant 0 : i32
        %dma_wait3A_227 = tpu.memref_slice %arg4[%dma_wait3A_226] : memref<32799xf32, #tpu.memory_space<vmem>> -> memref<32768xf32, #tpu.memory_space<vmem>>
        %dma_wait3A_228 = arith.constant 0 : i32
        %dma_wait3A_229 = tpu.memref_slice %arg2[%add3A_19, %dma_wait3A_228] : memref<128x32768xf32, #tpu.memory_space<hbm>> -> memref<1x32768xf32, #tpu.memory_space<hbm>>
        %dma_wait3A_230 = tpu.memref_squeeze %dma_wait3A_229 : memref<1x32768xf32, #tpu.memory_space<hbm>> -> memref<32768xf32, #tpu.memory_space<hbm>>
        tpu.wait_dma2 semaphore(%run_scoped3A : memref<!tpu.dma_semaphore, #tpu.memory_space<semaphore_mem>>) src(%dma_wait3A_230 : memref<32768xf32, #tpu.memory_space<hbm>>) dst(%dma_wait3A_227 : memref<32768xf32, #tpu.memory_space<vmem>>)
        tpu.yield
      }) : () -> ()
      %broadcast_in_dim3A_20 = arith.constant 1065353215 : i32
      %broadcast_in_dim3A_21 = vector.broadcast %broadcast_in_dim3A_20 : i32 to vector<16xi32>
      %broadcast_in_dim3A_22 = arith.constant 1056964608 : i32
      %broadcast_in_dim3A_23 = vector.broadcast %broadcast_in_dim3A_22 : i32 to vector<16xi32>
      %broadcast_in_dim3A_24 = arith.constant 5.000000e-01 : f32
      %broadcast_in_dim3A_25 = vector.broadcast %broadcast_in_dim3A_24 : f32 to vector<16xf32>
      %broadcast_in_dim3A_26 = arith.constant 0.000000e+00 : f32
      %broadcast_in_dim3A_27 = vector.broadcast %broadcast_in_dim3A_26 : f32 to vector<16xf32>
      %scan3A_28 = arith.constant 0 : i32
      %scan3A_29 = arith.constant 256 : i32
      %scan3A_30 = arith.addi %scan3A_28, %scan3A_29 : i32
      %scan3A_31 = arith.constant 1 : i32
      %scan3A_32:2 = scf.for %scan3A_213 = %scan3A_28 to %scan3A_30 step %scan3A_31 iter_args(%scan3A_214 = %broadcast_in_dim3A_1, %scan3A_215 = %broadcast_in_dim3A_27) -> (vector<16xi32>, vector<16xf32>)  : i32 {
        %mul3A_216 = arith.constant 128 : i32
        %mul3A_217 = arith.muli %scan3A_213, %mul3A_216 : i32
        %add3A_218 = arith.constant 0 : i32
        %add3A_219 = arith.addi %mul3A_217, %add3A_218 : i32
        %get3A = arith.index_cast %add3A_219 : i32 to index
        %get3A_220 = tpu.vector_load %arg4[%get3A] {strides = array<i32>} : memref<32799xf32, #tpu.memory_space<vmem>>, vector<16xf32>,
        %le3A_221 = arith.cmpf ole, %get3A_220, %broadcast_in_dim3A_25 : vector<16xf32>
        %all_reduce_population_count3A = tpu.all_reduce %le3A_221 {dim = 0 : i64, kind = #tpu.reduction_kind<sum>} : vector<16xi1> -> vector<16xi32>
        %add3A_222 = arith.addi %scan3A_214, %all_reduce_population_count3A : vector<16xi32>
        %add3A_223 = arith.addf %scan3A_215, %get3A_220 : vector<16xf32>
        %add3A_224 = arith.constant 16 : i32
        %add3A_225 = arith.addi %mul3A_217, %add3A_224 : i32
        %get3A_226 = arith.index_cast %add3A_225 : i32 to index
        %get3A_227 = tpu.vector_load %arg4[%get3A_226] {strides = array<i32>} : memref<32799xf32, #tpu.memory_space<vmem>>, vector<16xf32>,
        %le3A_228 = arith.cmpf ole, %get3A_227, %broadcast_in_dim3A_25 : vector<16xf32>
        %all_reduce_population_count3A_229 = tpu.all_reduce %le3A_228 {dim = 0 : i64, kind = #tpu.reduction_kind<sum>} : vector<16xi1> -> vector<16xi32>
        %add3A_230 = arith.addi %add3A_222, %all_reduce_population_count3A_229 : vector<16xi32>
        %add3A_231 = arith.addf %add3A_223, %get3A_227 : vector<16xf32>
        %add3A_232 = arith.constant 32 : i32
        %add3A_233 = arith.addi %mul3A_217, %add3A_232 : i32
        %get3A_234 = arith.index_cast %add3A_233 : i32 to index
        %get3A_235 = tpu.vector_load %arg4[%get3A_234] {strides = array<i32>} : memref<32799xf32, #tpu.memory_space<vmem>>, vector<16xf32>,
        %le3A_236 = arith.cmpf ole, %get3A_235, %broadcast_in_dim3A_25 : vector<16xf32>
        %all_reduce_population_count3A_237 = tpu.all_reduce %le3A_236 {dim = 0 : i64, kind = #tpu.reduction_kind<sum>} : vector<16xi1> -> vector<16xi32>
        %add3A_238 = arith.addi %add3A_230, %all_reduce_population_count3A_237 : vector<16xi32>
        %add3A_239 = arith.addf %add3A_231, %get3A_235 : vector<16xf32>
        %add3A_240 = arith.constant 48 : i32
        %add3A_241 = arith.addi %mul3A_217, %add3A_240 : i32
        %get3A_242 = arith.index_cast %add3A_241 : i32 to index
        %get3A_243 = tpu.vector_load %arg4[%get3A_242] {strides = array<i32>} : memref<32799xf32, #tpu.memory_space<vmem>>, vector<16xf32>,
        %le3A_244 = arith.cmpf ole, %get3A_243, %broadcast_in_dim3A_25 : vector<16xf32>
        %all_reduce_population_count3A_245 = tpu.all_reduce %le3A_244 {dim = 0 : i64, kind = #tpu.reduction_kind<sum>} : vector<16xi1> -> vector<16xi32>
        %add3A_246 = arith.addi %add3A_238, %all_reduce_population_count3A_245 : vector<16xi32>
        %add3A_247 = arith.addf %add3A_239, %get3A_243 : vector<16xf32>
        %add3A_248 = arith.constant 64 : i32
        %add3A_249 = arith.addi %mul3A_217, %add3A_248 : i32
        %get3A_250 = arith.index_cast %add3A_249 : i32 to index
        %get3A_251 = tpu.vector_load %arg4[%get3A_250] {strides = array<i32>} : memref<32799xf32, #tpu.memory_space<vmem>>, vector<16xf32>,
        %le3A_252 = arith.cmpf ole, %get3A_251, %broadcast_in_dim3A_25 : vector<16xf32>
        %all_reduce_population_count3A_253 = tpu.all_reduce %le3A_252 {dim = 0 : i64, kind = #tpu.reduction_kind<sum>} : vector<16xi1> -> vector<16xi32>
        %add3A_254 = arith.addi %add3A_246, %all_reduce_population_count3A_253 : vector<16xi32>
        %add3A_255 = arith.addf %add3A_247, %get3A_251 : vector<16xf32>
        %add3A_256 = arith.constant 80 : i32
        %add3A_257 = arith.addi %mul3A_217, %add3A_256 : i32
        %get3A_258 = arith.index_cast %add3A_257 : i32 to index
        %get3A_259 = tpu.vector_load %arg4[%get3A_258] {strides = array<i32>} : memref<32799xf32, #tpu.memory_space<vmem>>, vector<16xf32>,
        %le3A_260 = arith.cmpf ole, %get3A_259, %broadcast_in_dim3A_25 : vector<16xf32>
        %all_reduce_population_count3A_261 = tpu.all_reduce %le3A_260 {dim = 0 : i64, kind = #tpu.reduction_kind<sum>} : vector<16xi1> -> vector<16xi32>
        %add3A_262 = arith.addi %add3A_254, %all_reduce_population_count3A_261 : vector<16xi32>
        %add3A_263 = arith.addf %add3A_255, %get3A_259 : vector<16xf32>
        %add3A_264 = arith.constant 96 : i32
        %add3A_265 = arith.addi %mul3A_217, %add3A_264 : i32
        %get3A_266 = arith.index_cast %add3A_265 : i32 to index
        %get3A_267 = tpu.vector_load %arg4[%get3A_266] {strides = array<i32>} : memref<32799xf32, #tpu.memory_space<vmem>>, vector<16xf32>,
        %le3A_268 = arith.cmpf ole, %get3A_267, %broadcast_in_dim3A_25 : vector<16xf32>
        %all_reduce_population_count3A_269 = tpu.all_reduce %le3A_268 {dim = 0 : i64, kind = #tpu.reduction_kind<sum>} : vector<16xi1> -> vector<16xi32>
        %add3A_270 = arith.addi %add3A_262, %all_reduce_population_count3A_269 : vector<16xi32>
        %add3A_271 = arith.addf %add3A_263, %get3A_267 : vector<16xf32>
        %add3A_272 = arith.constant 112 : i32
        %add3A_273 = arith.addi %mul3A_217, %add3A_272 : i32
        %get3A_274 = arith.index_cast %add3A_273 : i32 to index
        %get3A_275 = tpu.vector_load %arg4[%get3A_274] {strides = array<i32>} : memref<32799xf32, #tpu.memory_space<vmem>>, vector<16xf32>,
        %le3A_276 = arith.cmpf ole, %get3A_275, %broadcast_in_dim3A_25 : vector<16xf32>
        %all_reduce_population_count3A_277 = tpu.all_reduce %le3A_276 {dim = 0 : i64, kind = #tpu.reduction_kind<sum>} : vector<16xi1> -> vector<16xi32>
        %add3A_278 = arith.addi %add3A_270, %all_reduce_population_count3A_277 : vector<16xi32>
        %add3A_279 = arith.addf %add3A_271, %get3A_275 : vector<16xf32>
        scf.yield %add3A_278, %add3A_279 : vector<16xi32>, vector<16xf32>
      }
      %scan3A_33 = arith.constant 256 : i32
      %slice3A = vector.extract_strided_slice %scan3A_32#0 {offsets = [0], sizes = [1], strides = [1]} : vector<16xi32> to vector<1xi32>
      %squeeze3A = vector.extract %slice3A[0] : i32 from vector<1xi32>
      %broadcast_in_dim3A_34 = arith.constant true
      %broadcast_in_dim3A_35 = vector.broadcast %broadcast_in_dim3A_34 : i1 to vector<16xi1>
      %masked_cumsum3A = tpu.scan <sum>, %scan3A_32#1 masked %broadcast_in_dim3A_35 : vector<16xf32>, vector<16xi1> -> vector<16xf32>
      %slice3A_36 = vector.extract_strided_slice %masked_cumsum3A {offsets = [15], sizes = [1], strides = [1]} : vector<16xf32> to vector<1xf32>
      %squeeze3A_37 = vector.extract %slice3A_36[0] : f32 from vector<1xf32>
      %mul3A_38 = arith.constant 3.05175781E-5 : f32
      %mul3A_39 = arith.mulf %squeeze3A_37, %mul3A_38 : f32
      %sub3A = arith.constant 0 : i32
      %sub3A_40 = arith.subi %squeeze3A, %sub3A : i32
      %lt3A = arith.constant 16383 : i32
      %lt3A_41 = arith.cmpi slt, %lt3A, %sub3A_40 : i32
      %broadcast_in_dim3A_42 = vector.broadcast %lt3A_41 : i1 to vector<16xi1>
      %select_n3A = arith.select %broadcast_in_dim3A_42, %broadcast_in_dim3A_23, %broadcast_in_dim3A_21 : vector<16xi1>, vector<16xi32>
      %add3A_43 = arith.constant 1 : i32
      %add3A_44 = vector.broadcast %add3A_43 : i32 to vector<16xi32>
      %add3A_45 = arith.addi %broadcast_in_dim3A_23, %add3A_44 : vector<16xi32>
      %select_n3A_46 = arith.select %broadcast_in_dim3A_42, %broadcast_in_dim3A_1, %add3A_45 : vector<16xi1>, vector<16xi32>
      %sub3A_47 = arith.constant 16383 : i32
      %sub3A_48 = arith.subi %sub3A_47, %sub3A_40 : i32
      %jit3A = arith.constant 16383 : i32
      %select_n3A_49 = arith.select %lt3A_41, %jit3A, %sub3A_48 : i32
      %jit3A_50 = arith.constant 0 : i32
      %select_n3A_51 = arith.select %lt3A_41, %jit3A_50, %squeeze3A : i32
      %bitcast_convert_type3A = tpu.bitcast %select_n3A_46 : vector<16xi32> -> vector<16xf32>
      %bitcast_convert_type3A_52 = tpu.bitcast %select_n3A : vector<16xi32> -> vector<16xf32>
      %add3A_53 = arith.addf %bitcast_convert_type3A, %bitcast_convert_type3A_52 : vector<16xf32>
      %mul3A_54 = arith.constant 5.000000e-01 : f32
      %mul3A_55 = vector.broadcast %mul3A_54 : f32 to vector<16xf32>
      %mul3A_56 = arith.mulf %mul3A_55, %add3A_53 : vector<16xf32>
      %bitcast_convert_type3A_57 = tpu.bitcast %mul3A_56 : vector<16xf32> -> vector<16xi32>
      %max3A = arith.maxsi %bitcast_convert_type3A_57, %select_n3A_46 : vector<16xi32>
      %sub3A_58 = arith.constant 1 : i32
      %sub3A_59 = vector.broadcast %sub3A_58 : i32 to vector<16xi32>
      %sub3A_60 = arith.subi %select_n3A, %sub3A_59 : vector<16xi32>
      %min3A = arith.minsi %max3A, %sub3A_60 : vector<16xi32>
      %bitcast_convert_type3A_61 = tpu.bitcast %min3A : vector<16xi32> -> vector<16xf32>
      %scan3A_62 = arith.constant 0 : i32
      %scan3A_63 = arith.constant 256 : i32
      %scan3A_64 = arith.addi %scan3A_62, %scan3A_63 : i32
      %scan3A_65 = arith.constant 1 : i32
      %scan3A_66 = scf.for %scan3A_213 = %scan3A_62 to %scan3A_64 step %scan3A_65 iter_args(%scan3A_214 = %broadcast_in_dim3A_1) -> (vector<16xi32>)  : i32 {
        %mul3A_215 = arith.constant 128 : i32
        %mul3A_216 = arith.muli %scan3A_213, %mul3A_215 : i32
        %add3A_217 = arith.constant 0 : i32
        %add3A_218 = arith.addi %mul3A_216, %add3A_217 : i32
        %get3A = arith.index_cast %add3A_218 : i32 to index
        %get3A_219 = tpu.vector_load %arg4[%get3A] {strides = array<i32>} : memref<32799xf32, #tpu.memory_space<vmem>>, vector<16xf32>,
        %le3A_220 = arith.cmpf ole, %get3A_219, %bitcast_convert_type3A_61 : vector<16xf32>
        %all_reduce_population_count3A = tpu.all_reduce %le3A_220 {dim = 0 : i64, kind = #tpu.reduction_kind<sum>} : vector<16xi1> -> vector<16xi32>
        %add3A_221 = arith.addi %scan3A_214, %all_reduce_population_count3A : vector<16xi32>
        %add3A_222 = arith.constant 16 : i32
        %add3A_223 = arith.addi %mul3A_216, %add3A_222 : i32
        %get3A_224 = arith.index_cast %add3A_223 : i32 to index
        %get3A_225 = tpu.vector_load %arg4[%get3A_224] {strides = array<i32>} : memref<32799xf32, #tpu.memory_space<vmem>>, vector<16xf32>,
        %le3A_226 = arith.cmpf ole, %get3A_225, %bitcast_convert_type3A_61 : vector<16xf32>
        %all_reduce_population_count3A_227 = tpu.all_reduce %le3A_226 {dim = 0 : i64, kind = #tpu.reduction_kind<sum>} : vector<16xi1> -> vector<16xi32>
        %add3A_228 = arith.addi %add3A_221, %all_reduce_population_count3A_227 : vector<16xi32>
        %add3A_229 = arith.constant 32 : i32
        %add3A_230 = arith.addi %mul3A_216, %add3A_229 : i32
        %get3A_231 = arith.index_cast %add3A_230 : i32 to index
        %get3A_232 = tpu.vector_load %arg4[%get3A_231] {strides = array<i32>} : memref<32799xf32, #tpu.memory_space<vmem>>, vector<16xf32>,
        %le3A_233 = arith.cmpf ole, %get3A_232, %bitcast_convert_type3A_61 : vector<16xf32>
        %all_reduce_population_count3A_234 = tpu.all_reduce %le3A_233 {dim = 0 : i64, kind = #tpu.reduction_kind<sum>} : vector<16xi1> -> vector<16xi32>
        %add3A_235 = arith.addi %add3A_228, %all_reduce_population_count3A_234 : vector<16xi32>
        %add3A_236 = arith.constant 48 : i32
        %add3A_237 = arith.addi %mul3A_216, %add3A_236 : i32
        %get3A_238 = arith.index_cast %add3A_237 : i32 to index
        %get3A_239 = tpu.vector_load %arg4[%get3A_238] {strides = array<i32>} : memref<32799xf32, #tpu.memory_space<vmem>>, vector<16xf32>,
        %le3A_240 = arith.cmpf ole, %get3A_239, %bitcast_convert_type3A_61 : vector<16xf32>
        %all_reduce_population_count3A_241 = tpu.all_reduce %le3A_240 {dim = 0 : i64, kind = #tpu.reduction_kind<sum>} : vector<16xi1> -> vector<16xi32>
        %add3A_242 = arith.addi %add3A_235, %all_reduce_population_count3A_241 : vector<16xi32>
        %add3A_243 = arith.constant 64 : i32
        %add3A_244 = arith.addi %mul3A_216, %add3A_243 : i32
        %get3A_245 = arith.index_cast %add3A_244 : i32 to index
        %get3A_246 = tpu.vector_load %arg4[%get3A_245] {strides = array<i32>} : memref<32799xf32, #tpu.memory_space<vmem>>, vector<16xf32>,
        %le3A_247 = arith.cmpf ole, %get3A_246, %bitcast_convert_type3A_61 : vector<16xf32>
        %all_reduce_population_count3A_248 = tpu.all_reduce %le3A_247 {dim = 0 : i64, kind = #tpu.reduction_kind<sum>} : vector<16xi1> -> vector<16xi32>
        %add3A_249 = arith.addi %add3A_242, %all_reduce_population_count3A_248 : vector<16xi32>
        %add3A_250 = arith.constant 80 : i32
        %add3A_251 = arith.addi %mul3A_216, %add3A_250 : i32
        %get3A_252 = arith.index_cast %add3A_251 : i32 to index
        %get3A_253 = tpu.vector_load %arg4[%get3A_252] {strides = array<i32>} : memref<32799xf32, #tpu.memory_space<vmem>>, vector<16xf32>,
        %le3A_254 = arith.cmpf ole, %get3A_253, %bitcast_convert_type3A_61 : vector<16xf32>
        %all_reduce_population_count3A_255 = tpu.all_reduce %le3A_254 {dim = 0 : i64, kind = #tpu.reduction_kind<sum>} : vector<16xi1> -> vector<16xi32>
        %add3A_256 = arith.addi %add3A_249, %all_reduce_population_count3A_255 : vector<16xi32>
        %add3A_257 = arith.constant 96 : i32
        %add3A_258 = arith.addi %mul3A_216, %add3A_257 : i32
        %get3A_259 = arith.index_cast %add3A_258 : i32 to index
        %get3A_260 = tpu.vector_load %arg4[%get3A_259] {strides = array<i32>} : memref<32799xf32, #tpu.memory_space<vmem>>, vector<16xf32>,
        %le3A_261 = arith.cmpf ole, %get3A_260, %bitcast_convert_type3A_61 : vector<16xf32>
        %all_reduce_population_count3A_262 = tpu.all_reduce %le3A_261 {dim = 0 : i64, kind = #tpu.reduction_kind<sum>} : vector<16xi1> -> vector<16xi32>
        %add3A_263 = arith.addi %add3A_256, %all_reduce_population_count3A_262 : vector<16xi32>
        %add3A_264 = arith.constant 112 : i32
        %add3A_265 = arith.addi %mul3A_216, %add3A_264 : i32
        %get3A_266 = arith.index_cast %add3A_265 : i32 to index
        %get3A_267 = tpu.vector_load %arg4[%get3A_266] {strides = array<i32>} : memref<32799xf32, #tpu.memory_space<vmem>>, vector<16xf32>,
        %le3A_268 = arith.cmpf ole, %get3A_267, %bitcast_convert_type3A_61 : vector<16xf32>
        %all_reduce_population_count3A_269 = tpu.all_reduce %le3A_268 {dim = 0 : i64, kind = #tpu.reduction_kind<sum>} : vector<16xi1> -> vector<16xi32>
        %add3A_270 = arith.addi %add3A_263, %all_reduce_population_count3A_269 : vector<16xi32>
        scf.yield %add3A_270 : vector<16xi32>
      }
      %scan3A_67 = arith.constant 256 : i32
      %slice3A_68 = vector.extract_strided_slice %scan3A_66 {offsets = [0], sizes = [1], strides = [1]} : vector<16xi32> to vector<1xi32>
      %squeeze3A_69 = vector.extract %slice3A_68[0] : i32 from vector<1xi32>
      %sub3A_70 = arith.subi %squeeze3A_69, %select_n3A_51 : i32
      %lt3A_71 = arith.cmpi slt, %select_n3A_49, %sub3A_70 : i32
      %broadcast_in_dim3A_72 = vector.broadcast %lt3A_71 : i1 to vector<16xi1>
      %select_n3A_73 = arith.select %broadcast_in_dim3A_72, %min3A, %select_n3A : vector<16xi1>, vector<16xi32>
      %add3A_74 = arith.constant 1 : i32
      %add3A_75 = vector.broadcast %add3A_74 : i32 to vector<16xi32>
      %add3A_76 = arith.addi %min3A, %add3A_75 : vector<16xi32>
      %select_n3A_77 = arith.select %broadcast_in_dim3A_72, %select_n3A_46, %add3A_76 : vector<16xi1>, vector<16xi32>
      %sub3A_78 = arith.subi %select_n3A_49, %sub3A_70 : i32
      %select_n3A_79 = arith.select %lt3A_71, %select_n3A_49, %sub3A_78 : i32
      %select_n3A_80 = arith.select %lt3A_71, %select_n3A_51, %squeeze3A_69 : i32
      %bitcast_convert_type3A_81 = tpu.bitcast %select_n3A_77 : vector<16xi32> -> vector<16xf32>
      %bitcast_convert_type3A_82 = tpu.bitcast %select_n3A_73 : vector<16xi32> -> vector<16xf32>
      %add3A_83 = arith.addf %bitcast_convert_type3A_81, %bitcast_convert_type3A_82 : vector<16xf32>
      %mul3A_84 = arith.constant 5.000000e-01 : f32
      %mul3A_85 = vector.broadcast %mul3A_84 : f32 to vector<16xf32>
      %mul3A_86 = arith.mulf %mul3A_85, %add3A_83 : vector<16xf32>
      %bitcast_convert_type3A_87 = tpu.bitcast %mul3A_86 : vector<16xf32> -> vector<16xi32>
      %max3A_88 = arith.maxsi %bitcast_convert_type3A_87, %select_n3A_77 : vector<16xi32>
      %sub3A_89 = arith.constant 1 : i32
      %sub3A_90 = vector.broadcast %sub3A_89 : i32 to vector<16xi32>
      %sub3A_91 = arith.subi %select_n3A_73, %sub3A_90 : vector<16xi32>
      %min3A_92 = arith.minsi %max3A_88, %sub3A_91 : vector<16xi32>
      %bitcast_convert_type3A_93 = tpu.bitcast %min3A_92 : vector<16xi32> -> vector<16xf32>
      %scan3A_94 = arith.constant 0 : i32
      %scan3A_95 = arith.constant 256 : i32
      %scan3A_96 = arith.addi %scan3A_94, %scan3A_95 : i32
      %scan3A_97 = arith.constant 1 : i32
      %scan3A_98 = scf.for %scan3A_213 = %scan3A_94 to %scan3A_96 step %scan3A_97 iter_args(%scan3A_214 = %broadcast_in_dim3A_1) -> (vector<16xi32>)  : i32 {
        %mul3A_215 = arith.constant 128 : i32
        %mul3A_216 = arith.muli %scan3A_213, %mul3A_215 : i32
        %add3A_217 = arith.constant 0 : i32
        %add3A_218 = arith.addi %mul3A_216, %add3A_217 : i32
        %get3A = arith.index_cast %add3A_218 : i32 to index
        %get3A_219 = tpu.vector_load %arg4[%get3A] {strides = array<i32>} : memref<32799xf32, #tpu.memory_space<vmem>>, vector<16xf32>,
        %le3A_220 = arith.cmpf ole, %get3A_219, %bitcast_convert_type3A_93 : vector<16xf32>
        %all_reduce_population_count3A = tpu.all_reduce %le3A_220 {dim = 0 : i64, kind = #tpu.reduction_kind<sum>} : vector<16xi1> -> vector<16xi32>
        %add3A_221 = arith.addi %scan3A_214, %all_reduce_population_count3A : vector<16xi32>
        %add3A_222 = arith.constant 16 : i32
        %add3A_223 = arith.addi %mul3A_216, %add3A_222 : i32
        %get3A_224 = arith.index_cast %add3A_223 : i32 to index
        %get3A_225 = tpu.vector_load %arg4[%get3A_224] {strides = array<i32>} : memref<32799xf32, #tpu.memory_space<vmem>>, vector<16xf32>,
        %le3A_226 = arith.cmpf ole, %get3A_225, %bitcast_convert_type3A_93 : vector<16xf32>
        %all_reduce_population_count3A_227 = tpu.all_reduce %le3A_226 {dim = 0 : i64, kind = #tpu.reduction_kind<sum>} : vector<16xi1> -> vector<16xi32>
        %add3A_228 = arith.addi %add3A_221, %all_reduce_population_count3A_227 : vector<16xi32>
        %add3A_229 = arith.constant 32 : i32
        %add3A_230 = arith.addi %mul3A_216, %add3A_229 : i32
        %get3A_231 = arith.index_cast %add3A_230 : i32 to index
        %get3A_232 = tpu.vector_load %arg4[%get3A_231] {strides = array<i32>} : memref<32799xf32, #tpu.memory_space<vmem>>, vector<16xf32>,
        %le3A_233 = arith.cmpf ole, %get3A_232, %bitcast_convert_type3A_93 : vector<16xf32>
        %all_reduce_population_count3A_234 = tpu.all_reduce %le3A_233 {dim = 0 : i64, kind = #tpu.reduction_kind<sum>} : vector<16xi1> -> vector<16xi32>
        %add3A_235 = arith.addi %add3A_228, %all_reduce_population_count3A_234 : vector<16xi32>
        %add3A_236 = arith.constant 48 : i32
        %add3A_237 = arith.addi %mul3A_216, %add3A_236 : i32
        %get3A_238 = arith.index_cast %add3A_237 : i32 to index
        %get3A_239 = tpu.vector_load %arg4[%get3A_238] {strides = array<i32>} : memref<32799xf32, #tpu.memory_space<vmem>>, vector<16xf32>,
        %le3A_240 = arith.cmpf ole, %get3A_239, %bitcast_convert_type3A_93 : vector<16xf32>
        %all_reduce_population_count3A_241 = tpu.all_reduce %le3A_240 {dim = 0 : i64, kind = #tpu.reduction_kind<sum>} : vector<16xi1> -> vector<16xi32>
        %add3A_242 = arith.addi %add3A_235, %all_reduce_population_count3A_241 : vector<16xi32>
        %add3A_243 = arith.constant 64 : i32
        %add3A_244 = arith.addi %mul3A_216, %add3A_243 : i32
        %get3A_245 = arith.index_cast %add3A_244 : i32 to index
        %get3A_246 = tpu.vector_load %arg4[%get3A_245] {strides = array<i32>} : memref<32799xf32, #tpu.memory_space<vmem>>, vector<16xf32>,
        %le3A_247 = arith.cmpf ole, %get3A_246, %bitcast_convert_type3A_93 : vector<16xf32>
        %all_reduce_population_count3A_248 = tpu.all_reduce %le3A_247 {dim = 0 : i64, kind = #tpu.reduction_kind<sum>} : vector<16xi1> -> vector<16xi32>
        %add3A_249 = arith.addi %add3A_242, %all_reduce_population_count3A_248 : vector<16xi32>
        %add3A_250 = arith.constant 80 : i32
        %add3A_251 = arith.addi %mul3A_216, %add3A_250 : i32
        %get3A_252 = arith.index_cast %add3A_251 : i32 to index
        %get3A_253 = tpu.vector_load %arg4[%get3A_252] {strides = array<i32>} : memref<32799xf32, #tpu.memory_space<vmem>>, vector<16xf32>,
        %le3A_254 = arith.cmpf ole, %get3A_253, %bitcast_convert_type3A_93 : vector<16xf32>
        %all_reduce_population_count3A_255 = tpu.all_reduce %le3A_254 {dim = 0 : i64, kind = #tpu.reduction_kind<sum>} : vector<16xi1> -> vector<16xi32>
        %add3A_256 = arith.addi %add3A_249, %all_reduce_population_count3A_255 : vector<16xi32>
        %add3A_257 = arith.constant 96 : i32
        %add3A_258 = arith.addi %mul3A_216, %add3A_257 : i32
        %get3A_259 = arith.index_cast %add3A_258 : i32 to index
        %get3A_260 = tpu.vector_load %arg4[%get3A_259] {strides = array<i32>} : memref<32799xf32, #tpu.memory_space<vmem>>, vector<16xf32>,
        %le3A_261 = arith.cmpf ole, %get3A_260, %bitcast_convert_type3A_93 : vector<16xf32>
        %all_reduce_population_count3A_262 = tpu.all_reduce %le3A_261 {dim = 0 : i64, kind = #tpu.reduction_kind<sum>} : vector<16xi1> -> vector<16xi32>
        %add3A_263 = arith.addi %add3A_256, %all_reduce_population_count3A_262 : vector<16xi32>
        %add3A_264 = arith.constant 112 : i32
        %add3A_265 = arith.addi %mul3A_216, %add3A_264 : i32
        %get3A_266 = arith.index_cast %add3A_265 : i32 to index
        %get3A_267 = tpu.vector_load %arg4[%get3A_266] {strides = array<i32>} : memref<32799xf32, #tpu.memory_space<vmem>>, vector<16xf32>,
        %le3A_268 = arith.cmpf ole, %get3A_267, %bitcast_convert_type3A_93 : vector<16xf32>
        %all_reduce_population_count3A_269 = tpu.all_reduce %le3A_268 {dim = 0 : i64, kind = #tpu.reduction_kind<sum>} : vector<16xi1> -> vector<16xi32>
        %add3A_270 = arith.addi %add3A_263, %all_reduce_population_count3A_269 : vector<16xi32>
        scf.yield %add3A_270 : vector<16xi32>
      }
      %scan3A_99 = arith.constant 256 : i32
      %slice3A_100 = vector.extract_strided_slice %scan3A_98 {offsets = [0], sizes = [1], strides = [1]} : vector<16xi32> to vector<1xi32>
      %squeeze3A_101 = vector.extract %slice3A_100[0] : i32 from vector<1xi32>
      %sub3A_102 = arith.subi %squeeze3A_101, %select_n3A_80 : i32
      %lt3A_103 = arith.cmpi slt, %select_n3A_79, %sub3A_102 : i32
      %broadcast_in_dim3A_104 = vector.broadcast %lt3A_103 : i1 to vector<16xi1>
      %select_n3A_105 = arith.select %broadcast_in_dim3A_104, %min3A_92, %select_n3A_73 : vector<16xi1>, vector<16xi32>
      %add3A_106 = arith.constant 1 : i32
      %add3A_107 = vector.broadcast %add3A_106 : i32 to vector<16xi32>
      %add3A_108 = arith.addi %min3A_92, %add3A_107 : vector<16xi32>
      %select_n3A_109 = arith.select %broadcast_in_dim3A_104, %select_n3A_77, %add3A_108 : vector<16xi1>, vector<16xi32>
      %sub3A_110 = arith.subi %select_n3A_79, %sub3A_102 : i32
      %select_n3A_111 = arith.select %lt3A_103, %select_n3A_79, %sub3A_110 : i32
      %select_n3A_112 = arith.select %lt3A_103, %select_n3A_80, %squeeze3A_101 : i32
      %bitcast_convert_type3A_113 = tpu.bitcast %select_n3A_109 : vector<16xi32> -> vector<16xf32>
      %bitcast_convert_type3A_114 = tpu.bitcast %select_n3A_105 : vector<16xi32> -> vector<16xf32>
      %add3A_115 = arith.addf %bitcast_convert_type3A_113, %bitcast_convert_type3A_114 : vector<16xf32>
      %mul3A_116 = arith.constant 5.000000e-01 : f32
      %mul3A_117 = vector.broadcast %mul3A_116 : f32 to vector<16xf32>
      %mul3A_118 = arith.mulf %mul3A_117, %add3A_115 : vector<16xf32>
      %bitcast_convert_type3A_119 = tpu.bitcast %mul3A_118 : vector<16xf32> -> vector<16xi32>
      %max3A_120 = arith.maxsi %bitcast_convert_type3A_119, %select_n3A_109 : vector<16xi32>
      %sub3A_121 = arith.constant 1 : i32
      %sub3A_122 = vector.broadcast %sub3A_121 : i32 to vector<16xi32>
      %sub3A_123 = arith.subi %select_n3A_105, %sub3A_122 : vector<16xi32>
      %min3A_124 = arith.minsi %max3A_120, %sub3A_123 : vector<16xi32>
      %bitcast_convert_type3A_125 = tpu.bitcast %min3A_124 : vector<16xi32> -> vector<16xf32>
      %scan3A_126 = arith.constant 0 : i32
      %scan3A_127 = arith.constant 256 : i32
      %scan3A_128 = arith.addi %scan3A_126, %scan3A_127 : i32
      %scan3A_129 = arith.constant 1 : i32
      %scan3A_130 = scf.for %scan3A_213 = %scan3A_126 to %scan3A_128 step %scan3A_129 iter_args(%scan3A_214 = %broadcast_in_dim3A_1) -> (vector<16xi32>)  : i32 {
        %mul3A_215 = arith.constant 128 : i32
        %mul3A_216 = arith.muli %scan3A_213, %mul3A_215 : i32
        %add3A_217 = arith.constant 0 : i32
        %add3A_218 = arith.addi %mul3A_216, %add3A_217 : i32
        %get3A = arith.index_cast %add3A_218 : i32 to index
        %get3A_219 = tpu.vector_load %arg4[%get3A] {strides = array<i32>} : memref<32799xf32, #tpu.memory_space<vmem>>, vector<16xf32>,
        %le3A_220 = arith.cmpf ole, %get3A_219, %bitcast_convert_type3A_125 : vector<16xf32>
        %all_reduce_population_count3A = tpu.all_reduce %le3A_220 {dim = 0 : i64, kind = #tpu.reduction_kind<sum>} : vector<16xi1> -> vector<16xi32>
        %add3A_221 = arith.addi %scan3A_214, %all_reduce_population_count3A : vector<16xi32>
        %add3A_222 = arith.constant 16 : i32
        %add3A_223 = arith.addi %mul3A_216, %add3A_222 : i32
        %get3A_224 = arith.index_cast %add3A_223 : i32 to index
        %get3A_225 = tpu.vector_load %arg4[%get3A_224] {strides = array<i32>} : memref<32799xf32, #tpu.memory_space<vmem>>, vector<16xf32>,
        %le3A_226 = arith.cmpf ole, %get3A_225, %bitcast_convert_type3A_125 : vector<16xf32>
        %all_reduce_population_count3A_227 = tpu.all_reduce %le3A_226 {dim = 0 : i64, kind = #tpu.reduction_kind<sum>} : vector<16xi1> -> vector<16xi32>
        %add3A_228 = arith.addi %add3A_221, %all_reduce_population_count3A_227 : vector<16xi32>
        %add3A_229 = arith.constant 32 : i32
        %add3A_230 = arith.addi %mul3A_216, %add3A_229 : i32
        %get3A_231 = arith.index_cast %add3A_230 : i32 to index
        %get3A_232 = tpu.vector_load %arg4[%get3A_231] {strides = array<i32>} : memref<32799xf32, #tpu.memory_space<vmem>>, vector<16xf32>,
        %le3A_233 = arith.cmpf ole, %get3A_232, %bitcast_convert_type3A_125 : vector<16xf32>
        %all_reduce_population_count3A_234 = tpu.all_reduce %le3A_233 {dim = 0 : i64, kind = #tpu.reduction_kind<sum>} : vector<16xi1> -> vector<16xi32>
        %add3A_235 = arith.addi %add3A_228, %all_reduce_population_count3A_234 : vector<16xi32>
        %add3A_236 = arith.constant 48 : i32
        %add3A_237 = arith.addi %mul3A_216, %add3A_236 : i32
        %get3A_238 = arith.index_cast %add3A_237 : i32 to index
        %get3A_239 = tpu.vector_load %arg4[%get3A_238] {strides = array<i32>} : memref<32799xf32, #tpu.memory_space<vmem>>, vector<16xf32>,
        %le3A_240 = arith.cmpf ole, %get3A_239, %bitcast_convert_type3A_125 : vector<16xf32>
        %all_reduce_population_count3A_241 = tpu.all_reduce %le3A_240 {dim = 0 : i64, kind = #tpu.reduction_kind<sum>} : vector<16xi1> -> vector<16xi32>
        %add3A_242 = arith.addi %add3A_235, %all_reduce_population_count3A_241 : vector<16xi32>
        %add3A_243 = arith.constant 64 : i32
        %add3A_244 = arith.addi %mul3A_216, %add3A_243 : i32
        %get3A_245 = arith.index_cast %add3A_244 : i32 to index
        %get3A_246 = tpu.vector_load %arg4[%get3A_245] {strides = array<i32>} : memref<32799xf32, #tpu.memory_space<vmem>>, vector<16xf32>,
        %le3A_247 = arith.cmpf ole, %get3A_246, %bitcast_convert_type3A_125 : vector<16xf32>
        %all_reduce_population_count3A_248 = tpu.all_reduce %le3A_247 {dim = 0 : i64, kind = #tpu.reduction_kind<sum>} : vector<16xi1> -> vector<16xi32>
        %add3A_249 = arith.addi %add3A_242, %all_reduce_population_count3A_248 : vector<16xi32>
        %add3A_250 = arith.constant 80 : i32
        %add3A_251 = arith.addi %mul3A_216, %add3A_250 : i32
        %get3A_252 = arith.index_cast %add3A_251 : i32 to index
        %get3A_253 = tpu.vector_load %arg4[%get3A_252] {strides = array<i32>} : memref<32799xf32, #tpu.memory_space<vmem>>, vector<16xf32>,
        %le3A_254 = arith.cmpf ole, %get3A_253, %bitcast_convert_type3A_125 : vector<16xf32>
        %all_reduce_population_count3A_255 = tpu.all_reduce %le3A_254 {dim = 0 : i64, kind = #tpu.reduction_kind<sum>} : vector<16xi1> -> vector<16xi32>
        %add3A_256 = arith.addi %add3A_249, %all_reduce_population_count3A_255 : vector<16xi32>
        %add3A_257 = arith.constant 96 : i32
        %add3A_258 = arith.addi %mul3A_216, %add3A_257 : i32
        %get3A_259 = arith.index_cast %add3A_258 : i32 to index
        %get3A_260 = tpu.vector_load %arg4[%get3A_259] {strides = array<i32>} : memref<32799xf32, #tpu.memory_space<vmem>>, vector<16xf32>,
        %le3A_261 = arith.cmpf ole, %get3A_260, %bitcast_convert_type3A_125 : vector<16xf32>
        %all_reduce_population_count3A_262 = tpu.all_reduce %le3A_261 {dim = 0 : i64, kind = #tpu.reduction_kind<sum>} : vector<16xi1> -> vector<16xi32>
        %add3A_263 = arith.addi %add3A_256, %all_reduce_population_count3A_262 : vector<16xi32>
        %add3A_264 = arith.constant 112 : i32
        %add3A_265 = arith.addi %mul3A_216, %add3A_264 : i32
        %get3A_266 = arith.index_cast %add3A_265 : i32 to index
        %get3A_267 = tpu.vector_load %arg4[%get3A_266] {strides = array<i32>} : memref<32799xf32, #tpu.memory_space<vmem>>, vector<16xf32>,
        %le3A_268 = arith.cmpf ole, %get3A_267, %bitcast_convert_type3A_125 : vector<16xf32>
        %all_reduce_population_count3A_269 = tpu.all_reduce %le3A_268 {dim = 0 : i64, kind = #tpu.reduction_kind<sum>} : vector<16xi1> -> vector<16xi32>
        %add3A_270 = arith.addi %add3A_263, %all_reduce_population_count3A_269 : vector<16xi32>
        scf.yield %add3A_270 : vector<16xi32>
      }
      %scan3A_131 = arith.constant 256 : i32
      %slice3A_132 = vector.extract_strided_slice %scan3A_130 {offsets = [0], sizes = [1], strides = [1]} : vector<16xi32> to vector<1xi32>
      %squeeze3A_133 = vector.extract %slice3A_132[0] : i32 from vector<1xi32>
      %sub3A_134 = arith.subi %squeeze3A_133, %select_n3A_112 : i32
      %lt3A_135 = arith.cmpi slt, %select_n3A_111, %sub3A_134 : i32
      %broadcast_in_dim3A_136 = vector.broadcast %lt3A_135 : i1 to vector<16xi1>
      %select_n3A_137 = arith.select %broadcast_in_dim3A_136, %min3A_124, %select_n3A_105 : vector<16xi1>, vector<16xi32>
      %add3A_138 = arith.constant 1 : i32
      %add3A_139 = vector.broadcast %add3A_138 : i32 to vector<16xi32>
      %add3A_140 = arith.addi %min3A_124, %add3A_139 : vector<16xi32>
      %select_n3A_141 = arith.select %broadcast_in_dim3A_136, %select_n3A_109, %add3A_140 : vector<16xi1>, vector<16xi32>
      %sub3A_142 = arith.subi %select_n3A_111, %sub3A_134 : i32
      %select_n3A_143 = arith.select %lt3A_135, %select_n3A_111, %sub3A_142 : i32
      %select_n3A_144 = arith.select %lt3A_135, %select_n3A_112, %squeeze3A_133 : i32
      %bitcast_convert_type3A_145 = tpu.bitcast %select_n3A_141 : vector<16xi32> -> vector<16xf32>
      %bitcast_convert_type3A_146 = tpu.bitcast %select_n3A_137 : vector<16xi32> -> vector<16xf32>
      %add3A_147 = arith.addf %bitcast_convert_type3A_145, %bitcast_convert_type3A_146 : vector<16xf32>
      %mul3A_148 = arith.constant 5.000000e-01 : f32
      %mul3A_149 = vector.broadcast %mul3A_148 : f32 to vector<16xf32>
      %mul3A_150 = arith.mulf %mul3A_149, %add3A_147 : vector<16xf32>
      %bitcast_convert_type3A_151 = tpu.bitcast %mul3A_150 : vector<16xf32> -> vector<16xi32>
      %max3A_152 = arith.maxsi %bitcast_convert_type3A_151, %select_n3A_141 : vector<16xi32>
      %sub3A_153 = arith.constant 1 : i32
      %sub3A_154 = vector.broadcast %sub3A_153 : i32 to vector<16xi32>
      %sub3A_155 = arith.subi %select_n3A_137, %sub3A_154 : vector<16xi32>
      %min3A_156 = arith.minsi %max3A_152, %sub3A_155 : vector<16xi32>
      %bitcast_convert_type3A_157 = tpu.bitcast %min3A_156 : vector<16xi32> -> vector<16xf32>
      %scan3A_158 = arith.constant 0 : i32
      %scan3A_159 = arith.constant 256 : i32
      %scan3A_160 = arith.addi %scan3A_158, %scan3A_159 : i32
      %scan3A_161 = arith.constant 1 : i32
      %scan3A_162 = scf.for %scan3A_213 = %scan3A_158 to %scan3A_160 step %scan3A_161 iter_args(%scan3A_214 = %broadcast_in_dim3A_1) -> (vector<16xi32>)  : i32 {
        %mul3A_215 = arith.constant 128 : i32
        %mul3A_216 = arith.muli %scan3A_213, %mul3A_215 : i32
        %add3A_217 = arith.constant 0 : i32
        %add3A_218 = arith.addi %mul3A_216, %add3A_217 : i32
        %get3A = arith.index_cast %add3A_218 : i32 to index
        %get3A_219 = tpu.vector_load %arg4[%get3A] {strides = array<i32>} : memref<32799xf32, #tpu.memory_space<vmem>>, vector<16xf32>,
        %le3A_220 = arith.cmpf ole, %get3A_219, %bitcast_convert_type3A_157 : vector<16xf32>
        %all_reduce_population_count3A = tpu.all_reduce %le3A_220 {dim = 0 : i64, kind = #tpu.reduction_kind<sum>} : vector<16xi1> -> vector<16xi32>
        %add3A_221 = arith.addi %scan3A_214, %all_reduce_population_count3A : vector<16xi32>
        %add3A_222 = arith.constant 16 : i32
        %add3A_223 = arith.addi %mul3A_216, %add3A_222 : i32
        %get3A_224 = arith.index_cast %add3A_223 : i32 to index
        %get3A_225 = tpu.vector_load %arg4[%get3A_224] {strides = array<i32>} : memref<32799xf32, #tpu.memory_space<vmem>>, vector<16xf32>,
        %le3A_226 = arith.cmpf ole, %get3A_225, %bitcast_convert_type3A_157 : vector<16xf32>
        %all_reduce_population_count3A_227 = tpu.all_reduce %le3A_226 {dim = 0 : i64, kind = #tpu.reduction_kind<sum>} : vector<16xi1> -> vector<16xi32>
        %add3A_228 = arith.addi %add3A_221, %all_reduce_population_count3A_227 : vector<16xi32>
        %add3A_229 = arith.constant 32 : i32
        %add3A_230 = arith.addi %mul3A_216, %add3A_229 : i32
        %get3A_231 = arith.index_cast %add3A_230 : i32 to index
        %get3A_232 = tpu.vector_load %arg4[%get3A_231] {strides = array<i32>} : memref<32799xf32, #tpu.memory_space<vmem>>, vector<16xf32>,
        %le3A_233 = arith.cmpf ole, %get3A_232, %bitcast_convert_type3A_157 : vector<16xf32>
        %all_reduce_population_count3A_234 = tpu.all_reduce %le3A_233 {dim = 0 : i64, kind = #tpu.reduction_kind<sum>} : vector<16xi1> -> vector<16xi32>
        %add3A_235 = arith.addi %add3A_228, %all_reduce_population_count3A_234 : vector<16xi32>
        %add3A_236 = arith.constant 48 : i32
        %add3A_237 = arith.addi %mul3A_216, %add3A_236 : i32
        %get3A_238 = arith.index_cast %add3A_237 : i32 to index
        %get3A_239 = tpu.vector_load %arg4[%get3A_238] {strides = array<i32>} : memref<32799xf32, #tpu.memory_space<vmem>>, vector<16xf32>,
        %le3A_240 = arith.cmpf ole, %get3A_239, %bitcast_convert_type3A_157 : vector<16xf32>
        %all_reduce_population_count3A_241 = tpu.all_reduce %le3A_240 {dim = 0 : i64, kind = #tpu.reduction_kind<sum>} : vector<16xi1> -> vector<16xi32>
        %add3A_242 = arith.addi %add3A_235, %all_reduce_population_count3A_241 : vector<16xi32>
        %add3A_243 = arith.constant 64 : i32
        %add3A_244 = arith.addi %mul3A_216, %add3A_243 : i32
        %get3A_245 = arith.index_cast %add3A_244 : i32 to index
        %get3A_246 = tpu.vector_load %arg4[%get3A_245] {strides = array<i32>} : memref<32799xf32, #tpu.memory_space<vmem>>, vector<16xf32>,
        %le3A_247 = arith.cmpf ole, %get3A_246, %bitcast_convert_type3A_157 : vector<16xf32>
        %all_reduce_population_count3A_248 = tpu.all_reduce %le3A_247 {dim = 0 : i64, kind = #tpu.reduction_kind<sum>} : vector<16xi1> -> vector<16xi32>
        %add3A_249 = arith.addi %add3A_242, %all_reduce_population_count3A_248 : vector<16xi32>
        %add3A_250 = arith.constant 80 : i32
        %add3A_251 = arith.addi %mul3A_216, %add3A_250 : i32
        %get3A_252 = arith.index_cast %add3A_251 : i32 to index
        %get3A_253 = tpu.vector_load %arg4[%get3A_252] {strides = array<i32>} : memref<32799xf32, #tpu.memory_space<vmem>>, vector<16xf32>,
        %le3A_254 = arith.cmpf ole, %get3A_253, %bitcast_convert_type3A_157 : vector<16xf32>
        %all_reduce_population_count3A_255 = tpu.all_reduce %le3A_254 {dim = 0 : i64, kind = #tpu.reduction_kind<sum>} : vector<16xi1> -> vector<16xi32>
        %add3A_256 = arith.addi %add3A_249, %all_reduce_population_count3A_255 : vector<16xi32>
        %add3A_257 = arith.constant 96 : i32
        %add3A_258 = arith.addi %mul3A_216, %add3A_257 : i32
        %get3A_259 = arith.index_cast %add3A_258 : i32 to index
        %get3A_260 = tpu.vector_load %arg4[%get3A_259] {strides = array<i32>} : memref<32799xf32, #tpu.memory_space<vmem>>, vector<16xf32>,
        %le3A_261 = arith.cmpf ole, %get3A_260, %bitcast_convert_type3A_157 : vector<16xf32>
        %all_reduce_population_count3A_262 = tpu.all_reduce %le3A_261 {dim = 0 : i64, kind = #tpu.reduction_kind<sum>} : vector<16xi1> -> vector<16xi32>
        %add3A_263 = arith.addi %add3A_256, %all_reduce_population_count3A_262 : vector<16xi32>
        %add3A_264 = arith.constant 112 : i32
        %add3A_265 = arith.addi %mul3A_216, %add3A_264 : i32
        %get3A_266 = arith.index_cast %add3A_265 : i32 to index
        %get3A_267 = tpu.vector_load %arg4[%get3A_266] {strides = array<i32>} : memref<32799xf32, #tpu.memory_space<vmem>>, vector<16xf32>,
        %le3A_268 = arith.cmpf ole, %get3A_267, %bitcast_convert_type3A_157 : vector<16xf32>
        %all_reduce_population_count3A_269 = tpu.all_reduce %le3A_268 {dim = 0 : i64, kind = #tpu.reduction_kind<sum>} : vector<16xi1> -> vector<16xi32>
        %add3A_270 = arith.addi %add3A_263, %all_reduce_population_count3A_269 : vector<16xi32>
        scf.yield %add3A_270 : vector<16xi32>
      }
      %scan3A_163 = arith.constant 256 : i32
      %slice3A_164 = vector.extract_strided_slice %scan3A_162 {offsets = [0], sizes = [1], strides = [1]} : vector<16xi32> to vector<1xi32>
      %squeeze3A_165 = vector.extract %slice3A_164[0] : i32 from vector<1xi32>
      %sub3A_166 = arith.subi %squeeze3A_165, %select_n3A_144 : i32
      %lt3A_167 = arith.cmpi slt, %select_n3A_143, %sub3A_166 : i32
      %broadcast_in_dim3A_168 = vector.broadcast %lt3A_167 : i1 to vector<16xi1>
      %select_n3A_169 = arith.select %broadcast_in_dim3A_168, %min3A_156, %select_n3A_137 : vector<16xi1>, vector<16xi32>
      %add3A_170 = arith.constant 1 : i32
      %add3A_171 = vector.broadcast %add3A_170 : i32 to vector<16xi32>
      %add3A_172 = arith.addi %min3A_156, %add3A_171 : vector<16xi32>
      %select_n3A_173 = arith.select %broadcast_in_dim3A_168, %select_n3A_141, %add3A_172 : vector<16xi1>, vector<16xi32>
      %sub3A_174 = arith.subi %select_n3A_143, %sub3A_166 : i32
      %select_n3A_175 = arith.select %lt3A_167, %select_n3A_143, %sub3A_174 : i32
      %select_n3A_176 = arith.select %lt3A_167, %select_n3A_144, %squeeze3A_165 : i32
      %bitcast_convert_type3A_177 = tpu.bitcast %select_n3A_173 : vector<16xi32> -> vector<16xf32>
      %bitcast_convert_type3A_178 = tpu.bitcast %select_n3A_169 : vector<16xi32> -> vector<16xf32>
      %scan3A_179 = arith.constant 0 : i32
      %scan3A_180 = arith.constant 256 : i32
      %scan3A_181 = arith.addi %scan3A_179, %scan3A_180 : i32
      %scan3A_182 = arith.constant 1 : i32
      %scan3A_183 = scf.for %scan3A_213 = %scan3A_179 to %scan3A_181 step %scan3A_182 iter_args(%scan3A_214 = %mul3A_6) -> (vector<16xi32>)  : i32 {
        %mul3A_215 = arith.constant 128 : i32
        %mul3A_216 = arith.muli %scan3A_213, %mul3A_215 : i32
        %add3A_217 = arith.constant 0 : i32
        %add3A_218 = arith.addi %mul3A_216, %add3A_217 : i32
        %get3A = arith.index_cast %add3A_218 : i32 to index
        %get3A_219 = tpu.vector_load %arg4[%get3A] {strides = array<i32>} : memref<32799xf32, #tpu.memory_space<vmem>>, vector<16xf32>,
        %ge3A = arith.cmpf oge, %get3A_219, %bitcast_convert_type3A_177 : vector<16xf32>
        %le3A_220 = arith.cmpf ole, %get3A_219, %bitcast_convert_type3A_178 : vector<16xf32>
        %and3A = arith.andi %ge3A, %le3A_220 : vector<16xi1>
        tpu.vector_store_idx %arg5[%scan3A_214], %get3A_219 masked %and3A : memref<32799xf32, #tpu.memory_space<vmem>>[vector<16xi32>], vector<16xf32>, vector<16xi1>
        %select_n3A_221 = arith.select %and3A, %broadcast_in_dim3A_3, %broadcast_in_dim3A_1 : vector<16xi1>, vector<16xi32>
        %add3A_222 = arith.addi %scan3A_214, %select_n3A_221 : vector<16xi32>
        %add3A_223 = arith.constant 16 : i32
        %add3A_224 = arith.addi %mul3A_216, %add3A_223 : i32
        %get3A_225 = arith.index_cast %add3A_224 : i32 to index
        %get3A_226 = tpu.vector_load %arg4[%get3A_225] {strides = array<i32>} : memref<32799xf32, #tpu.memory_space<vmem>>, vector<16xf32>,
        %ge3A_227 = arith.cmpf oge, %get3A_226, %bitcast_convert_type3A_177 : vector<16xf32>
        %le3A_228 = arith.cmpf ole, %get3A_226, %bitcast_convert_type3A_178 : vector<16xf32>
        %and3A_229 = arith.andi %ge3A_227, %le3A_228 : vector<16xi1>
        tpu.vector_store_idx %arg5[%add3A_222], %get3A_226 masked %and3A_229 : memref<32799xf32, #tpu.memory_space<vmem>>[vector<16xi32>], vector<16xf32>, vector<16xi1>
        %select_n3A_230 = arith.select %and3A_229, %broadcast_in_dim3A_3, %broadcast_in_dim3A_1 : vector<16xi1>, vector<16xi32>
        %add3A_231 = arith.addi %add3A_222, %select_n3A_230 : vector<16xi32>
        %add3A_232 = arith.constant 32 : i32
        %add3A_233 = arith.addi %mul3A_216, %add3A_232 : i32
        %get3A_234 = arith.index_cast %add3A_233 : i32 to index
        %get3A_235 = tpu.vector_load %arg4[%get3A_234] {strides = array<i32>} : memref<32799xf32, #tpu.memory_space<vmem>>, vector<16xf32>,
        %ge3A_236 = arith.cmpf oge, %get3A_235, %bitcast_convert_type3A_177 : vector<16xf32>
        %le3A_237 = arith.cmpf ole, %get3A_235, %bitcast_convert_type3A_178 : vector<16xf32>
        %and3A_238 = arith.andi %ge3A_236, %le3A_237 : vector<16xi1>
        tpu.vector_store_idx %arg5[%add3A_231], %get3A_235 masked %and3A_238 : memref<32799xf32, #tpu.memory_space<vmem>>[vector<16xi32>], vector<16xf32>, vector<16xi1>
        %select_n3A_239 = arith.select %and3A_238, %broadcast_in_dim3A_3, %broadcast_in_dim3A_1 : vector<16xi1>, vector<16xi32>
        %add3A_240 = arith.addi %add3A_231, %select_n3A_239 : vector<16xi32>
        %add3A_241 = arith.constant 48 : i32
        %add3A_242 = arith.addi %mul3A_216, %add3A_241 : i32
        %get3A_243 = arith.index_cast %add3A_242 : i32 to index
        %get3A_244 = tpu.vector_load %arg4[%get3A_243] {strides = array<i32>} : memref<32799xf32, #tpu.memory_space<vmem>>, vector<16xf32>,
        %ge3A_245 = arith.cmpf oge, %get3A_244, %bitcast_convert_type3A_177 : vector<16xf32>
        %le3A_246 = arith.cmpf ole, %get3A_244, %bitcast_convert_type3A_178 : vector<16xf32>
        %and3A_247 = arith.andi %ge3A_245, %le3A_246 : vector<16xi1>
        tpu.vector_store_idx %arg5[%add3A_240], %get3A_244 masked %and3A_247 : memref<32799xf32, #tpu.memory_space<vmem>>[vector<16xi32>], vector<16xf32>, vector<16xi1>
        %select_n3A_248 = arith.select %and3A_247, %broadcast_in_dim3A_3, %broadcast_in_dim3A_1 : vector<16xi1>, vector<16xi32>
        %add3A_249 = arith.addi %add3A_240, %select_n3A_248 : vector<16xi32>
        %add3A_250 = arith.constant 64 : i32
        %add3A_251 = arith.addi %mul3A_216, %add3A_250 : i32
        %get3A_252 = arith.index_cast %add3A_251 : i32 to index
        %get3A_253 = tpu.vector_load %arg4[%get3A_252] {strides = array<i32>} : memref<32799xf32, #tpu.memory_space<vmem>>, vector<16xf32>,
        %ge3A_254 = arith.cmpf oge, %get3A_253, %bitcast_convert_type3A_177 : vector<16xf32>
        %le3A_255 = arith.cmpf ole, %get3A_253, %bitcast_convert_type3A_178 : vector<16xf32>
        %and3A_256 = arith.andi %ge3A_254, %le3A_255 : vector<16xi1>
        tpu.vector_store_idx %arg5[%add3A_249], %get3A_253 masked %and3A_256 : memref<32799xf32, #tpu.memory_space<vmem>>[vector<16xi32>], vector<16xf32>, vector<16xi1>
        %select_n3A_257 = arith.select %and3A_256, %broadcast_in_dim3A_3, %broadcast_in_dim3A_1 : vector<16xi1>, vector<16xi32>
        %add3A_258 = arith.addi %add3A_249, %select_n3A_257 : vector<16xi32>
        %add3A_259 = arith.constant 80 : i32
        %add3A_260 = arith.addi %mul3A_216, %add3A_259 : i32
        %get3A_261 = arith.index_cast %add3A_260 : i32 to index
        %get3A_262 = tpu.vector_load %arg4[%get3A_261] {strides = array<i32>} : memref<32799xf32, #tpu.memory_space<vmem>>, vector<16xf32>,
        %ge3A_263 = arith.cmpf oge, %get3A_262, %bitcast_convert_type3A_177 : vector<16xf32>
        %le3A_264 = arith.cmpf ole, %get3A_262, %bitcast_convert_type3A_178 : vector<16xf32>
        %and3A_265 = arith.andi %ge3A_263, %le3A_264 : vector<16xi1>
        tpu.vector_store_idx %arg5[%add3A_258], %get3A_262 masked %and3A_265 : memref<32799xf32, #tpu.memory_space<vmem>>[vector<16xi32>], vector<16xf32>, vector<16xi1>
        %select_n3A_266 = arith.select %and3A_265, %broadcast_in_dim3A_3, %broadcast_in_dim3A_1 : vector<16xi1>, vector<16xi32>
        %add3A_267 = arith.addi %add3A_258, %select_n3A_266 : vector<16xi32>
        %add3A_268 = arith.constant 96 : i32
        %add3A_269 = arith.addi %mul3A_216, %add3A_268 : i32
        %get3A_270 = arith.index_cast %add3A_269 : i32 to index
        %get3A_271 = tpu.vector_load %arg4[%get3A_270] {strides = array<i32>} : memref<32799xf32, #tpu.memory_space<vmem>>, vector<16xf32>,
        %ge3A_272 = arith.cmpf oge, %get3A_271, %bitcast_convert_type3A_177 : vector<16xf32>
        %le3A_273 = arith.cmpf ole, %get3A_271, %bitcast_convert_type3A_178 : vector<16xf32>
        %and3A_274 = arith.andi %ge3A_272, %le3A_273 : vector<16xi1>
        tpu.vector_store_idx %arg5[%add3A_267], %get3A_271 masked %and3A_274 : memref<32799xf32, #tpu.memory_space<vmem>>[vector<16xi32>], vector<16xf32>, vector<16xi1>
        %select_n3A_275 = arith.select %and3A_274, %broadcast_in_dim3A_3, %broadcast_in_dim3A_1 : vector<16xi1>, vector<16xi32>
        %add3A_276 = arith.addi %add3A_267, %select_n3A_275 : vector<16xi32>
        %add3A_277 = arith.constant 112 : i32
        %add3A_278 = arith.addi %mul3A_216, %add3A_277 : i32
        %get3A_279 = arith.index_cast %add3A_278 : i32 to index
        %get3A_280 = tpu.vector_load %arg4[%get3A_279] {strides = array<i32>} : memref<32799xf32, #tpu.memory_space<vmem>>, vector<16xf32>,
        %ge3A_281 = arith.cmpf oge, %get3A_280, %bitcast_convert_type3A_177 : vector<16xf32>
        %le3A_282 = arith.cmpf ole, %get3A_280, %bitcast_convert_type3A_178 : vector<16xf32>
        %and3A_283 = arith.andi %ge3A_281, %le3A_282 : vector<16xi1>
        tpu.vector_store_idx %arg5[%add3A_276], %get3A_280 masked %and3A_283 : memref<32799xf32, #tpu.memory_space<vmem>>[vector<16xi32>], vector<16xf32>, vector<16xi1>
        %select_n3A_284 = arith.select %and3A_283, %broadcast_in_dim3A_3, %broadcast_in_dim3A_1 : vector<16xi1>, vector<16xi32>
        %add3A_285 = arith.addi %add3A_276, %select_n3A_284 : vector<16xi32>
        scf.yield %add3A_285 : vector<16xi32>
      }
      %scan3A_184 = arith.constant 256 : i32
      %sub3A_185 = arith.subi %scan3A_183, %mul3A_6 : vector<16xi32>
      %broadcast_in_dim3A_186 = arith.constant true
      %broadcast_in_dim3A_187 = vector.broadcast %broadcast_in_dim3A_186 : i1 to vector<16xi1>
      %masked_cumsum3A_188 = tpu.scan <sum>, %sub3A_185 masked %broadcast_in_dim3A_187 : vector<16xi32>, vector<16xi1> -> vector<16xi32>
      %slice3A_189 = vector.extract_strided_slice %masked_cumsum3A_188 {offsets = [15], sizes = [1], strides = [1]} : vector<16xi32> to vector<1xi32>
      %squeeze3A_190 = vector.extract %slice3A_189[0] : i32 from vector<1xi32>
      %while3A = arith.constant 1 : i32
      %while3A_191 = arith.constant 0 : i32
      %while3A_192:7 = scf.while (%while3A_213 = %while3A, %while3A_214 = %sub3A_185, %while3A_215 = %squeeze3A_190, %while3A_216 = %select_n3A_175, %while3A_217 = %while3A_191, %while3A_218 = %select_n3A_173, %while3A_219 = %select_n3A_169) : (i32, vector<16xi32>, i32, i32, i32, vector<16xi32>, vector<16xi32>) -> (i32, vector<16xi32>, i32, i32, i32, vector<16xi32>, vector<16xi32>) {
        %gt3A_220 = arith.constant 16 : i32
        %gt3A_221 = arith.cmpi sgt, %while3A_215, %gt3A_220 : i32
        %slice3A_222 = vector.extract_strided_slice %while3A_218 {offsets = [0], sizes = [1], strides = [1]} : vector<16xi32> to vector<1xi32>
        %squeeze3A_223 = vector.extract %slice3A_222[0] : i32 from vector<1xi32>
        %slice3A_224 = vector.extract_strided_slice %while3A_219 {offsets = [0], sizes = [1], strides = [1]} : vector<16xi32> to vector<1xi32>
        %squeeze3A_225 = vector.extract %slice3A_224[0] : i32 from vector<1xi32>
        %lt3A_226 = arith.cmpi slt, %squeeze3A_223, %squeeze3A_225 : i32
        %and3A = arith.andi %gt3A_221, %lt3A_226 : i1
        %lt3A_227 = arith.constant 64 : i32
        %lt3A_228 = arith.cmpi slt, %while3A_217, %lt3A_227 : i32
        %and3A_229 = arith.andi %and3A, %lt3A_228 : i1
        scf.condition(%and3A_229) %while3A_213, %while3A_214, %while3A_215, %while3A_216, %while3A_217, %while3A_218, %while3A_219 : i32, vector<16xi32>, i32, i32, i32, vector<16xi32>, vector<16xi32>
      } do {
      ^bb0(%while3A_213: i32, %while3A_214: vector<16xi32>, %while3A_215: i32, %while3A_216: i32, %while3A_217: i32, %while3A_218: vector<16xi32>, %while3A_219: vector<16xi32>):
        %bitcast_convert_type3A_220 = tpu.bitcast %while3A_218 : vector<16xi32> -> vector<16xf32>
        %bitcast_convert_type3A_221 = tpu.bitcast %while3A_219 : vector<16xi32> -> vector<16xf32>
        %add3A_222 = arith.addf %bitcast_convert_type3A_220, %bitcast_convert_type3A_221 : vector<16xf32>
        %mul3A_223 = arith.constant 5.000000e-01 : f32
        %mul3A_224 = vector.broadcast %mul3A_223 : f32 to vector<16xf32>
        %mul3A_225 = arith.mulf %mul3A_224, %add3A_222 : vector<16xf32>
        %bitcast_convert_type3A_226 = tpu.bitcast %mul3A_225 : vector<16xf32> -> vector<16xi32>
        %max3A_227 = arith.maxsi %bitcast_convert_type3A_226, %while3A_218 : vector<16xi32>
        %sub3A_228 = arith.constant 1 : i32
        %sub3A_229 = vector.broadcast %sub3A_228 : i32 to vector<16xi32>
        %sub3A_230 = arith.subi %while3A_219, %sub3A_229 : vector<16xi32>
        %min3A_231 = arith.minsi %max3A_227, %sub3A_230 : vector<16xi32>
        %bitcast_convert_type3A_232 = tpu.bitcast %min3A_231 : vector<16xi32> -> vector<16xf32>
        %eq3A_233 = arith.constant 0 : i32
        %eq3A_234 = arith.cmpi eq, %while3A_213, %eq3A_233 : i32
        %convert_element_type3A_235 = arith.extui %eq3A_234 : i1 to i32
        %cond3A_236 = arith.constant 0 : i32
        %cond3A_237 = arith.cmpi ne, %convert_element_type3A_235, %cond3A_236 : i32
        %cond3A_238:2 = scf.if %cond3A_237 -> (vector<16xi32>, vector<16xi32>) {
          %broadcast_in_dim3A_269 = arith.constant true
          %broadcast_in_dim3A_270 = vector.broadcast %broadcast_in_dim3A_269 : i1 to vector<16xi1>
          %masked_cummax3A = arith.constant -2147483648 : i32
          %masked_cummax3A_271 = vector.broadcast %masked_cummax3A : i32 to vector<16xi32>
          %masked_cummax3A_272 = arith.xori %while3A_214, %masked_cummax3A_271 : vector<16xi32>
          %masked_cummax3A_273 = tpu.scan <max>, %masked_cummax3A_272 masked %broadcast_in_dim3A_270 : vector<16xi32>, vector<16xi1> -> vector<16xi32>
          %masked_cummax3A_274 = arith.xori %masked_cummax3A_273, %masked_cummax3A_271 : vector<16xi32>
          %slice3A_275 = vector.extract_strided_slice %masked_cummax3A_274 {offsets = [15], sizes = [1], strides = [1]} : vector<16xi32> to vector<1xi32>
          %squeeze3A_276 = vector.extract %slice3A_275[0] : i32 from vector<1xi32>
          %add3A_277 = arith.constant 7 : i32
          %add3A_278 = arith.addi %squeeze3A_276, %add3A_277 : i32
          %jit3A_279 = arith.constant 8 : i32
          %div3A = arith.divsi %add3A_278, %jit3A_279 : i32
          %sign3A = arith.constant 0 : i32
          %sign3A_280 = arith.cmpi sgt, %add3A_278, %sign3A : i32
          %sign3A_281 = arith.extui %sign3A_280 : i1 to i32
          %sign3A_282 = arith.constant 0 : i32
          %sign3A_283 = arith.cmpi slt, %add3A_278, %sign3A_282 : i32
          %sign3A_284 = arith.extui %sign3A_283 : i1 to i32
          %sign3A_285 = arith.subi %sign3A_281, %sign3A_284 : i32
          %sign3A_286 = arith.constant 0 : i32
          %sign3A_287 = arith.cmpi sgt, %jit3A_279, %sign3A_286 : i32
          %sign3A_288 = arith.extui %sign3A_287 : i1 to i32
          %sign3A_289 = arith.constant 0 : i32
          %sign3A_290 = arith.cmpi slt, %jit3A_279, %sign3A_289 : i32
          %sign3A_291 = arith.extui %sign3A_290 : i1 to i32
          %sign3A_292 = arith.subi %sign3A_288, %sign3A_291 : i32
          %ne3A = arith.cmpi ne, %sign3A_285, %sign3A_292 : i32
          %rem3A = arith.remsi %add3A_278, %jit3A_279 : i32
          %ne3A_293 = arith.constant 0 : i32
          %ne3A_294 = arith.cmpi ne, %rem3A, %ne3A_293 : i32
          %and3A = arith.andi %ne3A, %ne3A_294 : i1
          %sub3A_295 = arith.constant 1 : i32
          %sub3A_296 = arith.subi %div3A, %sub3A_295 : i32
          %select_n3A_297 = arith.select %and3A, %sub3A_296, %div3A : i32
          %while3A_298 = arith.constant 0 : i32
          %while3A_299 = arith.subi %select_n3A_297, %while3A_298 : i32
          %while3A_300 = arith.addi %while3A_298, %while3A_299 : i32
          %while3A_301 = arith.constant 1 : i32
          %while3A_302 = arith.divsi %while3A_299, %while3A_301 : i32
          %while3A_303 = arith.muli %while3A_302, %while3A_301 : i32
          %while3A_304 = arith.addi %while3A_298, %while3A_303 : i32
          %while3A_305 = arith.constant 1 : i32
          %while3A_306:2 = scf.for %while3A_311 = %while3A_298 to %while3A_304 step %while3A_305 iter_args(%while3A_312 = %mul3A_6, %while3A_313 = %mul3A_6) -> (vector<16xi32>, vector<16xi32>)  : i32 {
            %mul3A_314 = arith.constant 8 : i32
            %mul3A_315 = arith.muli %while3A_311, %mul3A_314 : i32
            %add3A_316 = arith.constant 0 : i32
            %add3A_317 = arith.addi %mul3A_315, %add3A_316 : i32
            %add3A_318 = vector.broadcast %add3A_317 : i32 to vector<16xi32>
            %add3A_319 = arith.addi %mul3A_6, %add3A_318 : vector<16xi32>
            %gather3A = tpu.vector_load_idx %arg4[%add3A_319] : memref<32799xf32, #tpu.memory_space<vmem>>[vector<16xi32>], vector<16xf32>,
            %gt3A_320 = vector.broadcast %add3A_317 : i32 to vector<16xi32>
            %gt3A_321 = arith.cmpi sgt, %while3A_214, %gt3A_320 : vector<16xi32>
            %le3A_322 = arith.cmpf ole, %gather3A, %bitcast_convert_type3A_232 : vector<16xf32>
            %and3A_323 = arith.andi %le3A_322, %gt3A_321 : vector<16xi1>
            %not3A = arith.constant dense<true> : vector<16xi1>
            %not3A_324 = arith.xori %le3A_322, %not3A : vector<16xi1>
            %and3A_325 = arith.andi %not3A_324, %gt3A_321 : vector<16xi1>
            tpu.vector_store_idx %arg5[%while3A_312], %gather3A masked %and3A_323 : memref<32799xf32, #tpu.memory_space<vmem>>[vector<16xi32>], vector<16xf32>, vector<16xi1>
            tpu.vector_store_idx %arg6[%while3A_313], %gather3A masked %and3A_325 : memref<32799xf32, #tpu.memory_space<vmem>>[vector<16xi32>], vector<16xf32>, vector<16xi1>
            %select_n3A_326 = arith.select %and3A_323, %broadcast_in_dim3A_3, %broadcast_in_dim3A_1 : vector<16xi1>, vector<16xi32>
            %add3A_327 = arith.addi %while3A_312, %select_n3A_326 : vector<16xi32>
            %select_n3A_328 = arith.select %and3A_325, %broadcast_in_dim3A_3, %broadcast_in_dim3A_1 : vector<16xi1>, vector<16xi32>
            %add3A_329 = arith.addi %while3A_313, %select_n3A_328 : vector<16xi32>
            %mul3A_330 = arith.constant 8 : i32
            %mul3A_331 = arith.muli %while3A_311, %mul3A_330 : i32
            %add3A_332 = arith.constant 1 : i32
            %add3A_333 = arith.addi %mul3A_331, %add3A_332 : i32
            %add3A_334 = vector.broadcast %add3A_333 : i32 to vector<16xi32>
            %add3A_335 = arith.addi %mul3A_6, %add3A_334 : vector<16xi32>
            %gather3A_336 = tpu.vector_load_idx %arg4[%add3A_335] : memref<32799xf32, #tpu.memory_space<vmem>>[vector<16xi32>], vector<16xf32>,
            %gt3A_337 = vector.broadcast %add3A_333 : i32 to vector<16xi32>
            %gt3A_338 = arith.cmpi sgt, %while3A_214, %gt3A_337 : vector<16xi32>
            %le3A_339 = arith.cmpf ole, %gather3A_336, %bitcast_convert_type3A_232 : vector<16xf32>
            %and3A_340 = arith.andi %le3A_339, %gt3A_338 : vector<16xi1>
            %not3A_341 = arith.constant dense<true> : vector<16xi1>
            %not3A_342 = arith.xori %le3A_339, %not3A_341 : vector<16xi1>
            %and3A_343 = arith.andi %not3A_342, %gt3A_338 : vector<16xi1>
            tpu.vector_store_idx %arg5[%add3A_327], %gather3A_336 masked %and3A_340 : memref<32799xf32, #tpu.memory_space<vmem>>[vector<16xi32>], vector<16xf32>, vector<16xi1>
            tpu.vector_store_idx %arg6[%add3A_329], %gather3A_336 masked %and3A_343 : memref<32799xf32, #tpu.memory_space<vmem>>[vector<16xi32>], vector<16xf32>, vector<16xi1>
            %select_n3A_344 = arith.select %and3A_340, %broadcast_in_dim3A_3, %broadcast_in_dim3A_1 : vector<16xi1>, vector<16xi32>
            %add3A_345 = arith.addi %add3A_327, %select_n3A_344 : vector<16xi32>
            %select_n3A_346 = arith.select %and3A_343, %broadcast_in_dim3A_3, %broadcast_in_dim3A_1 : vector<16xi1>, vector<16xi32>
            %add3A_347 = arith.addi %add3A_329, %select_n3A_346 : vector<16xi32>
            %mul3A_348 = arith.constant 8 : i32
            %mul3A_349 = arith.muli %while3A_311, %mul3A_348 : i32
            %add3A_350 = arith.constant 2 : i32
            %add3A_351 = arith.addi %mul3A_349, %add3A_350 : i32
            %add3A_352 = vector.broadcast %add3A_351 : i32 to vector<16xi32>
            %add3A_353 = arith.addi %mul3A_6, %add3A_352 : vector<16xi32>
            %gather3A_354 = tpu.vector_load_idx %arg4[%add3A_353] : memref<32799xf32, #tpu.memory_space<vmem>>[vector<16xi32>], vector<16xf32>,
            %gt3A_355 = vector.broadcast %add3A_351 : i32 to vector<16xi32>
            %gt3A_356 = arith.cmpi sgt, %while3A_214, %gt3A_355 : vector<16xi32>
            %le3A_357 = arith.cmpf ole, %gather3A_354, %bitcast_convert_type3A_232 : vector<16xf32>
            %and3A_358 = arith.andi %le3A_357, %gt3A_356 : vector<16xi1>
            %not3A_359 = arith.constant dense<true> : vector<16xi1>
            %not3A_360 = arith.xori %le3A_357, %not3A_359 : vector<16xi1>
            %and3A_361 = arith.andi %not3A_360, %gt3A_356 : vector<16xi1>
            tpu.vector_store_idx %arg5[%add3A_345], %gather3A_354 masked %and3A_358 : memref<32799xf32, #tpu.memory_space<vmem>>[vector<16xi32>], vector<16xf32>, vector<16xi1>
            tpu.vector_store_idx %arg6[%add3A_347], %gather3A_354 masked %and3A_361 : memref<32799xf32, #tpu.memory_space<vmem>>[vector<16xi32>], vector<16xf32>, vector<16xi1>
            %select_n3A_362 = arith.select %and3A_358, %broadcast_in_dim3A_3, %broadcast_in_dim3A_1 : vector<16xi1>, vector<16xi32>
            %add3A_363 = arith.addi %add3A_345, %select_n3A_362 : vector<16xi32>
            %select_n3A_364 = arith.select %and3A_361, %broadcast_in_dim3A_3, %broadcast_in_dim3A_1 : vector<16xi1>, vector<16xi32>
            %add3A_365 = arith.addi %add3A_347, %select_n3A_364 : vector<16xi32>
            %mul3A_366 = arith.constant 8 : i32
            %mul3A_367 = arith.muli %while3A_311, %mul3A_366 : i32
            %add3A_368 = arith.constant 3 : i32
            %add3A_369 = arith.addi %mul3A_367, %add3A_368 : i32
            %add3A_370 = vector.broadcast %add3A_369 : i32 to vector<16xi32>
            %add3A_371 = arith.addi %mul3A_6, %add3A_370 : vector<16xi32>
            %gather3A_372 = tpu.vector_load_idx %arg4[%add3A_371] : memref<32799xf32, #tpu.memory_space<vmem>>[vector<16xi32>], vector<16xf32>,
            %gt3A_373 = vector.broadcast %add3A_369 : i32 to vector<16xi32>
            %gt3A_374 = arith.cmpi sgt, %while3A_214, %gt3A_373 : vector<16xi32>
            %le3A_375 = arith.cmpf ole, %gather3A_372, %bitcast_convert_type3A_232 : vector<16xf32>
            %and3A_376 = arith.andi %le3A_375, %gt3A_374 : vector<16xi1>
            %not3A_377 = arith.constant dense<true> : vector<16xi1>
            %not3A_378 = arith.xori %le3A_375, %not3A_377 : vector<16xi1>
            %and3A_379 = arith.andi %not3A_378, %gt3A_374 : vector<16xi1>
            tpu.vector_store_idx %arg5[%add3A_363], %gather3A_372 masked %and3A_376 : memref<32799xf32, #tpu.memory_space<vmem>>[vector<16xi32>], vector<16xf32>, vector<16xi1>
            tpu.vector_store_idx %arg6[%add3A_365], %gather3A_372 masked %and3A_379 : memref<32799xf32, #tpu.memory_space<vmem>>[vector<16xi32>], vector<16xf32>, vector<16xi1>
            %select_n3A_380 = arith.select %and3A_376, %broadcast_in_dim3A_3, %broadcast_in_dim3A_1 : vector<16xi1>, vector<16xi32>
            %add3A_381 = arith.addi %add3A_363, %select_n3A_380 : vector<16xi32>
            %select_n3A_382 = arith.select %and3A_379, %broadcast_in_dim3A_3, %broadcast_in_dim3A_1 : vector<16xi1>, vector<16xi32>
            %add3A_383 = arith.addi %add3A_365, %select_n3A_382 : vector<16xi32>
            %mul3A_384 = arith.constant 8 : i32
            %mul3A_385 = arith.muli %while3A_311, %mul3A_384 : i32
            %add3A_386 = arith.constant 4 : i32
            %add3A_387 = arith.addi %mul3A_385, %add3A_386 : i32
            %add3A_388 = vector.broadcast %add3A_387 : i32 to vector<16xi32>
            %add3A_389 = arith.addi %mul3A_6, %add3A_388 : vector<16xi32>
            %gather3A_390 = tpu.vector_load_idx %arg4[%add3A_389] : memref<32799xf32, #tpu.memory_space<vmem>>[vector<16xi32>], vector<16xf32>,
            %gt3A_391 = vector.broadcast %add3A_387 : i32 to vector<16xi32>
            %gt3A_392 = arith.cmpi sgt, %while3A_214, %gt3A_391 : vector<16xi32>
            %le3A_393 = arith.cmpf ole, %gather3A_390, %bitcast_convert_type3A_232 : vector<16xf32>
            %and3A_394 = arith.andi %le3A_393, %gt3A_392 : vector<16xi1>
            %not3A_395 = arith.constant dense<true> : vector<16xi1>
            %not3A_396 = arith.xori %le3A_393, %not3A_395 : vector<16xi1>
            %and3A_397 = arith.andi %not3A_396, %gt3A_392 : vector<16xi1>
            tpu.vector_store_idx %arg5[%add3A_381], %gather3A_390 masked %and3A_394 : memref<32799xf32, #tpu.memory_space<vmem>>[vector<16xi32>], vector<16xf32>, vector<16xi1>
            tpu.vector_store_idx %arg6[%add3A_383], %gather3A_390 masked %and3A_397 : memref<32799xf32, #tpu.memory_space<vmem>>[vector<16xi32>], vector<16xf32>, vector<16xi1>
            %select_n3A_398 = arith.select %and3A_394, %broadcast_in_dim3A_3, %broadcast_in_dim3A_1 : vector<16xi1>, vector<16xi32>
            %add3A_399 = arith.addi %add3A_381, %select_n3A_398 : vector<16xi32>
            %select_n3A_400 = arith.select %and3A_397, %broadcast_in_dim3A_3, %broadcast_in_dim3A_1 : vector<16xi1>, vector<16xi32>
            %add3A_401 = arith.addi %add3A_383, %select_n3A_400 : vector<16xi32>
            %mul3A_402 = arith.constant 8 : i32
            %mul3A_403 = arith.muli %while3A_311, %mul3A_402 : i32
            %add3A_404 = arith.constant 5 : i32
            %add3A_405 = arith.addi %mul3A_403, %add3A_404 : i32
            %add3A_406 = vector.broadcast %add3A_405 : i32 to vector<16xi32>
            %add3A_407 = arith.addi %mul3A_6, %add3A_406 : vector<16xi32>
            %gather3A_408 = tpu.vector_load_idx %arg4[%add3A_407] : memref<32799xf32, #tpu.memory_space<vmem>>[vector<16xi32>], vector<16xf32>,
            %gt3A_409 = vector.broadcast %add3A_405 : i32 to vector<16xi32>
            %gt3A_410 = arith.cmpi sgt, %while3A_214, %gt3A_409 : vector<16xi32>
            %le3A_411 = arith.cmpf ole, %gather3A_408, %bitcast_convert_type3A_232 : vector<16xf32>
            %and3A_412 = arith.andi %le3A_411, %gt3A_410 : vector<16xi1>
            %not3A_413 = arith.constant dense<true> : vector<16xi1>
            %not3A_414 = arith.xori %le3A_411, %not3A_413 : vector<16xi1>
            %and3A_415 = arith.andi %not3A_414, %gt3A_410 : vector<16xi1>
            tpu.vector_store_idx %arg5[%add3A_399], %gather3A_408 masked %and3A_412 : memref<32799xf32, #tpu.memory_space<vmem>>[vector<16xi32>], vector<16xf32>, vector<16xi1>
            tpu.vector_store_idx %arg6[%add3A_401], %gather3A_408 masked %and3A_415 : memref<32799xf32, #tpu.memory_space<vmem>>[vector<16xi32>], vector<16xf32>, vector<16xi1>
            %select_n3A_416 = arith.select %and3A_412, %broadcast_in_dim3A_3, %broadcast_in_dim3A_1 : vector<16xi1>, vector<16xi32>
            %add3A_417 = arith.addi %add3A_399, %select_n3A_416 : vector<16xi32>
            %select_n3A_418 = arith.select %and3A_415, %broadcast_in_dim3A_3, %broadcast_in_dim3A_1 : vector<16xi1>, vector<16xi32>
            %add3A_419 = arith.addi %add3A_401, %select_n3A_418 : vector<16xi32>
            %mul3A_420 = arith.constant 8 : i32
            %mul3A_421 = arith.muli %while3A_311, %mul3A_420 : i32
            %add3A_422 = arith.constant 6 : i32
            %add3A_423 = arith.addi %mul3A_421, %add3A_422 : i32
            %add3A_424 = vector.broadcast %add3A_423 : i32 to vector<16xi32>
            %add3A_425 = arith.addi %mul3A_6, %add3A_424 : vector<16xi32>
            %gather3A_426 = tpu.vector_load_idx %arg4[%add3A_425] : memref<32799xf32, #tpu.memory_space<vmem>>[vector<16xi32>], vector<16xf32>,
            %gt3A_427 = vector.broadcast %add3A_423 : i32 to vector<16xi32>
            %gt3A_428 = arith.cmpi sgt, %while3A_214, %gt3A_427 : vector<16xi32>
            %le3A_429 = arith.cmpf ole, %gather3A_426, %bitcast_convert_type3A_232 : vector<16xf32>
            %and3A_430 = arith.andi %le3A_429, %gt3A_428 : vector<16xi1>
            %not3A_431 = arith.constant dense<true> : vector<16xi1>
            %not3A_432 = arith.xori %le3A_429, %not3A_431 : vector<16xi1>
            %and3A_433 = arith.andi %not3A_432, %gt3A_428 : vector<16xi1>
            tpu.vector_store_idx %arg5[%add3A_417], %gather3A_426 masked %and3A_430 : memref<32799xf32, #tpu.memory_space<vmem>>[vector<16xi32>], vector<16xf32>, vector<16xi1>
            tpu.vector_store_idx %arg6[%add3A_419], %gather3A_426 masked %and3A_433 : memref<32799xf32, #tpu.memory_space<vmem>>[vector<16xi32>], vector<16xf32>, vector<16xi1>
            %select_n3A_434 = arith.select %and3A_430, %broadcast_in_dim3A_3, %broadcast_in_dim3A_1 : vector<16xi1>, vector<16xi32>
            %add3A_435 = arith.addi %add3A_417, %select_n3A_434 : vector<16xi32>
            %select_n3A_436 = arith.select %and3A_433, %broadcast_in_dim3A_3, %broadcast_in_dim3A_1 : vector<16xi1>, vector<16xi32>
            %add3A_437 = arith.addi %add3A_419, %select_n3A_436 : vector<16xi32>
            %mul3A_438 = arith.constant 8 : i32
            %mul3A_439 = arith.muli %while3A_311, %mul3A_438 : i32
            %add3A_440 = arith.constant 7 : i32
            %add3A_441 = arith.addi %mul3A_439, %add3A_440 : i32
            %add3A_442 = vector.broadcast %add3A_441 : i32 to vector<16xi32>
            %add3A_443 = arith.addi %mul3A_6, %add3A_442 : vector<16xi32>
            %gather3A_444 = tpu.vector_load_idx %arg4[%add3A_443] : memref<32799xf32, #tpu.memory_space<vmem>>[vector<16xi32>], vector<16xf32>,
            %gt3A_445 = vector.broadcast %add3A_441 : i32 to vector<16xi32>
            %gt3A_446 = arith.cmpi sgt, %while3A_214, %gt3A_445 : vector<16xi32>
            %le3A_447 = arith.cmpf ole, %gather3A_444, %bitcast_convert_type3A_232 : vector<16xf32>
            %and3A_448 = arith.andi %le3A_447, %gt3A_446 : vector<16xi1>
            %not3A_449 = arith.constant dense<true> : vector<16xi1>
            %not3A_450 = arith.xori %le3A_447, %not3A_449 : vector<16xi1>
            %and3A_451 = arith.andi %not3A_450, %gt3A_446 : vector<16xi1>
            tpu.vector_store_idx %arg5[%add3A_435], %gather3A_444 masked %and3A_448 : memref<32799xf32, #tpu.memory_space<vmem>>[vector<16xi32>], vector<16xf32>, vector<16xi1>
            tpu.vector_store_idx %arg6[%add3A_437], %gather3A_444 masked %and3A_451 : memref<32799xf32, #tpu.memory_space<vmem>>[vector<16xi32>], vector<16xf32>, vector<16xi1>
            %select_n3A_452 = arith.select %and3A_448, %broadcast_in_dim3A_3, %broadcast_in_dim3A_1 : vector<16xi1>, vector<16xi32>
            %add3A_453 = arith.addi %add3A_435, %select_n3A_452 : vector<16xi32>
            %select_n3A_454 = arith.select %and3A_451, %broadcast_in_dim3A_3, %broadcast_in_dim3A_1 : vector<16xi1>, vector<16xi32>
            %add3A_455 = arith.addi %add3A_437, %select_n3A_454 : vector<16xi32>
            scf.yield %add3A_453, %add3A_455 : vector<16xi32>, vector<16xi32>
          }
          %while3A_307 = arith.constant 1 : i32
          %while3A_308:2 = scf.for %while3A_311 = %while3A_304 to %while3A_300 step %while3A_307 iter_args(%while3A_312 = %while3A_306#0, %while3A_313 = %while3A_306#1) -> (vector<16xi32>, vector<16xi32>)  : i32 {
            %mul3A_314 = arith.constant 8 : i32
            %mul3A_315 = arith.muli %while3A_311, %mul3A_314 : i32
            %add3A_316 = arith.constant 0 : i32
            %add3A_317 = arith.addi %mul3A_315, %add3A_316 : i32
            %add3A_318 = vector.broadcast %add3A_317 : i32 to vector<16xi32>
            %add3A_319 = arith.addi %mul3A_6, %add3A_318 : vector<16xi32>
            %gather3A = tpu.vector_load_idx %arg4[%add3A_319] : memref<32799xf32, #tpu.memory_space<vmem>>[vector<16xi32>], vector<16xf32>,
            %gt3A_320 = vector.broadcast %add3A_317 : i32 to vector<16xi32>
            %gt3A_321 = arith.cmpi sgt, %while3A_214, %gt3A_320 : vector<16xi32>
            %le3A_322 = arith.cmpf ole, %gather3A, %bitcast_convert_type3A_232 : vector<16xf32>
            %and3A_323 = arith.andi %le3A_322, %gt3A_321 : vector<16xi1>
            %not3A = arith.constant dense<true> : vector<16xi1>
            %not3A_324 = arith.xori %le3A_322, %not3A : vector<16xi1>
            %and3A_325 = arith.andi %not3A_324, %gt3A_321 : vector<16xi1>
            tpu.vector_store_idx %arg5[%while3A_312], %gather3A masked %and3A_323 : memref<32799xf32, #tpu.memory_space<vmem>>[vector<16xi32>], vector<16xf32>, vector<16xi1>
            tpu.vector_store_idx %arg6[%while3A_313], %gather3A masked %and3A_325 : memref<32799xf32, #tpu.memory_space<vmem>>[vector<16xi32>], vector<16xf32>, vector<16xi1>
            %select_n3A_326 = arith.select %and3A_323, %broadcast_in_dim3A_3, %broadcast_in_dim3A_1 : vector<16xi1>, vector<16xi32>
            %add3A_327 = arith.addi %while3A_312, %select_n3A_326 : vector<16xi32>
            %select_n3A_328 = arith.select %and3A_325, %broadcast_in_dim3A_3, %broadcast_in_dim3A_1 : vector<16xi1>, vector<16xi32>
            %add3A_329 = arith.addi %while3A_313, %select_n3A_328 : vector<16xi32>
            %mul3A_330 = arith.constant 8 : i32
            %mul3A_331 = arith.muli %while3A_311, %mul3A_330 : i32
            %add3A_332 = arith.constant 1 : i32
            %add3A_333 = arith.addi %mul3A_331, %add3A_332 : i32
            %add3A_334 = vector.broadcast %add3A_333 : i32 to vector<16xi32>
            %add3A_335 = arith.addi %mul3A_6, %add3A_334 : vector<16xi32>
            %gather3A_336 = tpu.vector_load_idx %arg4[%add3A_335] : memref<32799xf32, #tpu.memory_space<vmem>>[vector<16xi32>], vector<16xf32>,
            %gt3A_337 = vector.broadcast %add3A_333 : i32 to vector<16xi32>
            %gt3A_338 = arith.cmpi sgt, %while3A_214, %gt3A_337 : vector<16xi32>
            %le3A_339 = arith.cmpf ole, %gather3A_336, %bitcast_convert_type3A_232 : vector<16xf32>
            %and3A_340 = arith.andi %le3A_339, %gt3A_338 : vector<16xi1>
            %not3A_341 = arith.constant dense<true> : vector<16xi1>
            %not3A_342 = arith.xori %le3A_339, %not3A_341 : vector<16xi1>
            %and3A_343 = arith.andi %not3A_342, %gt3A_338 : vector<16xi1>
            tpu.vector_store_idx %arg5[%add3A_327], %gather3A_336 masked %and3A_340 : memref<32799xf32, #tpu.memory_space<vmem>>[vector<16xi32>], vector<16xf32>, vector<16xi1>
            tpu.vector_store_idx %arg6[%add3A_329], %gather3A_336 masked %and3A_343 : memref<32799xf32, #tpu.memory_space<vmem>>[vector<16xi32>], vector<16xf32>, vector<16xi1>
            %select_n3A_344 = arith.select %and3A_340, %broadcast_in_dim3A_3, %broadcast_in_dim3A_1 : vector<16xi1>, vector<16xi32>
            %add3A_345 = arith.addi %add3A_327, %select_n3A_344 : vector<16xi32>
            %select_n3A_346 = arith.select %and3A_343, %broadcast_in_dim3A_3, %broadcast_in_dim3A_1 : vector<16xi1>, vector<16xi32>
            %add3A_347 = arith.addi %add3A_329, %select_n3A_346 : vector<16xi32>
            %mul3A_348 = arith.constant 8 : i32
            %mul3A_349 = arith.muli %while3A_311, %mul3A_348 : i32
            %add3A_350 = arith.constant 2 : i32
            %add3A_351 = arith.addi %mul3A_349, %add3A_350 : i32
            %add3A_352 = vector.broadcast %add3A_351 : i32 to vector<16xi32>
            %add3A_353 = arith.addi %mul3A_6, %add3A_352 : vector<16xi32>
            %gather3A_354 = tpu.vector_load_idx %arg4[%add3A_353] : memref<32799xf32, #tpu.memory_space<vmem>>[vector<16xi32>], vector<16xf32>,
            %gt3A_355 = vector.broadcast %add3A_351 : i32 to vector<16xi32>
            %gt3A_356 = arith.cmpi sgt, %while3A_214, %gt3A_355 : vector<16xi32>
            %le3A_357 = arith.cmpf ole, %gather3A_354, %bitcast_convert_type3A_232 : vector<16xf32>
            %and3A_358 = arith.andi %le3A_357, %gt3A_356 : vector<16xi1>
            %not3A_359 = arith.constant dense<true> : vector<16xi1>
            %not3A_360 = arith.xori %le3A_357, %not3A_359 : vector<16xi1>
            %and3A_361 = arith.andi %not3A_360, %gt3A_356 : vector<16xi1>
            tpu.vector_store_idx %arg5[%add3A_345], %gather3A_354 masked %and3A_358 : memref<32799xf32, #tpu.memory_space<vmem>>[vector<16xi32>], vector<16xf32>, vector<16xi1>
            tpu.vector_store_idx %arg6[%add3A_347], %gather3A_354 masked %and3A_361 : memref<32799xf32, #tpu.memory_space<vmem>>[vector<16xi32>], vector<16xf32>, vector<16xi1>
            %select_n3A_362 = arith.select %and3A_358, %broadcast_in_dim3A_3, %broadcast_in_dim3A_1 : vector<16xi1>, vector<16xi32>
            %add3A_363 = arith.addi %add3A_345, %select_n3A_362 : vector<16xi32>
            %select_n3A_364 = arith.select %and3A_361, %broadcast_in_dim3A_3, %broadcast_in_dim3A_1 : vector<16xi1>, vector<16xi32>
            %add3A_365 = arith.addi %add3A_347, %select_n3A_364 : vector<16xi32>
            %mul3A_366 = arith.constant 8 : i32
            %mul3A_367 = arith.muli %while3A_311, %mul3A_366 : i32
            %add3A_368 = arith.constant 3 : i32
            %add3A_369 = arith.addi %mul3A_367, %add3A_368 : i32
            %add3A_370 = vector.broadcast %add3A_369 : i32 to vector<16xi32>
            %add3A_371 = arith.addi %mul3A_6, %add3A_370 : vector<16xi32>
            %gather3A_372 = tpu.vector_load_idx %arg4[%add3A_371] : memref<32799xf32, #tpu.memory_space<vmem>>[vector<16xi32>], vector<16xf32>,
            %gt3A_373 = vector.broadcast %add3A_369 : i32 to vector<16xi32>
            %gt3A_374 = arith.cmpi sgt, %while3A_214, %gt3A_373 : vector<16xi32>
            %le3A_375 = arith.cmpf ole, %gather3A_372, %bitcast_convert_type3A_232 : vector<16xf32>
            %and3A_376 = arith.andi %le3A_375, %gt3A_374 : vector<16xi1>
            %not3A_377 = arith.constant dense<true> : vector<16xi1>
            %not3A_378 = arith.xori %le3A_375, %not3A_377 : vector<16xi1>
            %and3A_379 = arith.andi %not3A_378, %gt3A_374 : vector<16xi1>
            tpu.vector_store_idx %arg5[%add3A_363], %gather3A_372 masked %and3A_376 : memref<32799xf32, #tpu.memory_space<vmem>>[vector<16xi32>], vector<16xf32>, vector<16xi1>
            tpu.vector_store_idx %arg6[%add3A_365], %gather3A_372 masked %and3A_379 : memref<32799xf32, #tpu.memory_space<vmem>>[vector<16xi32>], vector<16xf32>, vector<16xi1>
            %select_n3A_380 = arith.select %and3A_376, %broadcast_in_dim3A_3, %broadcast_in_dim3A_1 : vector<16xi1>, vector<16xi32>
            %add3A_381 = arith.addi %add3A_363, %select_n3A_380 : vector<16xi32>
            %select_n3A_382 = arith.select %and3A_379, %broadcast_in_dim3A_3, %broadcast_in_dim3A_1 : vector<16xi1>, vector<16xi32>
            %add3A_383 = arith.addi %add3A_365, %select_n3A_382 : vector<16xi32>
            %mul3A_384 = arith.constant 8 : i32
            %mul3A_385 = arith.muli %while3A_311, %mul3A_384 : i32
            %add3A_386 = arith.constant 4 : i32
            %add3A_387 = arith.addi %mul3A_385, %add3A_386 : i32
            %add3A_388 = vector.broadcast %add3A_387 : i32 to vector<16xi32>
            %add3A_389 = arith.addi %mul3A_6, %add3A_388 : vector<16xi32>
            %gather3A_390 = tpu.vector_load_idx %arg4[%add3A_389] : memref<32799xf32, #tpu.memory_space<vmem>>[vector<16xi32>], vector<16xf32>,
            %gt3A_391 = vector.broadcast %add3A_387 : i32 to vector<16xi32>
            %gt3A_392 = arith.cmpi sgt, %while3A_214, %gt3A_391 : vector<16xi32>
            %le3A_393 = arith.cmpf ole, %gather3A_390, %bitcast_convert_type3A_232 : vector<16xf32>
            %and3A_394 = arith.andi %le3A_393, %gt3A_392 : vector<16xi1>
            %not3A_395 = arith.constant dense<true> : vector<16xi1>
            %not3A_396 = arith.xori %le3A_393, %not3A_395 : vector<16xi1>
            %and3A_397 = arith.andi %not3A_396, %gt3A_392 : vector<16xi1>
            tpu.vector_store_idx %arg5[%add3A_381], %gather3A_390 masked %and3A_394 : memref<32799xf32, #tpu.memory_space<vmem>>[vector<16xi32>], vector<16xf32>, vector<16xi1>
            tpu.vector_store_idx %arg6[%add3A_383], %gather3A_390 masked %and3A_397 : memref<32799xf32, #tpu.memory_space<vmem>>[vector<16xi32>], vector<16xf32>, vector<16xi1>
            %select_n3A_398 = arith.select %and3A_394, %broadcast_in_dim3A_3, %broadcast_in_dim3A_1 : vector<16xi1>, vector<16xi32>
            %add3A_399 = arith.addi %add3A_381, %select_n3A_398 : vector<16xi32>
            %select_n3A_400 = arith.select %and3A_397, %broadcast_in_dim3A_3, %broadcast_in_dim3A_1 : vector<16xi1>, vector<16xi32>
            %add3A_401 = arith.addi %add3A_383, %select_n3A_400 : vector<16xi32>
            %mul3A_402 = arith.constant 8 : i32
            %mul3A_403 = arith.muli %while3A_311, %mul3A_402 : i32
            %add3A_404 = arith.constant 5 : i32
            %add3A_405 = arith.addi %mul3A_403, %add3A_404 : i32
            %add3A_406 = vector.broadcast %add3A_405 : i32 to vector<16xi32>
            %add3A_407 = arith.addi %mul3A_6, %add3A_406 : vector<16xi32>
            %gather3A_408 = tpu.vector_load_idx %arg4[%add3A_407] : memref<32799xf32, #tpu.memory_space<vmem>>[vector<16xi32>], vector<16xf32>,
            %gt3A_409 = vector.broadcast %add3A_405 : i32 to vector<16xi32>
            %gt3A_410 = arith.cmpi sgt, %while3A_214, %gt3A_409 : vector<16xi32>
            %le3A_411 = arith.cmpf ole, %gather3A_408, %bitcast_convert_type3A_232 : vector<16xf32>
            %and3A_412 = arith.andi %le3A_411, %gt3A_410 : vector<16xi1>
            %not3A_413 = arith.constant dense<true> : vector<16xi1>
            %not3A_414 = arith.xori %le3A_411, %not3A_413 : vector<16xi1>
            %and3A_415 = arith.andi %not3A_414, %gt3A_410 : vector<16xi1>
            tpu.vector_store_idx %arg5[%add3A_399], %gather3A_408 masked %and3A_412 : memref<32799xf32, #tpu.memory_space<vmem>>[vector<16xi32>], vector<16xf32>, vector<16xi1>
            tpu.vector_store_idx %arg6[%add3A_401], %gather3A_408 masked %and3A_415 : memref<32799xf32, #tpu.memory_space<vmem>>[vector<16xi32>], vector<16xf32>, vector<16xi1>
            %select_n3A_416 = arith.select %and3A_412, %broadcast_in_dim3A_3, %broadcast_in_dim3A_1 : vector<16xi1>, vector<16xi32>
            %add3A_417 = arith.addi %add3A_399, %select_n3A_416 : vector<16xi32>
            %select_n3A_418 = arith.select %and3A_415, %broadcast_in_dim3A_3, %broadcast_in_dim3A_1 : vector<16xi1>, vector<16xi32>
            %add3A_419 = arith.addi %add3A_401, %select_n3A_418 : vector<16xi32>
            %mul3A_420 = arith.constant 8 : i32
            %mul3A_421 = arith.muli %while3A_311, %mul3A_420 : i32
            %add3A_422 = arith.constant 6 : i32
            %add3A_423 = arith.addi %mul3A_421, %add3A_422 : i32
            %add3A_424 = vector.broadcast %add3A_423 : i32 to vector<16xi32>
            %add3A_425 = arith.addi %mul3A_6, %add3A_424 : vector<16xi32>
            %gather3A_426 = tpu.vector_load_idx %arg4[%add3A_425] : memref<32799xf32, #tpu.memory_space<vmem>>[vector<16xi32>], vector<16xf32>,
            %gt3A_427 = vector.broadcast %add3A_423 : i32 to vector<16xi32>
            %gt3A_428 = arith.cmpi sgt, %while3A_214, %gt3A_427 : vector<16xi32>
            %le3A_429 = arith.cmpf ole, %gather3A_426, %bitcast_convert_type3A_232 : vector<16xf32>
            %and3A_430 = arith.andi %le3A_429, %gt3A_428 : vector<16xi1>
            %not3A_431 = arith.constant dense<true> : vector<16xi1>
            %not3A_432 = arith.xori %le3A_429, %not3A_431 : vector<16xi1>
            %and3A_433 = arith.andi %not3A_432, %gt3A_428 : vector<16xi1>
            tpu.vector_store_idx %arg5[%add3A_417], %gather3A_426 masked %and3A_430 : memref<32799xf32, #tpu.memory_space<vmem>>[vector<16xi32>], vector<16xf32>, vector<16xi1>
            tpu.vector_store_idx %arg6[%add3A_419], %gather3A_426 masked %and3A_433 : memref<32799xf32, #tpu.memory_space<vmem>>[vector<16xi32>], vector<16xf32>, vector<16xi1>
            %select_n3A_434 = arith.select %and3A_430, %broadcast_in_dim3A_3, %broadcast_in_dim3A_1 : vector<16xi1>, vector<16xi32>
            %add3A_435 = arith.addi %add3A_417, %select_n3A_434 : vector<16xi32>
            %select_n3A_436 = arith.select %and3A_433, %broadcast_in_dim3A_3, %broadcast_in_dim3A_1 : vector<16xi1>, vector<16xi32>
            %add3A_437 = arith.addi %add3A_419, %select_n3A_436 : vector<16xi32>
            %mul3A_438 = arith.constant 8 : i32
            %mul3A_439 = arith.muli %while3A_311, %mul3A_438 : i32
            %add3A_440 = arith.constant 7 : i32
            %add3A_441 = arith.addi %mul3A_439, %add3A_440 : i32
            %add3A_442 = vector.broadcast %add3A_441 : i32 to vector<16xi32>
            %add3A_443 = arith.addi %mul3A_6, %add3A_442 : vector<16xi32>
            %gather3A_444 = tpu.vector_load_idx %arg4[%add3A_443] : memref<32799xf32, #tpu.memory_space<vmem>>[vector<16xi32>], vector<16xf32>,
            %gt3A_445 = vector.broadcast %add3A_441 : i32 to vector<16xi32>
            %gt3A_446 = arith.cmpi sgt, %while3A_214, %gt3A_445 : vector<16xi32>
            %le3A_447 = arith.cmpf ole, %gather3A_444, %bitcast_convert_type3A_232 : vector<16xf32>
            %and3A_448 = arith.andi %le3A_447, %gt3A_446 : vector<16xi1>
            %not3A_449 = arith.constant dense<true> : vector<16xi1>
            %not3A_450 = arith.xori %le3A_447, %not3A_449 : vector<16xi1>
            %and3A_451 = arith.andi %not3A_450, %gt3A_446 : vector<16xi1>
            tpu.vector_store_idx %arg5[%add3A_435], %gather3A_444 masked %and3A_448 : memref<32799xf32, #tpu.memory_space<vmem>>[vector<16xi32>], vector<16xf32>, vector<16xi1>
            tpu.vector_store_idx %arg6[%add3A_437], %gather3A_444 masked %and3A_451 : memref<32799xf32, #tpu.memory_space<vmem>>[vector<16xi32>], vector<16xf32>, vector<16xi1>
            %select_n3A_452 = arith.select %and3A_448, %broadcast_in_dim3A_3, %broadcast_in_dim3A_1 : vector<16xi1>, vector<16xi32>
            %add3A_453 = arith.addi %add3A_435, %select_n3A_452 : vector<16xi32>
            %select_n3A_454 = arith.select %and3A_451, %broadcast_in_dim3A_3, %broadcast_in_dim3A_1 : vector<16xi1>, vector<16xi32>
            %add3A_455 = arith.addi %add3A_437, %select_n3A_454 : vector<16xi32>
            scf.yield %add3A_453, %add3A_455 : vector<16xi32>, vector<16xi32>
          }
          %sub3A_309 = arith.subi %while3A_308#0, %mul3A_6 : vector<16xi32>
          %sub3A_310 = arith.subi %while3A_308#1, %mul3A_6 : vector<16xi32>
          scf.yield %sub3A_309, %sub3A_310 : vector<16xi32>, vector<16xi32>
        } else {
          %eq3A_269 = arith.constant 1 : i32
          %eq3A_270 = arith.cmpi eq, %while3A_213, %eq3A_269 : i32
          %convert_element_type3A_271 = arith.extui %eq3A_270 : i1 to i32
          %cond3A_272 = arith.constant 0 : i32
          %cond3A_273 = arith.cmpi ne, %convert_element_type3A_271, %cond3A_272 : i32
          %cond3A_274:2 = scf.if %cond3A_273 -> (vector<16xi32>, vector<16xi32>) {
            %broadcast_in_dim3A_275 = arith.constant true
            %broadcast_in_dim3A_276 = vector.broadcast %broadcast_in_dim3A_275 : i1 to vector<16xi1>
            %masked_cummax3A = arith.constant -2147483648 : i32
            %masked_cummax3A_277 = vector.broadcast %masked_cummax3A : i32 to vector<16xi32>
            %masked_cummax3A_278 = arith.xori %while3A_214, %masked_cummax3A_277 : vector<16xi32>
            %masked_cummax3A_279 = tpu.scan <max>, %masked_cummax3A_278 masked %broadcast_in_dim3A_276 : vector<16xi32>, vector<16xi1> -> vector<16xi32>
            %masked_cummax3A_280 = arith.xori %masked_cummax3A_279, %masked_cummax3A_277 : vector<16xi32>
            %slice3A_281 = vector.extract_strided_slice %masked_cummax3A_280 {offsets = [15], sizes = [1], strides = [1]} : vector<16xi32> to vector<1xi32>
            %squeeze3A_282 = vector.extract %slice3A_281[0] : i32 from vector<1xi32>
            %add3A_283 = arith.constant 7 : i32
            %add3A_284 = arith.addi %squeeze3A_282, %add3A_283 : i32
            %jit3A_285 = arith.constant 8 : i32
            %div3A = arith.divsi %add3A_284, %jit3A_285 : i32
            %sign3A = arith.constant 0 : i32
            %sign3A_286 = arith.cmpi sgt, %add3A_284, %sign3A : i32
            %sign3A_287 = arith.extui %sign3A_286 : i1 to i32
            %sign3A_288 = arith.constant 0 : i32
            %sign3A_289 = arith.cmpi slt, %add3A_284, %sign3A_288 : i32
            %sign3A_290 = arith.extui %sign3A_289 : i1 to i32
            %sign3A_291 = arith.subi %sign3A_287, %sign3A_290 : i32
            %sign3A_292 = arith.constant 0 : i32
            %sign3A_293 = arith.cmpi sgt, %jit3A_285, %sign3A_292 : i32
            %sign3A_294 = arith.extui %sign3A_293 : i1 to i32
            %sign3A_295 = arith.constant 0 : i32
            %sign3A_296 = arith.cmpi slt, %jit3A_285, %sign3A_295 : i32
            %sign3A_297 = arith.extui %sign3A_296 : i1 to i32
            %sign3A_298 = arith.subi %sign3A_294, %sign3A_297 : i32
            %ne3A = arith.cmpi ne, %sign3A_291, %sign3A_298 : i32
            %rem3A = arith.remsi %add3A_284, %jit3A_285 : i32
            %ne3A_299 = arith.constant 0 : i32
            %ne3A_300 = arith.cmpi ne, %rem3A, %ne3A_299 : i32
            %and3A = arith.andi %ne3A, %ne3A_300 : i1
            %sub3A_301 = arith.constant 1 : i32
            %sub3A_302 = arith.subi %div3A, %sub3A_301 : i32
            %select_n3A_303 = arith.select %and3A, %sub3A_302, %div3A : i32
            %while3A_304 = arith.constant 0 : i32
            %while3A_305 = arith.subi %select_n3A_303, %while3A_304 : i32
            %while3A_306 = arith.addi %while3A_304, %while3A_305 : i32
            %while3A_307 = arith.constant 1 : i32
            %while3A_308 = arith.divsi %while3A_305, %while3A_307 : i32
            %while3A_309 = arith.muli %while3A_308, %while3A_307 : i32
            %while3A_310 = arith.addi %while3A_304, %while3A_309 : i32
            %while3A_311 = arith.constant 1 : i32
            %while3A_312:2 = scf.for %while3A_317 = %while3A_304 to %while3A_310 step %while3A_311 iter_args(%while3A_318 = %mul3A_6, %while3A_319 = %mul3A_6) -> (vector<16xi32>, vector<16xi32>)  : i32 {
              %mul3A_320 = arith.constant 8 : i32
              %mul3A_321 = arith.muli %while3A_317, %mul3A_320 : i32
              %add3A_322 = arith.constant 0 : i32
              %add3A_323 = arith.addi %mul3A_321, %add3A_322 : i32
              %add3A_324 = vector.broadcast %add3A_323 : i32 to vector<16xi32>
              %add3A_325 = arith.addi %mul3A_6, %add3A_324 : vector<16xi32>
              %gather3A = tpu.vector_load_idx %arg5[%add3A_325] : memref<32799xf32, #tpu.memory_space<vmem>>[vector<16xi32>], vector<16xf32>,
              %gt3A_326 = vector.broadcast %add3A_323 : i32 to vector<16xi32>
              %gt3A_327 = arith.cmpi sgt, %while3A_214, %gt3A_326 : vector<16xi32>
              %le3A_328 = arith.cmpf ole, %gather3A, %bitcast_convert_type3A_232 : vector<16xf32>
              %and3A_329 = arith.andi %le3A_328, %gt3A_327 : vector<16xi1>
              %not3A = arith.constant dense<true> : vector<16xi1>
              %not3A_330 = arith.xori %le3A_328, %not3A : vector<16xi1>
              %and3A_331 = arith.andi %not3A_330, %gt3A_327 : vector<16xi1>
              tpu.vector_store_idx %arg4[%while3A_318], %gather3A masked %and3A_329 : memref<32799xf32, #tpu.memory_space<vmem>>[vector<16xi32>], vector<16xf32>, vector<16xi1>
              tpu.vector_store_idx %arg6[%while3A_319], %gather3A masked %and3A_331 : memref<32799xf32, #tpu.memory_space<vmem>>[vector<16xi32>], vector<16xf32>, vector<16xi1>
              %select_n3A_332 = arith.select %and3A_329, %broadcast_in_dim3A_3, %broadcast_in_dim3A_1 : vector<16xi1>, vector<16xi32>
              %add3A_333 = arith.addi %while3A_318, %select_n3A_332 : vector<16xi32>
              %select_n3A_334 = arith.select %and3A_331, %broadcast_in_dim3A_3, %broadcast_in_dim3A_1 : vector<16xi1>, vector<16xi32>
              %add3A_335 = arith.addi %while3A_319, %select_n3A_334 : vector<16xi32>
              %mul3A_336 = arith.constant 8 : i32
              %mul3A_337 = arith.muli %while3A_317, %mul3A_336 : i32
              %add3A_338 = arith.constant 1 : i32
              %add3A_339 = arith.addi %mul3A_337, %add3A_338 : i32
              %add3A_340 = vector.broadcast %add3A_339 : i32 to vector<16xi32>
              %add3A_341 = arith.addi %mul3A_6, %add3A_340 : vector<16xi32>
              %gather3A_342 = tpu.vector_load_idx %arg5[%add3A_341] : memref<32799xf32, #tpu.memory_space<vmem>>[vector<16xi32>], vector<16xf32>,
              %gt3A_343 = vector.broadcast %add3A_339 : i32 to vector<16xi32>
              %gt3A_344 = arith.cmpi sgt, %while3A_214, %gt3A_343 : vector<16xi32>
              %le3A_345 = arith.cmpf ole, %gather3A_342, %bitcast_convert_type3A_232 : vector<16xf32>
              %and3A_346 = arith.andi %le3A_345, %gt3A_344 : vector<16xi1>
              %not3A_347 = arith.constant dense<true> : vector<16xi1>
              %not3A_348 = arith.xori %le3A_345, %not3A_347 : vector<16xi1>
              %and3A_349 = arith.andi %not3A_348, %gt3A_344 : vector<16xi1>
              tpu.vector_store_idx %arg4[%add3A_333], %gather3A_342 masked %and3A_346 : memref<32799xf32, #tpu.memory_space<vmem>>[vector<16xi32>], vector<16xf32>, vector<16xi1>
              tpu.vector_store_idx %arg6[%add3A_335], %gather3A_342 masked %and3A_349 : memref<32799xf32, #tpu.memory_space<vmem>>[vector<16xi32>], vector<16xf32>, vector<16xi1>
              %select_n3A_350 = arith.select %and3A_346, %broadcast_in_dim3A_3, %broadcast_in_dim3A_1 : vector<16xi1>, vector<16xi32>
              %add3A_351 = arith.addi %add3A_333, %select_n3A_350 : vector<16xi32>
              %select_n3A_352 = arith.select %and3A_349, %broadcast_in_dim3A_3, %broadcast_in_dim3A_1 : vector<16xi1>, vector<16xi32>
              %add3A_353 = arith.addi %add3A_335, %select_n3A_352 : vector<16xi32>
              %mul3A_354 = arith.constant 8 : i32
              %mul3A_355 = arith.muli %while3A_317, %mul3A_354 : i32
              %add3A_356 = arith.constant 2 : i32
              %add3A_357 = arith.addi %mul3A_355, %add3A_356 : i32
              %add3A_358 = vector.broadcast %add3A_357 : i32 to vector<16xi32>
              %add3A_359 = arith.addi %mul3A_6, %add3A_358 : vector<16xi32>
              %gather3A_360 = tpu.vector_load_idx %arg5[%add3A_359] : memref<32799xf32, #tpu.memory_space<vmem>>[vector<16xi32>], vector<16xf32>,
              %gt3A_361 = vector.broadcast %add3A_357 : i32 to vector<16xi32>
              %gt3A_362 = arith.cmpi sgt, %while3A_214, %gt3A_361 : vector<16xi32>
              %le3A_363 = arith.cmpf ole, %gather3A_360, %bitcast_convert_type3A_232 : vector<16xf32>
              %and3A_364 = arith.andi %le3A_363, %gt3A_362 : vector<16xi1>
              %not3A_365 = arith.constant dense<true> : vector<16xi1>
              %not3A_366 = arith.xori %le3A_363, %not3A_365 : vector<16xi1>
              %and3A_367 = arith.andi %not3A_366, %gt3A_362 : vector<16xi1>
              tpu.vector_store_idx %arg4[%add3A_351], %gather3A_360 masked %and3A_364 : memref<32799xf32, #tpu.memory_space<vmem>>[vector<16xi32>], vector<16xf32>, vector<16xi1>
              tpu.vector_store_idx %arg6[%add3A_353], %gather3A_360 masked %and3A_367 : memref<32799xf32, #tpu.memory_space<vmem>>[vector<16xi32>], vector<16xf32>, vector<16xi1>
              %select_n3A_368 = arith.select %and3A_364, %broadcast_in_dim3A_3, %broadcast_in_dim3A_1 : vector<16xi1>, vector<16xi32>
              %add3A_369 = arith.addi %add3A_351, %select_n3A_368 : vector<16xi32>
              %select_n3A_370 = arith.select %and3A_367, %broadcast_in_dim3A_3, %broadcast_in_dim3A_1 : vector<16xi1>, vector<16xi32>
              %add3A_371 = arith.addi %add3A_353, %select_n3A_370 : vector<16xi32>
              %mul3A_372 = arith.constant 8 : i32
              %mul3A_373 = arith.muli %while3A_317, %mul3A_372 : i32
              %add3A_374 = arith.constant 3 : i32
              %add3A_375 = arith.addi %mul3A_373, %add3A_374 : i32
              %add3A_376 = vector.broadcast %add3A_375 : i32 to vector<16xi32>
              %add3A_377 = arith.addi %mul3A_6, %add3A_376 : vector<16xi32>
              %gather3A_378 = tpu.vector_load_idx %arg5[%add3A_377] : memref<32799xf32, #tpu.memory_space<vmem>>[vector<16xi32>], vector<16xf32>,
              %gt3A_379 = vector.broadcast %add3A_375 : i32 to vector<16xi32>
              %gt3A_380 = arith.cmpi sgt, %while3A_214, %gt3A_379 : vector<16xi32>
              %le3A_381 = arith.cmpf ole, %gather3A_378, %bitcast_convert_type3A_232 : vector<16xf32>
              %and3A_382 = arith.andi %le3A_381, %gt3A_380 : vector<16xi1>
              %not3A_383 = arith.constant dense<true> : vector<16xi1>
              %not3A_384 = arith.xori %le3A_381, %not3A_383 : vector<16xi1>
              %and3A_385 = arith.andi %not3A_384, %gt3A_380 : vector<16xi1>
              tpu.vector_store_idx %arg4[%add3A_369], %gather3A_378 masked %and3A_382 : memref<32799xf32, #tpu.memory_space<vmem>>[vector<16xi32>], vector<16xf32>, vector<16xi1>
              tpu.vector_store_idx %arg6[%add3A_371], %gather3A_378 masked %and3A_385 : memref<32799xf32, #tpu.memory_space<vmem>>[vector<16xi32>], vector<16xf32>, vector<16xi1>
              %select_n3A_386 = arith.select %and3A_382, %broadcast_in_dim3A_3, %broadcast_in_dim3A_1 : vector<16xi1>, vector<16xi32>
              %add3A_387 = arith.addi %add3A_369, %select_n3A_386 : vector<16xi32>
              %select_n3A_388 = arith.select %and3A_385, %broadcast_in_dim3A_3, %broadcast_in_dim3A_1 : vector<16xi1>, vector<16xi32>
              %add3A_389 = arith.addi %add3A_371, %select_n3A_388 : vector<16xi32>
              %mul3A_390 = arith.constant 8 : i32
              %mul3A_391 = arith.muli %while3A_317, %mul3A_390 : i32
              %add3A_392 = arith.constant 4 : i32
              %add3A_393 = arith.addi %mul3A_391, %add3A_392 : i32
              %add3A_394 = vector.broadcast %add3A_393 : i32 to vector<16xi32>
              %add3A_395 = arith.addi %mul3A_6, %add3A_394 : vector<16xi32>
              %gather3A_396 = tpu.vector_load_idx %arg5[%add3A_395] : memref<32799xf32, #tpu.memory_space<vmem>>[vector<16xi32>], vector<16xf32>,
              %gt3A_397 = vector.broadcast %add3A_393 : i32 to vector<16xi32>
              %gt3A_398 = arith.cmpi sgt, %while3A_214, %gt3A_397 : vector<16xi32>
              %le3A_399 = arith.cmpf ole, %gather3A_396, %bitcast_convert_type3A_232 : vector<16xf32>
              %and3A_400 = arith.andi %le3A_399, %gt3A_398 : vector<16xi1>
              %not3A_401 = arith.constant dense<true> : vector<16xi1>
              %not3A_402 = arith.xori %le3A_399, %not3A_401 : vector<16xi1>
              %and3A_403 = arith.andi %not3A_402, %gt3A_398 : vector<16xi1>
              tpu.vector_store_idx %arg4[%add3A_387], %gather3A_396 masked %and3A_400 : memref<32799xf32, #tpu.memory_space<vmem>>[vector<16xi32>], vector<16xf32>, vector<16xi1>
              tpu.vector_store_idx %arg6[%add3A_389], %gather3A_396 masked %and3A_403 : memref<32799xf32, #tpu.memory_space<vmem>>[vector<16xi32>], vector<16xf32>, vector<16xi1>
              %select_n3A_404 = arith.select %and3A_400, %broadcast_in_dim3A_3, %broadcast_in_dim3A_1 : vector<16xi1>, vector<16xi32>
              %add3A_405 = arith.addi %add3A_387, %select_n3A_404 : vector<16xi32>
              %select_n3A_406 = arith.select %and3A_403, %broadcast_in_dim3A_3, %broadcast_in_dim3A_1 : vector<16xi1>, vector<16xi32>
              %add3A_407 = arith.addi %add3A_389, %select_n3A_406 : vector<16xi32>
              %mul3A_408 = arith.constant 8 : i32
              %mul3A_409 = arith.muli %while3A_317, %mul3A_408 : i32
              %add3A_410 = arith.constant 5 : i32
              %add3A_411 = arith.addi %mul3A_409, %add3A_410 : i32
              %add3A_412 = vector.broadcast %add3A_411 : i32 to vector<16xi32>
              %add3A_413 = arith.addi %mul3A_6, %add3A_412 : vector<16xi32>
              %gather3A_414 = tpu.vector_load_idx %arg5[%add3A_413] : memref<32799xf32, #tpu.memory_space<vmem>>[vector<16xi32>], vector<16xf32>,
              %gt3A_415 = vector.broadcast %add3A_411 : i32 to vector<16xi32>
              %gt3A_416 = arith.cmpi sgt, %while3A_214, %gt3A_415 : vector<16xi32>
              %le3A_417 = arith.cmpf ole, %gather3A_414, %bitcast_convert_type3A_232 : vector<16xf32>
              %and3A_418 = arith.andi %le3A_417, %gt3A_416 : vector<16xi1>
              %not3A_419 = arith.constant dense<true> : vector<16xi1>
              %not3A_420 = arith.xori %le3A_417, %not3A_419 : vector<16xi1>
              %and3A_421 = arith.andi %not3A_420, %gt3A_416 : vector<16xi1>
              tpu.vector_store_idx %arg4[%add3A_405], %gather3A_414 masked %and3A_418 : memref<32799xf32, #tpu.memory_space<vmem>>[vector<16xi32>], vector<16xf32>, vector<16xi1>
              tpu.vector_store_idx %arg6[%add3A_407], %gather3A_414 masked %and3A_421 : memref<32799xf32, #tpu.memory_space<vmem>>[vector<16xi32>], vector<16xf32>, vector<16xi1>
              %select_n3A_422 = arith.select %and3A_418, %broadcast_in_dim3A_3, %broadcast_in_dim3A_1 : vector<16xi1>, vector<16xi32>
              %add3A_423 = arith.addi %add3A_405, %select_n3A_422 : vector<16xi32>
              %select_n3A_424 = arith.select %and3A_421, %broadcast_in_dim3A_3, %broadcast_in_dim3A_1 : vector<16xi1>, vector<16xi32>
              %add3A_425 = arith.addi %add3A_407, %select_n3A_424 : vector<16xi32>
              %mul3A_426 = arith.constant 8 : i32
              %mul3A_427 = arith.muli %while3A_317, %mul3A_426 : i32
              %add3A_428 = arith.constant 6 : i32
              %add3A_429 = arith.addi %mul3A_427, %add3A_428 : i32
              %add3A_430 = vector.broadcast %add3A_429 : i32 to vector<16xi32>
              %add3A_431 = arith.addi %mul3A_6, %add3A_430 : vector<16xi32>
              %gather3A_432 = tpu.vector_load_idx %arg5[%add3A_431] : memref<32799xf32, #tpu.memory_space<vmem>>[vector<16xi32>], vector<16xf32>,
              %gt3A_433 = vector.broadcast %add3A_429 : i32 to vector<16xi32>
              %gt3A_434 = arith.cmpi sgt, %while3A_214, %gt3A_433 : vector<16xi32>
              %le3A_435 = arith.cmpf ole, %gather3A_432, %bitcast_convert_type3A_232 : vector<16xf32>
              %and3A_436 = arith.andi %le3A_435, %gt3A_434 : vector<16xi1>
              %not3A_437 = arith.constant dense<true> : vector<16xi1>
              %not3A_438 = arith.xori %le3A_435, %not3A_437 : vector<16xi1>
              %and3A_439 = arith.andi %not3A_438, %gt3A_434 : vector<16xi1>
              tpu.vector_store_idx %arg4[%add3A_423], %gather3A_432 masked %and3A_436 : memref<32799xf32, #tpu.memory_space<vmem>>[vector<16xi32>], vector<16xf32>, vector<16xi1>
              tpu.vector_store_idx %arg6[%add3A_425], %gather3A_432 masked %and3A_439 : memref<32799xf32, #tpu.memory_space<vmem>>[vector<16xi32>], vector<16xf32>, vector<16xi1>
              %select_n3A_440 = arith.select %and3A_436, %broadcast_in_dim3A_3, %broadcast_in_dim3A_1 : vector<16xi1>, vector<16xi32>
              %add3A_441 = arith.addi %add3A_423, %select_n3A_440 : vector<16xi32>
              %select_n3A_442 = arith.select %and3A_439, %broadcast_in_dim3A_3, %broadcast_in_dim3A_1 : vector<16xi1>, vector<16xi32>
              %add3A_443 = arith.addi %add3A_425, %select_n3A_442 : vector<16xi32>
              %mul3A_444 = arith.constant 8 : i32
              %mul3A_445 = arith.muli %while3A_317, %mul3A_444 : i32
              %add3A_446 = arith.constant 7 : i32
              %add3A_447 = arith.addi %mul3A_445, %add3A_446 : i32
              %add3A_448 = vector.broadcast %add3A_447 : i32 to vector<16xi32>
              %add3A_449 = arith.addi %mul3A_6, %add3A_448 : vector<16xi32>
              %gather3A_450 = tpu.vector_load_idx %arg5[%add3A_449] : memref<32799xf32, #tpu.memory_space<vmem>>[vector<16xi32>], vector<16xf32>,
              %gt3A_451 = vector.broadcast %add3A_447 : i32 to vector<16xi32>
              %gt3A_452 = arith.cmpi sgt, %while3A_214, %gt3A_451 : vector<16xi32>
              %le3A_453 = arith.cmpf ole, %gather3A_450, %bitcast_convert_type3A_232 : vector<16xf32>
              %and3A_454 = arith.andi %le3A_453, %gt3A_452 : vector<16xi1>
              %not3A_455 = arith.constant dense<true> : vector<16xi1>
              %not3A_456 = arith.xori %le3A_453, %not3A_455 : vector<16xi1>
              %and3A_457 = arith.andi %not3A_456, %gt3A_452 : vector<16xi1>
              tpu.vector_store_idx %arg4[%add3A_441], %gather3A_450 masked %and3A_454 : memref<32799xf32, #tpu.memory_space<vmem>>[vector<16xi32>], vector<16xf32>, vector<16xi1>
              tpu.vector_store_idx %arg6[%add3A_443], %gather3A_450 masked %and3A_457 : memref<32799xf32, #tpu.memory_space<vmem>>[vector<16xi32>], vector<16xf32>, vector<16xi1>
              %select_n3A_458 = arith.select %and3A_454, %broadcast_in_dim3A_3, %broadcast_in_dim3A_1 : vector<16xi1>, vector<16xi32>
              %add3A_459 = arith.addi %add3A_441, %select_n3A_458 : vector<16xi32>
              %select_n3A_460 = arith.select %and3A_457, %broadcast_in_dim3A_3, %broadcast_in_dim3A_1 : vector<16xi1>, vector<16xi32>
              %add3A_461 = arith.addi %add3A_443, %select_n3A_460 : vector<16xi32>
              scf.yield %add3A_459, %add3A_461 : vector<16xi32>, vector<16xi32>
            }
            %while3A_313 = arith.constant 1 : i32
            %while3A_314:2 = scf.for %while3A_317 = %while3A_310 to %while3A_306 step %while3A_313 iter_args(%while3A_318 = %while3A_312#0, %while3A_319 = %while3A_312#1) -> (vector<16xi32>, vector<16xi32>)  : i32 {
              %mul3A_320 = arith.constant 8 : i32
              %mul3A_321 = arith.muli %while3A_317, %mul3A_320 : i32
              %add3A_322 = arith.constant 0 : i32
              %add3A_323 = arith.addi %mul3A_321, %add3A_322 : i32
              %add3A_324 = vector.broadcast %add3A_323 : i32 to vector<16xi32>
              %add3A_325 = arith.addi %mul3A_6, %add3A_324 : vector<16xi32>
              %gather3A = tpu.vector_load_idx %arg5[%add3A_325] : memref<32799xf32, #tpu.memory_space<vmem>>[vector<16xi32>], vector<16xf32>,
              %gt3A_326 = vector.broadcast %add3A_323 : i32 to vector<16xi32>
              %gt3A_327 = arith.cmpi sgt, %while3A_214, %gt3A_326 : vector<16xi32>
              %le3A_328 = arith.cmpf ole, %gather3A, %bitcast_convert_type3A_232 : vector<16xf32>
              %and3A_329 = arith.andi %le3A_328, %gt3A_327 : vector<16xi1>
              %not3A = arith.constant dense<true> : vector<16xi1>
              %not3A_330 = arith.xori %le3A_328, %not3A : vector<16xi1>
              %and3A_331 = arith.andi %not3A_330, %gt3A_327 : vector<16xi1>
              tpu.vector_store_idx %arg4[%while3A_318], %gather3A masked %and3A_329 : memref<32799xf32, #tpu.memory_space<vmem>>[vector<16xi32>], vector<16xf32>, vector<16xi1>
              tpu.vector_store_idx %arg6[%while3A_319], %gather3A masked %and3A_331 : memref<32799xf32, #tpu.memory_space<vmem>>[vector<16xi32>], vector<16xf32>, vector<16xi1>
              %select_n3A_332 = arith.select %and3A_329, %broadcast_in_dim3A_3, %broadcast_in_dim3A_1 : vector<16xi1>, vector<16xi32>
              %add3A_333 = arith.addi %while3A_318, %select_n3A_332 : vector<16xi32>
              %select_n3A_334 = arith.select %and3A_331, %broadcast_in_dim3A_3, %broadcast_in_dim3A_1 : vector<16xi1>, vector<16xi32>
              %add3A_335 = arith.addi %while3A_319, %select_n3A_334 : vector<16xi32>
              %mul3A_336 = arith.constant 8 : i32
              %mul3A_337 = arith.muli %while3A_317, %mul3A_336 : i32
              %add3A_338 = arith.constant 1 : i32
              %add3A_339 = arith.addi %mul3A_337, %add3A_338 : i32
              %add3A_340 = vector.broadcast %add3A_339 : i32 to vector<16xi32>
              %add3A_341 = arith.addi %mul3A_6, %add3A_340 : vector<16xi32>
              %gather3A_342 = tpu.vector_load_idx %arg5[%add3A_341] : memref<32799xf32, #tpu.memory_space<vmem>>[vector<16xi32>], vector<16xf32>,
              %gt3A_343 = vector.broadcast %add3A_339 : i32 to vector<16xi32>
              %gt3A_344 = arith.cmpi sgt, %while3A_214, %gt3A_343 : vector<16xi32>
              %le3A_345 = arith.cmpf ole, %gather3A_342, %bitcast_convert_type3A_232 : vector<16xf32>
              %and3A_346 = arith.andi %le3A_345, %gt3A_344 : vector<16xi1>
              %not3A_347 = arith.constant dense<true> : vector<16xi1>
              %not3A_348 = arith.xori %le3A_345, %not3A_347 : vector<16xi1>
              %and3A_349 = arith.andi %not3A_348, %gt3A_344 : vector<16xi1>
              tpu.vector_store_idx %arg4[%add3A_333], %gather3A_342 masked %and3A_346 : memref<32799xf32, #tpu.memory_space<vmem>>[vector<16xi32>], vector<16xf32>, vector<16xi1>
              tpu.vector_store_idx %arg6[%add3A_335], %gather3A_342 masked %and3A_349 : memref<32799xf32, #tpu.memory_space<vmem>>[vector<16xi32>], vector<16xf32>, vector<16xi1>
              %select_n3A_350 = arith.select %and3A_346, %broadcast_in_dim3A_3, %broadcast_in_dim3A_1 : vector<16xi1>, vector<16xi32>
              %add3A_351 = arith.addi %add3A_333, %select_n3A_350 : vector<16xi32>
              %select_n3A_352 = arith.select %and3A_349, %broadcast_in_dim3A_3, %broadcast_in_dim3A_1 : vector<16xi1>, vector<16xi32>
              %add3A_353 = arith.addi %add3A_335, %select_n3A_352 : vector<16xi32>
              %mul3A_354 = arith.constant 8 : i32
              %mul3A_355 = arith.muli %while3A_317, %mul3A_354 : i32
              %add3A_356 = arith.constant 2 : i32
              %add3A_357 = arith.addi %mul3A_355, %add3A_356 : i32
              %add3A_358 = vector.broadcast %add3A_357 : i32 to vector<16xi32>
              %add3A_359 = arith.addi %mul3A_6, %add3A_358 : vector<16xi32>
              %gather3A_360 = tpu.vector_load_idx %arg5[%add3A_359] : memref<32799xf32, #tpu.memory_space<vmem>>[vector<16xi32>], vector<16xf32>,
              %gt3A_361 = vector.broadcast %add3A_357 : i32 to vector<16xi32>
              %gt3A_362 = arith.cmpi sgt, %while3A_214, %gt3A_361 : vector<16xi32>
              %le3A_363 = arith.cmpf ole, %gather3A_360, %bitcast_convert_type3A_232 : vector<16xf32>
              %and3A_364 = arith.andi %le3A_363, %gt3A_362 : vector<16xi1>
              %not3A_365 = arith.constant dense<true> : vector<16xi1>
              %not3A_366 = arith.xori %le3A_363, %not3A_365 : vector<16xi1>
              %and3A_367 = arith.andi %not3A_366, %gt3A_362 : vector<16xi1>
              tpu.vector_store_idx %arg4[%add3A_351], %gather3A_360 masked %and3A_364 : memref<32799xf32, #tpu.memory_space<vmem>>[vector<16xi32>], vector<16xf32>, vector<16xi1>
              tpu.vector_store_idx %arg6[%add3A_353], %gather3A_360 masked %and3A_367 : memref<32799xf32, #tpu.memory_space<vmem>>[vector<16xi32>], vector<16xf32>, vector<16xi1>
              %select_n3A_368 = arith.select %and3A_364, %broadcast_in_dim3A_3, %broadcast_in_dim3A_1 : vector<16xi1>, vector<16xi32>
              %add3A_369 = arith.addi %add3A_351, %select_n3A_368 : vector<16xi32>
              %select_n3A_370 = arith.select %and3A_367, %broadcast_in_dim3A_3, %broadcast_in_dim3A_1 : vector<16xi1>, vector<16xi32>
              %add3A_371 = arith.addi %add3A_353, %select_n3A_370 : vector<16xi32>
              %mul3A_372 = arith.constant 8 : i32
              %mul3A_373 = arith.muli %while3A_317, %mul3A_372 : i32
              %add3A_374 = arith.constant 3 : i32
              %add3A_375 = arith.addi %mul3A_373, %add3A_374 : i32
              %add3A_376 = vector.broadcast %add3A_375 : i32 to vector<16xi32>
              %add3A_377 = arith.addi %mul3A_6, %add3A_376 : vector<16xi32>
              %gather3A_378 = tpu.vector_load_idx %arg5[%add3A_377] : memref<32799xf32, #tpu.memory_space<vmem>>[vector<16xi32>], vector<16xf32>,
              %gt3A_379 = vector.broadcast %add3A_375 : i32 to vector<16xi32>
              %gt3A_380 = arith.cmpi sgt, %while3A_214, %gt3A_379 : vector<16xi32>
              %le3A_381 = arith.cmpf ole, %gather3A_378, %bitcast_convert_type3A_232 : vector<16xf32>
              %and3A_382 = arith.andi %le3A_381, %gt3A_380 : vector<16xi1>
              %not3A_383 = arith.constant dense<true> : vector<16xi1>
              %not3A_384 = arith.xori %le3A_381, %not3A_383 : vector<16xi1>
              %and3A_385 = arith.andi %not3A_384, %gt3A_380 : vector<16xi1>
              tpu.vector_store_idx %arg4[%add3A_369], %gather3A_378 masked %and3A_382 : memref<32799xf32, #tpu.memory_space<vmem>>[vector<16xi32>], vector<16xf32>, vector<16xi1>
              tpu.vector_store_idx %arg6[%add3A_371], %gather3A_378 masked %and3A_385 : memref<32799xf32, #tpu.memory_space<vmem>>[vector<16xi32>], vector<16xf32>, vector<16xi1>
              %select_n3A_386 = arith.select %and3A_382, %broadcast_in_dim3A_3, %broadcast_in_dim3A_1 : vector<16xi1>, vector<16xi32>
              %add3A_387 = arith.addi %add3A_369, %select_n3A_386 : vector<16xi32>
              %select_n3A_388 = arith.select %and3A_385, %broadcast_in_dim3A_3, %broadcast_in_dim3A_1 : vector<16xi1>, vector<16xi32>
              %add3A_389 = arith.addi %add3A_371, %select_n3A_388 : vector<16xi32>
              %mul3A_390 = arith.constant 8 : i32
              %mul3A_391 = arith.muli %while3A_317, %mul3A_390 : i32
              %add3A_392 = arith.constant 4 : i32
              %add3A_393 = arith.addi %mul3A_391, %add3A_392 : i32
              %add3A_394 = vector.broadcast %add3A_393 : i32 to vector<16xi32>
              %add3A_395 = arith.addi %mul3A_6, %add3A_394 : vector<16xi32>
              %gather3A_396 = tpu.vector_load_idx %arg5[%add3A_395] : memref<32799xf32, #tpu.memory_space<vmem>>[vector<16xi32>], vector<16xf32>,
              %gt3A_397 = vector.broadcast %add3A_393 : i32 to vector<16xi32>
              %gt3A_398 = arith.cmpi sgt, %while3A_214, %gt3A_397 : vector<16xi32>
              %le3A_399 = arith.cmpf ole, %gather3A_396, %bitcast_convert_type3A_232 : vector<16xf32>
              %and3A_400 = arith.andi %le3A_399, %gt3A_398 : vector<16xi1>
              %not3A_401 = arith.constant dense<true> : vector<16xi1>
              %not3A_402 = arith.xori %le3A_399, %not3A_401 : vector<16xi1>
              %and3A_403 = arith.andi %not3A_402, %gt3A_398 : vector<16xi1>
              tpu.vector_store_idx %arg4[%add3A_387], %gather3A_396 masked %and3A_400 : memref<32799xf32, #tpu.memory_space<vmem>>[vector<16xi32>], vector<16xf32>, vector<16xi1>
              tpu.vector_store_idx %arg6[%add3A_389], %gather3A_396 masked %and3A_403 : memref<32799xf32, #tpu.memory_space<vmem>>[vector<16xi32>], vector<16xf32>, vector<16xi1>
              %select_n3A_404 = arith.select %and3A_400, %broadcast_in_dim3A_3, %broadcast_in_dim3A_1 : vector<16xi1>, vector<16xi32>
              %add3A_405 = arith.addi %add3A_387, %select_n3A_404 : vector<16xi32>
              %select_n3A_406 = arith.select %and3A_403, %broadcast_in_dim3A_3, %broadcast_in_dim3A_1 : vector<16xi1>, vector<16xi32>
              %add3A_407 = arith.addi %add3A_389, %select_n3A_406 : vector<16xi32>
              %mul3A_408 = arith.constant 8 : i32
              %mul3A_409 = arith.muli %while3A_317, %mul3A_408 : i32
              %add3A_410 = arith.constant 5 : i32
              %add3A_411 = arith.addi %mul3A_409, %add3A_410 : i32
              %add3A_412 = vector.broadcast %add3A_411 : i32 to vector<16xi32>
              %add3A_413 = arith.addi %mul3A_6, %add3A_412 : vector<16xi32>
              %gather3A_414 = tpu.vector_load_idx %arg5[%add3A_413] : memref<32799xf32, #tpu.memory_space<vmem>>[vector<16xi32>], vector<16xf32>,
              %gt3A_415 = vector.broadcast %add3A_411 : i32 to vector<16xi32>
              %gt3A_416 = arith.cmpi sgt, %while3A_214, %gt3A_415 : vector<16xi32>
              %le3A_417 = arith.cmpf ole, %gather3A_414, %bitcast_convert_type3A_232 : vector<16xf32>
              %and3A_418 = arith.andi %le3A_417, %gt3A_416 : vector<16xi1>
              %not3A_419 = arith.constant dense<true> : vector<16xi1>
              %not3A_420 = arith.xori %le3A_417, %not3A_419 : vector<16xi1>
              %and3A_421 = arith.andi %not3A_420, %gt3A_416 : vector<16xi1>
              tpu.vector_store_idx %arg4[%add3A_405], %gather3A_414 masked %and3A_418 : memref<32799xf32, #tpu.memory_space<vmem>>[vector<16xi32>], vector<16xf32>, vector<16xi1>
              tpu.vector_store_idx %arg6[%add3A_407], %gather3A_414 masked %and3A_421 : memref<32799xf32, #tpu.memory_space<vmem>>[vector<16xi32>], vector<16xf32>, vector<16xi1>
              %select_n3A_422 = arith.select %and3A_418, %broadcast_in_dim3A_3, %broadcast_in_dim3A_1 : vector<16xi1>, vector<16xi32>
              %add3A_423 = arith.addi %add3A_405, %select_n3A_422 : vector<16xi32>
              %select_n3A_424 = arith.select %and3A_421, %broadcast_in_dim3A_3, %broadcast_in_dim3A_1 : vector<16xi1>, vector<16xi32>
              %add3A_425 = arith.addi %add3A_407, %select_n3A_424 : vector<16xi32>
              %mul3A_426 = arith.constant 8 : i32
              %mul3A_427 = arith.muli %while3A_317, %mul3A_426 : i32
              %add3A_428 = arith.constant 6 : i32
              %add3A_429 = arith.addi %mul3A_427, %add3A_428 : i32
              %add3A_430 = vector.broadcast %add3A_429 : i32 to vector<16xi32>
              %add3A_431 = arith.addi %mul3A_6, %add3A_430 : vector<16xi32>
              %gather3A_432 = tpu.vector_load_idx %arg5[%add3A_431] : memref<32799xf32, #tpu.memory_space<vmem>>[vector<16xi32>], vector<16xf32>,
              %gt3A_433 = vector.broadcast %add3A_429 : i32 to vector<16xi32>
              %gt3A_434 = arith.cmpi sgt, %while3A_214, %gt3A_433 : vector<16xi32>
              %le3A_435 = arith.cmpf ole, %gather3A_432, %bitcast_convert_type3A_232 : vector<16xf32>
              %and3A_436 = arith.andi %le3A_435, %gt3A_434 : vector<16xi1>
              %not3A_437 = arith.constant dense<true> : vector<16xi1>
              %not3A_438 = arith.xori %le3A_435, %not3A_437 : vector<16xi1>
              %and3A_439 = arith.andi %not3A_438, %gt3A_434 : vector<16xi1>
              tpu.vector_store_idx %arg4[%add3A_423], %gather3A_432 masked %and3A_436 : memref<32799xf32, #tpu.memory_space<vmem>>[vector<16xi32>], vector<16xf32>, vector<16xi1>
              tpu.vector_store_idx %arg6[%add3A_425], %gather3A_432 masked %and3A_439 : memref<32799xf32, #tpu.memory_space<vmem>>[vector<16xi32>], vector<16xf32>, vector<16xi1>
              %select_n3A_440 = arith.select %and3A_436, %broadcast_in_dim3A_3, %broadcast_in_dim3A_1 : vector<16xi1>, vector<16xi32>
              %add3A_441 = arith.addi %add3A_423, %select_n3A_440 : vector<16xi32>
              %select_n3A_442 = arith.select %and3A_439, %broadcast_in_dim3A_3, %broadcast_in_dim3A_1 : vector<16xi1>, vector<16xi32>
              %add3A_443 = arith.addi %add3A_425, %select_n3A_442 : vector<16xi32>
              %mul3A_444 = arith.constant 8 : i32
              %mul3A_445 = arith.muli %while3A_317, %mul3A_444 : i32
              %add3A_446 = arith.constant 7 : i32
              %add3A_447 = arith.addi %mul3A_445, %add3A_446 : i32
              %add3A_448 = vector.broadcast %add3A_447 : i32 to vector<16xi32>
              %add3A_449 = arith.addi %mul3A_6, %add3A_448 : vector<16xi32>
              %gather3A_450 = tpu.vector_load_idx %arg5[%add3A_449] : memref<32799xf32, #tpu.memory_space<vmem>>[vector<16xi32>], vector<16xf32>,
              %gt3A_451 = vector.broadcast %add3A_447 : i32 to vector<16xi32>
              %gt3A_452 = arith.cmpi sgt, %while3A_214, %gt3A_451 : vector<16xi32>
              %le3A_453 = arith.cmpf ole, %gather3A_450, %bitcast_convert_type3A_232 : vector<16xf32>
              %and3A_454 = arith.andi %le3A_453, %gt3A_452 : vector<16xi1>
              %not3A_455 = arith.constant dense<true> : vector<16xi1>
              %not3A_456 = arith.xori %le3A_453, %not3A_455 : vector<16xi1>
              %and3A_457 = arith.andi %not3A_456, %gt3A_452 : vector<16xi1>
              tpu.vector_store_idx %arg4[%add3A_441], %gather3A_450 masked %and3A_454 : memref<32799xf32, #tpu.memory_space<vmem>>[vector<16xi32>], vector<16xf32>, vector<16xi1>
              tpu.vector_store_idx %arg6[%add3A_443], %gather3A_450 masked %and3A_457 : memref<32799xf32, #tpu.memory_space<vmem>>[vector<16xi32>], vector<16xf32>, vector<16xi1>
              %select_n3A_458 = arith.select %and3A_454, %broadcast_in_dim3A_3, %broadcast_in_dim3A_1 : vector<16xi1>, vector<16xi32>
              %add3A_459 = arith.addi %add3A_441, %select_n3A_458 : vector<16xi32>
              %select_n3A_460 = arith.select %and3A_457, %broadcast_in_dim3A_3, %broadcast_in_dim3A_1 : vector<16xi1>, vector<16xi32>
              %add3A_461 = arith.addi %add3A_443, %select_n3A_460 : vector<16xi32>
              scf.yield %add3A_459, %add3A_461 : vector<16xi32>, vector<16xi32>
            }
            %sub3A_315 = arith.subi %while3A_314#0, %mul3A_6 : vector<16xi32>
            %sub3A_316 = arith.subi %while3A_314#1, %mul3A_6 : vector<16xi32>
            scf.yield %sub3A_315, %sub3A_316 : vector<16xi32>, vector<16xi32>
          } else {
            %broadcast_in_dim3A_275 = arith.constant true
            %broadcast_in_dim3A_276 = vector.broadcast %broadcast_in_dim3A_275 : i1 to vector<16xi1>
            %masked_cummax3A = arith.constant -2147483648 : i32
            %masked_cummax3A_277 = vector.broadcast %masked_cummax3A : i32 to vector<16xi32>
            %masked_cummax3A_278 = arith.xori %while3A_214, %masked_cummax3A_277 : vector<16xi32>
            %masked_cummax3A_279 = tpu.scan <max>, %masked_cummax3A_278 masked %broadcast_in_dim3A_276 : vector<16xi32>, vector<16xi1> -> vector<16xi32>
            %masked_cummax3A_280 = arith.xori %masked_cummax3A_279, %masked_cummax3A_277 : vector<16xi32>
            %slice3A_281 = vector.extract_strided_slice %masked_cummax3A_280 {offsets = [15], sizes = [1], strides = [1]} : vector<16xi32> to vector<1xi32>
            %squeeze3A_282 = vector.extract %slice3A_281[0] : i32 from vector<1xi32>
            %add3A_283 = arith.constant 7 : i32
            %add3A_284 = arith.addi %squeeze3A_282, %add3A_283 : i32
            %jit3A_285 = arith.constant 8 : i32
            %div3A = arith.divsi %add3A_284, %jit3A_285 : i32
            %sign3A = arith.constant 0 : i32
            %sign3A_286 = arith.cmpi sgt, %add3A_284, %sign3A : i32
            %sign3A_287 = arith.extui %sign3A_286 : i1 to i32
            %sign3A_288 = arith.constant 0 : i32
            %sign3A_289 = arith.cmpi slt, %add3A_284, %sign3A_288 : i32
            %sign3A_290 = arith.extui %sign3A_289 : i1 to i32
            %sign3A_291 = arith.subi %sign3A_287, %sign3A_290 : i32
            %sign3A_292 = arith.constant 0 : i32
            %sign3A_293 = arith.cmpi sgt, %jit3A_285, %sign3A_292 : i32
            %sign3A_294 = arith.extui %sign3A_293 : i1 to i32
            %sign3A_295 = arith.constant 0 : i32
            %sign3A_296 = arith.cmpi slt, %jit3A_285, %sign3A_295 : i32
            %sign3A_297 = arith.extui %sign3A_296 : i1 to i32
            %sign3A_298 = arith.subi %sign3A_294, %sign3A_297 : i32
            %ne3A = arith.cmpi ne, %sign3A_291, %sign3A_298 : i32
            %rem3A = arith.remsi %add3A_284, %jit3A_285 : i32
            %ne3A_299 = arith.constant 0 : i32
            %ne3A_300 = arith.cmpi ne, %rem3A, %ne3A_299 : i32
            %and3A = arith.andi %ne3A, %ne3A_300 : i1
            %sub3A_301 = arith.constant 1 : i32
            %sub3A_302 = arith.subi %div3A, %sub3A_301 : i32
            %select_n3A_303 = arith.select %and3A, %sub3A_302, %div3A : i32
            %while3A_304 = arith.constant 0 : i32
            %while3A_305 = arith.subi %select_n3A_303, %while3A_304 : i32
            %while3A_306 = arith.addi %while3A_304, %while3A_305 : i32
            %while3A_307 = arith.constant 1 : i32
            %while3A_308 = arith.divsi %while3A_305, %while3A_307 : i32
            %while3A_309 = arith.muli %while3A_308, %while3A_307 : i32
            %while3A_310 = arith.addi %while3A_304, %while3A_309 : i32
            %while3A_311 = arith.constant 1 : i32
            %while3A_312:2 = scf.for %while3A_317 = %while3A_304 to %while3A_310 step %while3A_311 iter_args(%while3A_318 = %mul3A_6, %while3A_319 = %mul3A_6) -> (vector<16xi32>, vector<16xi32>)  : i32 {
              %mul3A_320 = arith.constant 8 : i32
              %mul3A_321 = arith.muli %while3A_317, %mul3A_320 : i32
              %add3A_322 = arith.constant 0 : i32
              %add3A_323 = arith.addi %mul3A_321, %add3A_322 : i32
              %add3A_324 = vector.broadcast %add3A_323 : i32 to vector<16xi32>
              %add3A_325 = arith.addi %mul3A_6, %add3A_324 : vector<16xi32>
              %gather3A = tpu.vector_load_idx %arg6[%add3A_325] : memref<32799xf32, #tpu.memory_space<vmem>>[vector<16xi32>], vector<16xf32>,
              %gt3A_326 = vector.broadcast %add3A_323 : i32 to vector<16xi32>
              %gt3A_327 = arith.cmpi sgt, %while3A_214, %gt3A_326 : vector<16xi32>
              %le3A_328 = arith.cmpf ole, %gather3A, %bitcast_convert_type3A_232 : vector<16xf32>
              %and3A_329 = arith.andi %le3A_328, %gt3A_327 : vector<16xi1>
              %not3A = arith.constant dense<true> : vector<16xi1>
              %not3A_330 = arith.xori %le3A_328, %not3A : vector<16xi1>
              %and3A_331 = arith.andi %not3A_330, %gt3A_327 : vector<16xi1>
              tpu.vector_store_idx %arg4[%while3A_318], %gather3A masked %and3A_329 : memref<32799xf32, #tpu.memory_space<vmem>>[vector<16xi32>], vector<16xf32>, vector<16xi1>
              tpu.vector_store_idx %arg5[%while3A_319], %gather3A masked %and3A_331 : memref<32799xf32, #tpu.memory_space<vmem>>[vector<16xi32>], vector<16xf32>, vector<16xi1>
              %select_n3A_332 = arith.select %and3A_329, %broadcast_in_dim3A_3, %broadcast_in_dim3A_1 : vector<16xi1>, vector<16xi32>
              %add3A_333 = arith.addi %while3A_318, %select_n3A_332 : vector<16xi32>
              %select_n3A_334 = arith.select %and3A_331, %broadcast_in_dim3A_3, %broadcast_in_dim3A_1 : vector<16xi1>, vector<16xi32>
              %add3A_335 = arith.addi %while3A_319, %select_n3A_334 : vector<16xi32>
              %mul3A_336 = arith.constant 8 : i32
              %mul3A_337 = arith.muli %while3A_317, %mul3A_336 : i32
              %add3A_338 = arith.constant 1 : i32
              %add3A_339 = arith.addi %mul3A_337, %add3A_338 : i32
              %add3A_340 = vector.broadcast %add3A_339 : i32 to vector<16xi32>
              %add3A_341 = arith.addi %mul3A_6, %add3A_340 : vector<16xi32>
              %gather3A_342 = tpu.vector_load_idx %arg6[%add3A_341] : memref<32799xf32, #tpu.memory_space<vmem>>[vector<16xi32>], vector<16xf32>,
              %gt3A_343 = vector.broadcast %add3A_339 : i32 to vector<16xi32>
              %gt3A_344 = arith.cmpi sgt, %while3A_214, %gt3A_343 : vector<16xi32>
              %le3A_345 = arith.cmpf ole, %gather3A_342, %bitcast_convert_type3A_232 : vector<16xf32>
              %and3A_346 = arith.andi %le3A_345, %gt3A_344 : vector<16xi1>
              %not3A_347 = arith.constant dense<true> : vector<16xi1>
              %not3A_348 = arith.xori %le3A_345, %not3A_347 : vector<16xi1>
              %and3A_349 = arith.andi %not3A_348, %gt3A_344 : vector<16xi1>
              tpu.vector_store_idx %arg4[%add3A_333], %gather3A_342 masked %and3A_346 : memref<32799xf32, #tpu.memory_space<vmem>>[vector<16xi32>], vector<16xf32>, vector<16xi1>
              tpu.vector_store_idx %arg5[%add3A_335], %gather3A_342 masked %and3A_349 : memref<32799xf32, #tpu.memory_space<vmem>>[vector<16xi32>], vector<16xf32>, vector<16xi1>
              %select_n3A_350 = arith.select %and3A_346, %broadcast_in_dim3A_3, %broadcast_in_dim3A_1 : vector<16xi1>, vector<16xi32>
              %add3A_351 = arith.addi %add3A_333, %select_n3A_350 : vector<16xi32>
              %select_n3A_352 = arith.select %and3A_349, %broadcast_in_dim3A_3, %broadcast_in_dim3A_1 : vector<16xi1>, vector<16xi32>
              %add3A_353 = arith.addi %add3A_335, %select_n3A_352 : vector<16xi32>
              %mul3A_354 = arith.constant 8 : i32
              %mul3A_355 = arith.muli %while3A_317, %mul3A_354 : i32
              %add3A_356 = arith.constant 2 : i32
              %add3A_357 = arith.addi %mul3A_355, %add3A_356 : i32
              %add3A_358 = vector.broadcast %add3A_357 : i32 to vector<16xi32>
              %add3A_359 = arith.addi %mul3A_6, %add3A_358 : vector<16xi32>
              %gather3A_360 = tpu.vector_load_idx %arg6[%add3A_359] : memref<32799xf32, #tpu.memory_space<vmem>>[vector<16xi32>], vector<16xf32>,
              %gt3A_361 = vector.broadcast %add3A_357 : i32 to vector<16xi32>
              %gt3A_362 = arith.cmpi sgt, %while3A_214, %gt3A_361 : vector<16xi32>
              %le3A_363 = arith.cmpf ole, %gather3A_360, %bitcast_convert_type3A_232 : vector<16xf32>
              %and3A_364 = arith.andi %le3A_363, %gt3A_362 : vector<16xi1>
              %not3A_365 = arith.constant dense<true> : vector<16xi1>
              %not3A_366 = arith.xori %le3A_363, %not3A_365 : vector<16xi1>
              %and3A_367 = arith.andi %not3A_366, %gt3A_362 : vector<16xi1>
              tpu.vector_store_idx %arg4[%add3A_351], %gather3A_360 masked %and3A_364 : memref<32799xf32, #tpu.memory_space<vmem>>[vector<16xi32>], vector<16xf32>, vector<16xi1>
              tpu.vector_store_idx %arg5[%add3A_353], %gather3A_360 masked %and3A_367 : memref<32799xf32, #tpu.memory_space<vmem>>[vector<16xi32>], vector<16xf32>, vector<16xi1>
              %select_n3A_368 = arith.select %and3A_364, %broadcast_in_dim3A_3, %broadcast_in_dim3A_1 : vector<16xi1>, vector<16xi32>
              %add3A_369 = arith.addi %add3A_351, %select_n3A_368 : vector<16xi32>
              %select_n3A_370 = arith.select %and3A_367, %broadcast_in_dim3A_3, %broadcast_in_dim3A_1 : vector<16xi1>, vector<16xi32>
              %add3A_371 = arith.addi %add3A_353, %select_n3A_370 : vector<16xi32>
              %mul3A_372 = arith.constant 8 : i32
              %mul3A_373 = arith.muli %while3A_317, %mul3A_372 : i32
              %add3A_374 = arith.constant 3 : i32
              %add3A_375 = arith.addi %mul3A_373, %add3A_374 : i32
              %add3A_376 = vector.broadcast %add3A_375 : i32 to vector<16xi32>
              %add3A_377 = arith.addi %mul3A_6, %add3A_376 : vector<16xi32>
              %gather3A_378 = tpu.vector_load_idx %arg6[%add3A_377] : memref<32799xf32, #tpu.memory_space<vmem>>[vector<16xi32>], vector<16xf32>,
              %gt3A_379 = vector.broadcast %add3A_375 : i32 to vector<16xi32>
              %gt3A_380 = arith.cmpi sgt, %while3A_214, %gt3A_379 : vector<16xi32>
              %le3A_381 = arith.cmpf ole, %gather3A_378, %bitcast_convert_type3A_232 : vector<16xf32>
              %and3A_382 = arith.andi %le3A_381, %gt3A_380 : vector<16xi1>
              %not3A_383 = arith.constant dense<true> : vector<16xi1>
              %not3A_384 = arith.xori %le3A_381, %not3A_383 : vector<16xi1>
              %and3A_385 = arith.andi %not3A_384, %gt3A_380 : vector<16xi1>
              tpu.vector_store_idx %arg4[%add3A_369], %gather3A_378 masked %and3A_382 : memref<32799xf32, #tpu.memory_space<vmem>>[vector<16xi32>], vector<16xf32>, vector<16xi1>
              tpu.vector_store_idx %arg5[%add3A_371], %gather3A_378 masked %and3A_385 : memref<32799xf32, #tpu.memory_space<vmem>>[vector<16xi32>], vector<16xf32>, vector<16xi1>
              %select_n3A_386 = arith.select %and3A_382, %broadcast_in_dim3A_3, %broadcast_in_dim3A_1 : vector<16xi1>, vector<16xi32>
              %add3A_387 = arith.addi %add3A_369, %select_n3A_386 : vector<16xi32>
              %select_n3A_388 = arith.select %and3A_385, %broadcast_in_dim3A_3, %broadcast_in_dim3A_1 : vector<16xi1>, vector<16xi32>
              %add3A_389 = arith.addi %add3A_371, %select_n3A_388 : vector<16xi32>
              %mul3A_390 = arith.constant 8 : i32
              %mul3A_391 = arith.muli %while3A_317, %mul3A_390 : i32
              %add3A_392 = arith.constant 4 : i32
              %add3A_393 = arith.addi %mul3A_391, %add3A_392 : i32
              %add3A_394 = vector.broadcast %add3A_393 : i32 to vector<16xi32>
              %add3A_395 = arith.addi %mul3A_6, %add3A_394 : vector<16xi32>
              %gather3A_396 = tpu.vector_load_idx %arg6[%add3A_395] : memref<32799xf32, #tpu.memory_space<vmem>>[vector<16xi32>], vector<16xf32>,
              %gt3A_397 = vector.broadcast %add3A_393 : i32 to vector<16xi32>
              %gt3A_398 = arith.cmpi sgt, %while3A_214, %gt3A_397 : vector<16xi32>
              %le3A_399 = arith.cmpf ole, %gather3A_396, %bitcast_convert_type3A_232 : vector<16xf32>
              %and3A_400 = arith.andi %le3A_399, %gt3A_398 : vector<16xi1>
              %not3A_401 = arith.constant dense<true> : vector<16xi1>
              %not3A_402 = arith.xori %le3A_399, %not3A_401 : vector<16xi1>
              %and3A_403 = arith.andi %not3A_402, %gt3A_398 : vector<16xi1>
              tpu.vector_store_idx %arg4[%add3A_387], %gather3A_396 masked %and3A_400 : memref<32799xf32, #tpu.memory_space<vmem>>[vector<16xi32>], vector<16xf32>, vector<16xi1>
              tpu.vector_store_idx %arg5[%add3A_389], %gather3A_396 masked %and3A_403 : memref<32799xf32, #tpu.memory_space<vmem>>[vector<16xi32>], vector<16xf32>, vector<16xi1>
              %select_n3A_404 = arith.select %and3A_400, %broadcast_in_dim3A_3, %broadcast_in_dim3A_1 : vector<16xi1>, vector<16xi32>
              %add3A_405 = arith.addi %add3A_387, %select_n3A_404 : vector<16xi32>
              %select_n3A_406 = arith.select %and3A_403, %broadcast_in_dim3A_3, %broadcast_in_dim3A_1 : vector<16xi1>, vector<16xi32>
              %add3A_407 = arith.addi %add3A_389, %select_n3A_406 : vector<16xi32>
              %mul3A_408 = arith.constant 8 : i32
              %mul3A_409 = arith.muli %while3A_317, %mul3A_408 : i32
              %add3A_410 = arith.constant 5 : i32
              %add3A_411 = arith.addi %mul3A_409, %add3A_410 : i32
              %add3A_412 = vector.broadcast %add3A_411 : i32 to vector<16xi32>
              %add3A_413 = arith.addi %mul3A_6, %add3A_412 : vector<16xi32>
              %gather3A_414 = tpu.vector_load_idx %arg6[%add3A_413] : memref<32799xf32, #tpu.memory_space<vmem>>[vector<16xi32>], vector<16xf32>,
              %gt3A_415 = vector.broadcast %add3A_411 : i32 to vector<16xi32>
              %gt3A_416 = arith.cmpi sgt, %while3A_214, %gt3A_415 : vector<16xi32>
              %le3A_417 = arith.cmpf ole, %gather3A_414, %bitcast_convert_type3A_232 : vector<16xf32>
              %and3A_418 = arith.andi %le3A_417, %gt3A_416 : vector<16xi1>
              %not3A_419 = arith.constant dense<true> : vector<16xi1>
              %not3A_420 = arith.xori %le3A_417, %not3A_419 : vector<16xi1>
              %and3A_421 = arith.andi %not3A_420, %gt3A_416 : vector<16xi1>
              tpu.vector_store_idx %arg4[%add3A_405], %gather3A_414 masked %and3A_418 : memref<32799xf32, #tpu.memory_space<vmem>>[vector<16xi32>], vector<16xf32>, vector<16xi1>
              tpu.vector_store_idx %arg5[%add3A_407], %gather3A_414 masked %and3A_421 : memref<32799xf32, #tpu.memory_space<vmem>>[vector<16xi32>], vector<16xf32>, vector<16xi1>
              %select_n3A_422 = arith.select %and3A_418, %broadcast_in_dim3A_3, %broadcast_in_dim3A_1 : vector<16xi1>, vector<16xi32>
              %add3A_423 = arith.addi %add3A_405, %select_n3A_422 : vector<16xi32>
              %select_n3A_424 = arith.select %and3A_421, %broadcast_in_dim3A_3, %broadcast_in_dim3A_1 : vector<16xi1>, vector<16xi32>
              %add3A_425 = arith.addi %add3A_407, %select_n3A_424 : vector<16xi32>
              %mul3A_426 = arith.constant 8 : i32
              %mul3A_427 = arith.muli %while3A_317, %mul3A_426 : i32
              %add3A_428 = arith.constant 6 : i32
              %add3A_429 = arith.addi %mul3A_427, %add3A_428 : i32
              %add3A_430 = vector.broadcast %add3A_429 : i32 to vector<16xi32>
              %add3A_431 = arith.addi %mul3A_6, %add3A_430 : vector<16xi32>
              %gather3A_432 = tpu.vector_load_idx %arg6[%add3A_431] : memref<32799xf32, #tpu.memory_space<vmem>>[vector<16xi32>], vector<16xf32>,
              %gt3A_433 = vector.broadcast %add3A_429 : i32 to vector<16xi32>
              %gt3A_434 = arith.cmpi sgt, %while3A_214, %gt3A_433 : vector<16xi32>
              %le3A_435 = arith.cmpf ole, %gather3A_432, %bitcast_convert_type3A_232 : vector<16xf32>
              %and3A_436 = arith.andi %le3A_435, %gt3A_434 : vector<16xi1>
              %not3A_437 = arith.constant dense<true> : vector<16xi1>
              %not3A_438 = arith.xori %le3A_435, %not3A_437 : vector<16xi1>
              %and3A_439 = arith.andi %not3A_438, %gt3A_434 : vector<16xi1>
              tpu.vector_store_idx %arg4[%add3A_423], %gather3A_432 masked %and3A_436 : memref<32799xf32, #tpu.memory_space<vmem>>[vector<16xi32>], vector<16xf32>, vector<16xi1>
              tpu.vector_store_idx %arg5[%add3A_425], %gather3A_432 masked %and3A_439 : memref<32799xf32, #tpu.memory_space<vmem>>[vector<16xi32>], vector<16xf32>, vector<16xi1>
              %select_n3A_440 = arith.select %and3A_436, %broadcast_in_dim3A_3, %broadcast_in_dim3A_1 : vector<16xi1>, vector<16xi32>
              %add3A_441 = arith.addi %add3A_423, %select_n3A_440 : vector<16xi32>
              %select_n3A_442 = arith.select %and3A_439, %broadcast_in_dim3A_3, %broadcast_in_dim3A_1 : vector<16xi1>, vector<16xi32>
              %add3A_443 = arith.addi %add3A_425, %select_n3A_442 : vector<16xi32>
              %mul3A_444 = arith.constant 8 : i32
              %mul3A_445 = arith.muli %while3A_317, %mul3A_444 : i32
              %add3A_446 = arith.constant 7 : i32
              %add3A_447 = arith.addi %mul3A_445, %add3A_446 : i32
              %add3A_448 = vector.broadcast %add3A_447 : i32 to vector<16xi32>
              %add3A_449 = arith.addi %mul3A_6, %add3A_448 : vector<16xi32>
              %gather3A_450 = tpu.vector_load_idx %arg6[%add3A_449] : memref<32799xf32, #tpu.memory_space<vmem>>[vector<16xi32>], vector<16xf32>,
              %gt3A_451 = vector.broadcast %add3A_447 : i32 to vector<16xi32>
              %gt3A_452 = arith.cmpi sgt, %while3A_214, %gt3A_451 : vector<16xi32>
              %le3A_453 = arith.cmpf ole, %gather3A_450, %bitcast_convert_type3A_232 : vector<16xf32>
              %and3A_454 = arith.andi %le3A_453, %gt3A_452 : vector<16xi1>
              %not3A_455 = arith.constant dense<true> : vector<16xi1>
              %not3A_456 = arith.xori %le3A_453, %not3A_455 : vector<16xi1>
              %and3A_457 = arith.andi %not3A_456, %gt3A_452 : vector<16xi1>
              tpu.vector_store_idx %arg4[%add3A_441], %gather3A_450 masked %and3A_454 : memref<32799xf32, #tpu.memory_space<vmem>>[vector<16xi32>], vector<16xf32>, vector<16xi1>
              tpu.vector_store_idx %arg5[%add3A_443], %gather3A_450 masked %and3A_457 : memref<32799xf32, #tpu.memory_space<vmem>>[vector<16xi32>], vector<16xf32>, vector<16xi1>
              %select_n3A_458 = arith.select %and3A_454, %broadcast_in_dim3A_3, %broadcast_in_dim3A_1 : vector<16xi1>, vector<16xi32>
              %add3A_459 = arith.addi %add3A_441, %select_n3A_458 : vector<16xi32>
              %select_n3A_460 = arith.select %and3A_457, %broadcast_in_dim3A_3, %broadcast_in_dim3A_1 : vector<16xi1>, vector<16xi32>
              %add3A_461 = arith.addi %add3A_443, %select_n3A_460 : vector<16xi32>
              scf.yield %add3A_459, %add3A_461 : vector<16xi32>, vector<16xi32>
            }
            %while3A_313 = arith.constant 1 : i32
            %while3A_314:2 = scf.for %while3A_317 = %while3A_310 to %while3A_306 step %while3A_313 iter_args(%while3A_318 = %while3A_312#0, %while3A_319 = %while3A_312#1) -> (vector<16xi32>, vector<16xi32>)  : i32 {
              %mul3A_320 = arith.constant 8 : i32
              %mul3A_321 = arith.muli %while3A_317, %mul3A_320 : i32
              %add3A_322 = arith.constant 0 : i32
              %add3A_323 = arith.addi %mul3A_321, %add3A_322 : i32
              %add3A_324 = vector.broadcast %add3A_323 : i32 to vector<16xi32>
              %add3A_325 = arith.addi %mul3A_6, %add3A_324 : vector<16xi32>
              %gather3A = tpu.vector_load_idx %arg6[%add3A_325] : memref<32799xf32, #tpu.memory_space<vmem>>[vector<16xi32>], vector<16xf32>,
              %gt3A_326 = vector.broadcast %add3A_323 : i32 to vector<16xi32>
              %gt3A_327 = arith.cmpi sgt, %while3A_214, %gt3A_326 : vector<16xi32>
              %le3A_328 = arith.cmpf ole, %gather3A, %bitcast_convert_type3A_232 : vector<16xf32>
              %and3A_329 = arith.andi %le3A_328, %gt3A_327 : vector<16xi1>
              %not3A = arith.constant dense<true> : vector<16xi1>
              %not3A_330 = arith.xori %le3A_328, %not3A : vector<16xi1>
              %and3A_331 = arith.andi %not3A_330, %gt3A_327 : vector<16xi1>
              tpu.vector_store_idx %arg4[%while3A_318], %gather3A masked %and3A_329 : memref<32799xf32, #tpu.memory_space<vmem>>[vector<16xi32>], vector<16xf32>, vector<16xi1>
              tpu.vector_store_idx %arg5[%while3A_319], %gather3A masked %and3A_331 : memref<32799xf32, #tpu.memory_space<vmem>>[vector<16xi32>], vector<16xf32>, vector<16xi1>
              %select_n3A_332 = arith.select %and3A_329, %broadcast_in_dim3A_3, %broadcast_in_dim3A_1 : vector<16xi1>, vector<16xi32>
              %add3A_333 = arith.addi %while3A_318, %select_n3A_332 : vector<16xi32>
              %select_n3A_334 = arith.select %and3A_331, %broadcast_in_dim3A_3, %broadcast_in_dim3A_1 : vector<16xi1>, vector<16xi32>
              %add3A_335 = arith.addi %while3A_319, %select_n3A_334 : vector<16xi32>
              %mul3A_336 = arith.constant 8 : i32
              %mul3A_337 = arith.muli %while3A_317, %mul3A_336 : i32
              %add3A_338 = arith.constant 1 : i32
              %add3A_339 = arith.addi %mul3A_337, %add3A_338 : i32
              %add3A_340 = vector.broadcast %add3A_339 : i32 to vector<16xi32>
              %add3A_341 = arith.addi %mul3A_6, %add3A_340 : vector<16xi32>
              %gather3A_342 = tpu.vector_load_idx %arg6[%add3A_341] : memref<32799xf32, #tpu.memory_space<vmem>>[vector<16xi32>], vector<16xf32>,
              %gt3A_343 = vector.broadcast %add3A_339 : i32 to vector<16xi32>
              %gt3A_344 = arith.cmpi sgt, %while3A_214, %gt3A_343 : vector<16xi32>
              %le3A_345 = arith.cmpf ole, %gather3A_342, %bitcast_convert_type3A_232 : vector<16xf32>
              %and3A_346 = arith.andi %le3A_345, %gt3A_344 : vector<16xi1>
              %not3A_347 = arith.constant dense<true> : vector<16xi1>
              %not3A_348 = arith.xori %le3A_345, %not3A_347 : vector<16xi1>
              %and3A_349 = arith.andi %not3A_348, %gt3A_344 : vector<16xi1>
              tpu.vector_store_idx %arg4[%add3A_333], %gather3A_342 masked %and3A_346 : memref<32799xf32, #tpu.memory_space<vmem>>[vector<16xi32>], vector<16xf32>, vector<16xi1>
              tpu.vector_store_idx %arg5[%add3A_335], %gather3A_342 masked %and3A_349 : memref<32799xf32, #tpu.memory_space<vmem>>[vector<16xi32>], vector<16xf32>, vector<16xi1>
              %select_n3A_350 = arith.select %and3A_346, %broadcast_in_dim3A_3, %broadcast_in_dim3A_1 : vector<16xi1>, vector<16xi32>
              %add3A_351 = arith.addi %add3A_333, %select_n3A_350 : vector<16xi32>
              %select_n3A_352 = arith.select %and3A_349, %broadcast_in_dim3A_3, %broadcast_in_dim3A_1 : vector<16xi1>, vector<16xi32>
              %add3A_353 = arith.addi %add3A_335, %select_n3A_352 : vector<16xi32>
              %mul3A_354 = arith.constant 8 : i32
              %mul3A_355 = arith.muli %while3A_317, %mul3A_354 : i32
              %add3A_356 = arith.constant 2 : i32
              %add3A_357 = arith.addi %mul3A_355, %add3A_356 : i32
              %add3A_358 = vector.broadcast %add3A_357 : i32 to vector<16xi32>
              %add3A_359 = arith.addi %mul3A_6, %add3A_358 : vector<16xi32>
              %gather3A_360 = tpu.vector_load_idx %arg6[%add3A_359] : memref<32799xf32, #tpu.memory_space<vmem>>[vector<16xi32>], vector<16xf32>,
              %gt3A_361 = vector.broadcast %add3A_357 : i32 to vector<16xi32>
              %gt3A_362 = arith.cmpi sgt, %while3A_214, %gt3A_361 : vector<16xi32>
              %le3A_363 = arith.cmpf ole, %gather3A_360, %bitcast_convert_type3A_232 : vector<16xf32>
              %and3A_364 = arith.andi %le3A_363, %gt3A_362 : vector<16xi1>
              %not3A_365 = arith.constant dense<true> : vector<16xi1>
              %not3A_366 = arith.xori %le3A_363, %not3A_365 : vector<16xi1>
              %and3A_367 = arith.andi %not3A_366, %gt3A_362 : vector<16xi1>
              tpu.vector_store_idx %arg4[%add3A_351], %gather3A_360 masked %and3A_364 : memref<32799xf32, #tpu.memory_space<vmem>>[vector<16xi32>], vector<16xf32>, vector<16xi1>
              tpu.vector_store_idx %arg5[%add3A_353], %gather3A_360 masked %and3A_367 : memref<32799xf32, #tpu.memory_space<vmem>>[vector<16xi32>], vector<16xf32>, vector<16xi1>
              %select_n3A_368 = arith.select %and3A_364, %broadcast_in_dim3A_3, %broadcast_in_dim3A_1 : vector<16xi1>, vector<16xi32>
              %add3A_369 = arith.addi %add3A_351, %select_n3A_368 : vector<16xi32>
              %select_n3A_370 = arith.select %and3A_367, %broadcast_in_dim3A_3, %broadcast_in_dim3A_1 : vector<16xi1>, vector<16xi32>
              %add3A_371 = arith.addi %add3A_353, %select_n3A_370 : vector<16xi32>
              %mul3A_372 = arith.constant 8 : i32
              %mul3A_373 = arith.muli %while3A_317, %mul3A_372 : i32
              %add3A_374 = arith.constant 3 : i32
              %add3A_375 = arith.addi %mul3A_373, %add3A_374 : i32
              %add3A_376 = vector.broadcast %add3A_375 : i32 to vector<16xi32>
              %add3A_377 = arith.addi %mul3A_6, %add3A_376 : vector<16xi32>
              %gather3A_378 = tpu.vector_load_idx %arg6[%add3A_377] : memref<32799xf32, #tpu.memory_space<vmem>>[vector<16xi32>], vector<16xf32>,
              %gt3A_379 = vector.broadcast %add3A_375 : i32 to vector<16xi32>
              %gt3A_380 = arith.cmpi sgt, %while3A_214, %gt3A_379 : vector<16xi32>
              %le3A_381 = arith.cmpf ole, %gather3A_378, %bitcast_convert_type3A_232 : vector<16xf32>
              %and3A_382 = arith.andi %le3A_381, %gt3A_380 : vector<16xi1>
              %not3A_383 = arith.constant dense<true> : vector<16xi1>
              %not3A_384 = arith.xori %le3A_381, %not3A_383 : vector<16xi1>
              %and3A_385 = arith.andi %not3A_384, %gt3A_380 : vector<16xi1>
              tpu.vector_store_idx %arg4[%add3A_369], %gather3A_378 masked %and3A_382 : memref<32799xf32, #tpu.memory_space<vmem>>[vector<16xi32>], vector<16xf32>, vector<16xi1>
              tpu.vector_store_idx %arg5[%add3A_371], %gather3A_378 masked %and3A_385 : memref<32799xf32, #tpu.memory_space<vmem>>[vector<16xi32>], vector<16xf32>, vector<16xi1>
              %select_n3A_386 = arith.select %and3A_382, %broadcast_in_dim3A_3, %broadcast_in_dim3A_1 : vector<16xi1>, vector<16xi32>
              %add3A_387 = arith.addi %add3A_369, %select_n3A_386 : vector<16xi32>
              %select_n3A_388 = arith.select %and3A_385, %broadcast_in_dim3A_3, %broadcast_in_dim3A_1 : vector<16xi1>, vector<16xi32>
              %add3A_389 = arith.addi %add3A_371, %select_n3A_388 : vector<16xi32>
              %mul3A_390 = arith.constant 8 : i32
              %mul3A_391 = arith.muli %while3A_317, %mul3A_390 : i32
              %add3A_392 = arith.constant 4 : i32
              %add3A_393 = arith.addi %mul3A_391, %add3A_392 : i32
              %add3A_394 = vector.broadcast %add3A_393 : i32 to vector<16xi32>
              %add3A_395 = arith.addi %mul3A_6, %add3A_394 : vector<16xi32>
              %gather3A_396 = tpu.vector_load_idx %arg6[%add3A_395] : memref<32799xf32, #tpu.memory_space<vmem>>[vector<16xi32>], vector<16xf32>,
              %gt3A_397 = vector.broadcast %add3A_393 : i32 to vector<16xi32>
              %gt3A_398 = arith.cmpi sgt, %while3A_214, %gt3A_397 : vector<16xi32>
              %le3A_399 = arith.cmpf ole, %gather3A_396, %bitcast_convert_type3A_232 : vector<16xf32>
              %and3A_400 = arith.andi %le3A_399, %gt3A_398 : vector<16xi1>
              %not3A_401 = arith.constant dense<true> : vector<16xi1>
              %not3A_402 = arith.xori %le3A_399, %not3A_401 : vector<16xi1>
              %and3A_403 = arith.andi %not3A_402, %gt3A_398 : vector<16xi1>
              tpu.vector_store_idx %arg4[%add3A_387], %gather3A_396 masked %and3A_400 : memref<32799xf32, #tpu.memory_space<vmem>>[vector<16xi32>], vector<16xf32>, vector<16xi1>
              tpu.vector_store_idx %arg5[%add3A_389], %gather3A_396 masked %and3A_403 : memref<32799xf32, #tpu.memory_space<vmem>>[vector<16xi32>], vector<16xf32>, vector<16xi1>
              %select_n3A_404 = arith.select %and3A_400, %broadcast_in_dim3A_3, %broadcast_in_dim3A_1 : vector<16xi1>, vector<16xi32>
              %add3A_405 = arith.addi %add3A_387, %select_n3A_404 : vector<16xi32>
              %select_n3A_406 = arith.select %and3A_403, %broadcast_in_dim3A_3, %broadcast_in_dim3A_1 : vector<16xi1>, vector<16xi32>
              %add3A_407 = arith.addi %add3A_389, %select_n3A_406 : vector<16xi32>
              %mul3A_408 = arith.constant 8 : i32
              %mul3A_409 = arith.muli %while3A_317, %mul3A_408 : i32
              %add3A_410 = arith.constant 5 : i32
              %add3A_411 = arith.addi %mul3A_409, %add3A_410 : i32
              %add3A_412 = vector.broadcast %add3A_411 : i32 to vector<16xi32>
              %add3A_413 = arith.addi %mul3A_6, %add3A_412 : vector<16xi32>
              %gather3A_414 = tpu.vector_load_idx %arg6[%add3A_413] : memref<32799xf32, #tpu.memory_space<vmem>>[vector<16xi32>], vector<16xf32>,
              %gt3A_415 = vector.broadcast %add3A_411 : i32 to vector<16xi32>
              %gt3A_416 = arith.cmpi sgt, %while3A_214, %gt3A_415 : vector<16xi32>
              %le3A_417 = arith.cmpf ole, %gather3A_414, %bitcast_convert_type3A_232 : vector<16xf32>
              %and3A_418 = arith.andi %le3A_417, %gt3A_416 : vector<16xi1>
              %not3A_419 = arith.constant dense<true> : vector<16xi1>
              %not3A_420 = arith.xori %le3A_417, %not3A_419 : vector<16xi1>
              %and3A_421 = arith.andi %not3A_420, %gt3A_416 : vector<16xi1>
              tpu.vector_store_idx %arg4[%add3A_405], %gather3A_414 masked %and3A_418 : memref<32799xf32, #tpu.memory_space<vmem>>[vector<16xi32>], vector<16xf32>, vector<16xi1>
              tpu.vector_store_idx %arg5[%add3A_407], %gather3A_414 masked %and3A_421 : memref<32799xf32, #tpu.memory_space<vmem>>[vector<16xi32>], vector<16xf32>, vector<16xi1>
              %select_n3A_422 = arith.select %and3A_418, %broadcast_in_dim3A_3, %broadcast_in_dim3A_1 : vector<16xi1>, vector<16xi32>
              %add3A_423 = arith.addi %add3A_405, %select_n3A_422 : vector<16xi32>
              %select_n3A_424 = arith.select %and3A_421, %broadcast_in_dim3A_3, %broadcast_in_dim3A_1 : vector<16xi1>, vector<16xi32>
              %add3A_425 = arith.addi %add3A_407, %select_n3A_424 : vector<16xi32>
              %mul3A_426 = arith.constant 8 : i32
              %mul3A_427 = arith.muli %while3A_317, %mul3A_426 : i32
              %add3A_428 = arith.constant 6 : i32
              %add3A_429 = arith.addi %mul3A_427, %add3A_428 : i32
              %add3A_430 = vector.broadcast %add3A_429 : i32 to vector<16xi32>
              %add3A_431 = arith.addi %mul3A_6, %add3A_430 : vector<16xi32>
              %gather3A_432 = tpu.vector_load_idx %arg6[%add3A_431] : memref<32799xf32, #tpu.memory_space<vmem>>[vector<16xi32>], vector<16xf32>,
              %gt3A_433 = vector.broadcast %add3A_429 : i32 to vector<16xi32>
              %gt3A_434 = arith.cmpi sgt, %while3A_214, %gt3A_433 : vector<16xi32>
              %le3A_435 = arith.cmpf ole, %gather3A_432, %bitcast_convert_type3A_232 : vector<16xf32>
              %and3A_436 = arith.andi %le3A_435, %gt3A_434 : vector<16xi1>
              %not3A_437 = arith.constant dense<true> : vector<16xi1>
              %not3A_438 = arith.xori %le3A_435, %not3A_437 : vector<16xi1>
              %and3A_439 = arith.andi %not3A_438, %gt3A_434 : vector<16xi1>
              tpu.vector_store_idx %arg4[%add3A_423], %gather3A_432 masked %and3A_436 : memref<32799xf32, #tpu.memory_space<vmem>>[vector<16xi32>], vector<16xf32>, vector<16xi1>
              tpu.vector_store_idx %arg5[%add3A_425], %gather3A_432 masked %and3A_439 : memref<32799xf32, #tpu.memory_space<vmem>>[vector<16xi32>], vector<16xf32>, vector<16xi1>
              %select_n3A_440 = arith.select %and3A_436, %broadcast_in_dim3A_3, %broadcast_in_dim3A_1 : vector<16xi1>, vector<16xi32>
              %add3A_441 = arith.addi %add3A_423, %select_n3A_440 : vector<16xi32>
              %select_n3A_442 = arith.select %and3A_439, %broadcast_in_dim3A_3, %broadcast_in_dim3A_1 : vector<16xi1>, vector<16xi32>
              %add3A_443 = arith.addi %add3A_425, %select_n3A_442 : vector<16xi32>
              %mul3A_444 = arith.constant 8 : i32
              %mul3A_445 = arith.muli %while3A_317, %mul3A_444 : i32
              %add3A_446 = arith.constant 7 : i32
              %add3A_447 = arith.addi %mul3A_445, %add3A_446 : i32
              %add3A_448 = vector.broadcast %add3A_447 : i32 to vector<16xi32>
              %add3A_449 = arith.addi %mul3A_6, %add3A_448 : vector<16xi32>
              %gather3A_450 = tpu.vector_load_idx %arg6[%add3A_449] : memref<32799xf32, #tpu.memory_space<vmem>>[vector<16xi32>], vector<16xf32>,
              %gt3A_451 = vector.broadcast %add3A_447 : i32 to vector<16xi32>
              %gt3A_452 = arith.cmpi sgt, %while3A_214, %gt3A_451 : vector<16xi32>
              %le3A_453 = arith.cmpf ole, %gather3A_450, %bitcast_convert_type3A_232 : vector<16xf32>
              %and3A_454 = arith.andi %le3A_453, %gt3A_452 : vector<16xi1>
              %not3A_455 = arith.constant dense<true> : vector<16xi1>
              %not3A_456 = arith.xori %le3A_453, %not3A_455 : vector<16xi1>
              %and3A_457 = arith.andi %not3A_456, %gt3A_452 : vector<16xi1>
              tpu.vector_store_idx %arg4[%add3A_441], %gather3A_450 masked %and3A_454 : memref<32799xf32, #tpu.memory_space<vmem>>[vector<16xi32>], vector<16xf32>, vector<16xi1>
              tpu.vector_store_idx %arg5[%add3A_443], %gather3A_450 masked %and3A_457 : memref<32799xf32, #tpu.memory_space<vmem>>[vector<16xi32>], vector<16xf32>, vector<16xi1>
              %select_n3A_458 = arith.select %and3A_454, %broadcast_in_dim3A_3, %broadcast_in_dim3A_1 : vector<16xi1>, vector<16xi32>
              %add3A_459 = arith.addi %add3A_441, %select_n3A_458 : vector<16xi32>
              %select_n3A_460 = arith.select %and3A_457, %broadcast_in_dim3A_3, %broadcast_in_dim3A_1 : vector<16xi1>, vector<16xi32>
              %add3A_461 = arith.addi %add3A_443, %select_n3A_460 : vector<16xi32>
              scf.yield %add3A_459, %add3A_461 : vector<16xi32>, vector<16xi32>
            }
            %sub3A_315 = arith.subi %while3A_314#0, %mul3A_6 : vector<16xi32>
            %sub3A_316 = arith.subi %while3A_314#1, %mul3A_6 : vector<16xi32>
            scf.yield %sub3A_315, %sub3A_316 : vector<16xi32>, vector<16xi32>
          }
          scf.yield %cond3A_274#0, %cond3A_274#1 : vector<16xi32>, vector<16xi32>
        }
        %broadcast_in_dim3A_239 = arith.constant true
        %broadcast_in_dim3A_240 = vector.broadcast %broadcast_in_dim3A_239 : i1 to vector<16xi1>
        %masked_cumsum3A_241 = tpu.scan <sum>, %cond3A_238#0 masked %broadcast_in_dim3A_240 : vector<16xi32>, vector<16xi1> -> vector<16xi32>
        %slice3A_242 = vector.extract_strided_slice %masked_cumsum3A_241 {offsets = [15], sizes = [1], strides = [1]} : vector<16xi32> to vector<1xi32>
        %squeeze3A_243 = vector.extract %slice3A_242[0] : i32 from vector<1xi32>
        %lt3A_244 = arith.cmpi slt, %while3A_216, %squeeze3A_243 : i32
        %broadcast_in_dim3A_245 = vector.broadcast %lt3A_244 : i1 to vector<16xi1>
        %sub3A_246 = arith.subi %while3A_216, %squeeze3A_243 : i32
        %select_n3A_247 = arith.select %lt3A_244, %while3A_216, %sub3A_246 : i32
        %sub3A_248 = arith.subi %while3A_215, %squeeze3A_243 : i32
        %select_n3A_249 = arith.select %lt3A_244, %squeeze3A_243, %sub3A_248 : i32
        %select_n3A_250 = arith.select %broadcast_in_dim3A_245, %cond3A_238#0, %cond3A_238#1 : vector<16xi1>, vector<16xi32>
        %select_n3A_251 = arith.select %broadcast_in_dim3A_245, %min3A_231, %while3A_219 : vector<16xi1>, vector<16xi32>
        %add3A_252 = arith.constant 1 : i32
        %add3A_253 = vector.broadcast %add3A_252 : i32 to vector<16xi32>
        %add3A_254 = arith.addi %min3A_231, %add3A_253 : vector<16xi32>
        %select_n3A_255 = arith.select %broadcast_in_dim3A_245, %while3A_218, %add3A_254 : vector<16xi1>, vector<16xi32>
        %eq3A_256 = arith.constant 0 : i32
        %eq3A_257 = arith.cmpi eq, %while3A_213, %eq3A_256 : i32
        %jit3A_258 = arith.constant 1 : i32
        %jit3A_259 = arith.constant 0 : i32
        %select_n3A_260 = arith.select %eq3A_257, %jit3A_258, %jit3A_259 : i32
        %eq3A_261 = arith.constant 2 : i32
        %eq3A_262 = arith.cmpi eq, %while3A_213, %eq3A_261 : i32
        %jit3A_263 = arith.constant 1 : i32
        %jit3A_264 = arith.constant 2 : i32
        %select_n3A_265 = arith.select %eq3A_262, %jit3A_263, %jit3A_264 : i32
        %select_n3A_266 = arith.select %lt3A_244, %select_n3A_260, %select_n3A_265 : i32
        %add3A_267 = arith.constant 1 : i32
        %add3A_268 = arith.addi %while3A_217, %add3A_267 : i32
        scf.yield %select_n3A_266, %select_n3A_250, %select_n3A_249, %select_n3A_247, %add3A_268, %select_n3A_255, %select_n3A_251 : i32, vector<16xi32>, i32, i32, i32, vector<16xi32>, vector<16xi32>
      }
      %le3A = arith.constant 16 : i32
      %le3A_193 = arith.cmpi sle, %while3A_192#2, %le3A : i32
      %convert_element_type3A = arith.extui %le3A_193 : i1 to i32
      %cond3A = arith.constant 0 : i32
      %cond3A_194 = arith.cmpi ne, %convert_element_type3A, %cond3A : i32
      %cond3A_195 = scf.if %cond3A_194 -> (f32) {
        %eq3A_213 = arith.constant 0 : i32
        %eq3A_214 = arith.cmpi eq, %while3A_192#0, %eq3A_213 : i32
        %convert_element_type3A_215 = arith.extui %eq3A_214 : i1 to i32
        %cond3A_216 = arith.constant 0 : i32
        %cond3A_217 = arith.cmpi ne, %convert_element_type3A_215, %cond3A_216 : i32
        %cond3A_218 = scf.if %cond3A_217 -> (f32) {
          %add3A_219 = arith.constant 0 : i32
          %add3A_220 = vector.broadcast %add3A_219 : i32 to vector<16xi32>
          %add3A_221 = arith.addi %mul3A_6, %add3A_220 : vector<16xi32>
          %gather3A = tpu.vector_load_idx %arg4[%add3A_221] : memref<32799xf32, #tpu.memory_space<vmem>>[vector<16xi32>], vector<16xf32>,
          %gt3A_222 = arith.constant 0 : i32
          %gt3A_223 = vector.broadcast %gt3A_222 : i32 to vector<16xi32>
          %gt3A_224 = arith.cmpi sgt, %while3A_192#1, %gt3A_223 : vector<16xi32>
          %swap3A_225 = arith.constant 0 : i32
          %swap3A_226 = arith.index_cast %swap3A_225 : i32 to index
          %swap3A_227 = tpu.vector_load %arg7[%swap3A_226] masked %gt3A_224 {strides = array<i32>} : memref<32xf32, #tpu.memory_space<vmem>>, vector<16xf32>, vector<16xi1>
          tpu.vector_store %arg7[%swap3A_226], %gather3A masked %gt3A_224 {strides = array<i32>} : memref<32xf32, #tpu.memory_space<vmem>>, vector<16xf32>, vector<16xi1>
          %all_reduce_population_count3A = tpu.all_reduce %gt3A_224 {dim = 0 : i64, kind = #tpu.reduction_kind<sum>} : vector<16xi1> -> vector<16xi32>
          %slice3A_228 = vector.extract_strided_slice %all_reduce_population_count3A {offsets = [0], sizes = [1], strides = [1]} : vector<16xi32> to vector<1xi32>
          %squeeze3A_229 = vector.extract %slice3A_228[0] : i32 from vector<1xi32>
          %add3A_230 = arith.constant 0 : i32
          %add3A_231 = arith.addi %add3A_230, %squeeze3A_229 : i32
          %add3A_232 = arith.constant 1 : i32
          %add3A_233 = vector.broadcast %add3A_232 : i32 to vector<16xi32>
          %add3A_234 = arith.addi %mul3A_6, %add3A_233 : vector<16xi32>
          %gather3A_235 = tpu.vector_load_idx %arg4[%add3A_234] : memref<32799xf32, #tpu.memory_space<vmem>>[vector<16xi32>], vector<16xf32>,
          %gt3A_236 = arith.constant 1 : i32
          %gt3A_237 = vector.broadcast %gt3A_236 : i32 to vector<16xi32>
          %gt3A_238 = arith.cmpi sgt, %while3A_192#1, %gt3A_237 : vector<16xi32>
          %swap3A_239 = arith.index_cast %add3A_231 : i32 to index
          %swap3A_240 = tpu.vector_load %arg7[%swap3A_239] masked %gt3A_238 {strides = array<i32>} : memref<32xf32, #tpu.memory_space<vmem>>, vector<16xf32>, vector<16xi1>
          tpu.vector_store %arg7[%swap3A_239], %gather3A_235 masked %gt3A_238 {strides = array<i32>} : memref<32xf32, #tpu.memory_space<vmem>>, vector<16xf32>, vector<16xi1>
          %all_reduce_population_count3A_241 = tpu.all_reduce %gt3A_238 {dim = 0 : i64, kind = #tpu.reduction_kind<sum>} : vector<16xi1> -> vector<16xi32>
          %slice3A_242 = vector.extract_strided_slice %all_reduce_population_count3A_241 {offsets = [0], sizes = [1], strides = [1]} : vector<16xi32> to vector<1xi32>
          %squeeze3A_243 = vector.extract %slice3A_242[0] : i32 from vector<1xi32>
          %add3A_244 = arith.addi %add3A_231, %squeeze3A_243 : i32
          %add3A_245 = arith.constant 2 : i32
          %add3A_246 = vector.broadcast %add3A_245 : i32 to vector<16xi32>
          %add3A_247 = arith.addi %mul3A_6, %add3A_246 : vector<16xi32>
          %gather3A_248 = tpu.vector_load_idx %arg4[%add3A_247] : memref<32799xf32, #tpu.memory_space<vmem>>[vector<16xi32>], vector<16xf32>,
          %gt3A_249 = arith.constant 2 : i32
          %gt3A_250 = vector.broadcast %gt3A_249 : i32 to vector<16xi32>
          %gt3A_251 = arith.cmpi sgt, %while3A_192#1, %gt3A_250 : vector<16xi32>
          %swap3A_252 = arith.index_cast %add3A_244 : i32 to index
          %swap3A_253 = tpu.vector_load %arg7[%swap3A_252] masked %gt3A_251 {strides = array<i32>} : memref<32xf32, #tpu.memory_space<vmem>>, vector<16xf32>, vector<16xi1>
          tpu.vector_store %arg7[%swap3A_252], %gather3A_248 masked %gt3A_251 {strides = array<i32>} : memref<32xf32, #tpu.memory_space<vmem>>, vector<16xf32>, vector<16xi1>
          %all_reduce_population_count3A_254 = tpu.all_reduce %gt3A_251 {dim = 0 : i64, kind = #tpu.reduction_kind<sum>} : vector<16xi1> -> vector<16xi32>
          %slice3A_255 = vector.extract_strided_slice %all_reduce_population_count3A_254 {offsets = [0], sizes = [1], strides = [1]} : vector<16xi32> to vector<1xi32>
          %squeeze3A_256 = vector.extract %slice3A_255[0] : i32 from vector<1xi32>
          %add3A_257 = arith.addi %add3A_244, %squeeze3A_256 : i32
          %add3A_258 = arith.constant 3 : i32
          %add3A_259 = vector.broadcast %add3A_258 : i32 to vector<16xi32>
          %add3A_260 = arith.addi %mul3A_6, %add3A_259 : vector<16xi32>
          %gather3A_261 = tpu.vector_load_idx %arg4[%add3A_260] : memref<32799xf32, #tpu.memory_space<vmem>>[vector<16xi32>], vector<16xf32>,
          %gt3A_262 = arith.constant 3 : i32
          %gt3A_263 = vector.broadcast %gt3A_262 : i32 to vector<16xi32>
          %gt3A_264 = arith.cmpi sgt, %while3A_192#1, %gt3A_263 : vector<16xi32>
          %swap3A_265 = arith.index_cast %add3A_257 : i32 to index
          %swap3A_266 = tpu.vector_load %arg7[%swap3A_265] masked %gt3A_264 {strides = array<i32>} : memref<32xf32, #tpu.memory_space<vmem>>, vector<16xf32>, vector<16xi1>
          tpu.vector_store %arg7[%swap3A_265], %gather3A_261 masked %gt3A_264 {strides = array<i32>} : memref<32xf32, #tpu.memory_space<vmem>>, vector<16xf32>, vector<16xi1>
          %all_reduce_population_count3A_267 = tpu.all_reduce %gt3A_264 {dim = 0 : i64, kind = #tpu.reduction_kind<sum>} : vector<16xi1> -> vector<16xi32>
          %slice3A_268 = vector.extract_strided_slice %all_reduce_population_count3A_267 {offsets = [0], sizes = [1], strides = [1]} : vector<16xi32> to vector<1xi32>
          %squeeze3A_269 = vector.extract %slice3A_268[0] : i32 from vector<1xi32>
          %add3A_270 = arith.addi %add3A_257, %squeeze3A_269 : i32
          %add3A_271 = arith.constant 4 : i32
          %add3A_272 = vector.broadcast %add3A_271 : i32 to vector<16xi32>
          %add3A_273 = arith.addi %mul3A_6, %add3A_272 : vector<16xi32>
          %gather3A_274 = tpu.vector_load_idx %arg4[%add3A_273] : memref<32799xf32, #tpu.memory_space<vmem>>[vector<16xi32>], vector<16xf32>,
          %gt3A_275 = arith.constant 4 : i32
          %gt3A_276 = vector.broadcast %gt3A_275 : i32 to vector<16xi32>
          %gt3A_277 = arith.cmpi sgt, %while3A_192#1, %gt3A_276 : vector<16xi32>
          %swap3A_278 = arith.index_cast %add3A_270 : i32 to index
          %swap3A_279 = tpu.vector_load %arg7[%swap3A_278] masked %gt3A_277 {strides = array<i32>} : memref<32xf32, #tpu.memory_space<vmem>>, vector<16xf32>, vector<16xi1>
          tpu.vector_store %arg7[%swap3A_278], %gather3A_274 masked %gt3A_277 {strides = array<i32>} : memref<32xf32, #tpu.memory_space<vmem>>, vector<16xf32>, vector<16xi1>
          %all_reduce_population_count3A_280 = tpu.all_reduce %gt3A_277 {dim = 0 : i64, kind = #tpu.reduction_kind<sum>} : vector<16xi1> -> vector<16xi32>
          %slice3A_281 = vector.extract_strided_slice %all_reduce_population_count3A_280 {offsets = [0], sizes = [1], strides = [1]} : vector<16xi32> to vector<1xi32>
          %squeeze3A_282 = vector.extract %slice3A_281[0] : i32 from vector<1xi32>
          %add3A_283 = arith.addi %add3A_270, %squeeze3A_282 : i32
          %add3A_284 = arith.constant 5 : i32
          %add3A_285 = vector.broadcast %add3A_284 : i32 to vector<16xi32>
          %add3A_286 = arith.addi %mul3A_6, %add3A_285 : vector<16xi32>
          %gather3A_287 = tpu.vector_load_idx %arg4[%add3A_286] : memref<32799xf32, #tpu.memory_space<vmem>>[vector<16xi32>], vector<16xf32>,
          %gt3A_288 = arith.constant 5 : i32
          %gt3A_289 = vector.broadcast %gt3A_288 : i32 to vector<16xi32>
          %gt3A_290 = arith.cmpi sgt, %while3A_192#1, %gt3A_289 : vector<16xi32>
          %swap3A_291 = arith.index_cast %add3A_283 : i32 to index
          %swap3A_292 = tpu.vector_load %arg7[%swap3A_291] masked %gt3A_290 {strides = array<i32>} : memref<32xf32, #tpu.memory_space<vmem>>, vector<16xf32>, vector<16xi1>
          tpu.vector_store %arg7[%swap3A_291], %gather3A_287 masked %gt3A_290 {strides = array<i32>} : memref<32xf32, #tpu.memory_space<vmem>>, vector<16xf32>, vector<16xi1>
          %all_reduce_population_count3A_293 = tpu.all_reduce %gt3A_290 {dim = 0 : i64, kind = #tpu.reduction_kind<sum>} : vector<16xi1> -> vector<16xi32>
          %slice3A_294 = vector.extract_strided_slice %all_reduce_population_count3A_293 {offsets = [0], sizes = [1], strides = [1]} : vector<16xi32> to vector<1xi32>
          %squeeze3A_295 = vector.extract %slice3A_294[0] : i32 from vector<1xi32>
          %add3A_296 = arith.addi %add3A_283, %squeeze3A_295 : i32
          %add3A_297 = arith.constant 6 : i32
          %add3A_298 = vector.broadcast %add3A_297 : i32 to vector<16xi32>
          %add3A_299 = arith.addi %mul3A_6, %add3A_298 : vector<16xi32>
          %gather3A_300 = tpu.vector_load_idx %arg4[%add3A_299] : memref<32799xf32, #tpu.memory_space<vmem>>[vector<16xi32>], vector<16xf32>,
          %gt3A_301 = arith.constant 6 : i32
          %gt3A_302 = vector.broadcast %gt3A_301 : i32 to vector<16xi32>
          %gt3A_303 = arith.cmpi sgt, %while3A_192#1, %gt3A_302 : vector<16xi32>
          %swap3A_304 = arith.index_cast %add3A_296 : i32 to index
          %swap3A_305 = tpu.vector_load %arg7[%swap3A_304] masked %gt3A_303 {strides = array<i32>} : memref<32xf32, #tpu.memory_space<vmem>>, vector<16xf32>, vector<16xi1>
          tpu.vector_store %arg7[%swap3A_304], %gather3A_300 masked %gt3A_303 {strides = array<i32>} : memref<32xf32, #tpu.memory_space<vmem>>, vector<16xf32>, vector<16xi1>
          %all_reduce_population_count3A_306 = tpu.all_reduce %gt3A_303 {dim = 0 : i64, kind = #tpu.reduction_kind<sum>} : vector<16xi1> -> vector<16xi32>
          %slice3A_307 = vector.extract_strided_slice %all_reduce_population_count3A_306 {offsets = [0], sizes = [1], strides = [1]} : vector<16xi32> to vector<1xi32>
          %squeeze3A_308 = vector.extract %slice3A_307[0] : i32 from vector<1xi32>
          %add3A_309 = arith.addi %add3A_296, %squeeze3A_308 : i32
          %add3A_310 = arith.constant 7 : i32
          %add3A_311 = vector.broadcast %add3A_310 : i32 to vector<16xi32>
          %add3A_312 = arith.addi %mul3A_6, %add3A_311 : vector<16xi32>
          %gather3A_313 = tpu.vector_load_idx %arg4[%add3A_312] : memref<32799xf32, #tpu.memory_space<vmem>>[vector<16xi32>], vector<16xf32>,
          %gt3A_314 = arith.constant 7 : i32
          %gt3A_315 = vector.broadcast %gt3A_314 : i32 to vector<16xi32>
          %gt3A_316 = arith.cmpi sgt, %while3A_192#1, %gt3A_315 : vector<16xi32>
          %swap3A_317 = arith.index_cast %add3A_309 : i32 to index
          %swap3A_318 = tpu.vector_load %arg7[%swap3A_317] masked %gt3A_316 {strides = array<i32>} : memref<32xf32, #tpu.memory_space<vmem>>, vector<16xf32>, vector<16xi1>
          tpu.vector_store %arg7[%swap3A_317], %gather3A_313 masked %gt3A_316 {strides = array<i32>} : memref<32xf32, #tpu.memory_space<vmem>>, vector<16xf32>, vector<16xi1>
          %all_reduce_population_count3A_319 = tpu.all_reduce %gt3A_316 {dim = 0 : i64, kind = #tpu.reduction_kind<sum>} : vector<16xi1> -> vector<16xi32>
          %slice3A_320 = vector.extract_strided_slice %all_reduce_population_count3A_319 {offsets = [0], sizes = [1], strides = [1]} : vector<16xi32> to vector<1xi32>
          %squeeze3A_321 = vector.extract %slice3A_320[0] : i32 from vector<1xi32>
          %add3A_322 = arith.addi %add3A_309, %squeeze3A_321 : i32
          %add3A_323 = arith.constant 8 : i32
          %add3A_324 = vector.broadcast %add3A_323 : i32 to vector<16xi32>
          %add3A_325 = arith.addi %mul3A_6, %add3A_324 : vector<16xi32>
          %gather3A_326 = tpu.vector_load_idx %arg4[%add3A_325] : memref<32799xf32, #tpu.memory_space<vmem>>[vector<16xi32>], vector<16xf32>,
          %gt3A_327 = arith.constant 8 : i32
          %gt3A_328 = vector.broadcast %gt3A_327 : i32 to vector<16xi32>
          %gt3A_329 = arith.cmpi sgt, %while3A_192#1, %gt3A_328 : vector<16xi32>
          %swap3A_330 = arith.index_cast %add3A_322 : i32 to index
          %swap3A_331 = tpu.vector_load %arg7[%swap3A_330] masked %gt3A_329 {strides = array<i32>} : memref<32xf32, #tpu.memory_space<vmem>>, vector<16xf32>, vector<16xi1>
          tpu.vector_store %arg7[%swap3A_330], %gather3A_326 masked %gt3A_329 {strides = array<i32>} : memref<32xf32, #tpu.memory_space<vmem>>, vector<16xf32>, vector<16xi1>
          %all_reduce_population_count3A_332 = tpu.all_reduce %gt3A_329 {dim = 0 : i64, kind = #tpu.reduction_kind<sum>} : vector<16xi1> -> vector<16xi32>
          %slice3A_333 = vector.extract_strided_slice %all_reduce_population_count3A_332 {offsets = [0], sizes = [1], strides = [1]} : vector<16xi32> to vector<1xi32>
          %squeeze3A_334 = vector.extract %slice3A_333[0] : i32 from vector<1xi32>
          %add3A_335 = arith.addi %add3A_322, %squeeze3A_334 : i32
          %add3A_336 = arith.constant 9 : i32
          %add3A_337 = vector.broadcast %add3A_336 : i32 to vector<16xi32>
          %add3A_338 = arith.addi %mul3A_6, %add3A_337 : vector<16xi32>
          %gather3A_339 = tpu.vector_load_idx %arg4[%add3A_338] : memref<32799xf32, #tpu.memory_space<vmem>>[vector<16xi32>], vector<16xf32>,
          %gt3A_340 = arith.constant 9 : i32
          %gt3A_341 = vector.broadcast %gt3A_340 : i32 to vector<16xi32>
          %gt3A_342 = arith.cmpi sgt, %while3A_192#1, %gt3A_341 : vector<16xi32>
          %swap3A_343 = arith.index_cast %add3A_335 : i32 to index
          %swap3A_344 = tpu.vector_load %arg7[%swap3A_343] masked %gt3A_342 {strides = array<i32>} : memref<32xf32, #tpu.memory_space<vmem>>, vector<16xf32>, vector<16xi1>
          tpu.vector_store %arg7[%swap3A_343], %gather3A_339 masked %gt3A_342 {strides = array<i32>} : memref<32xf32, #tpu.memory_space<vmem>>, vector<16xf32>, vector<16xi1>
          %all_reduce_population_count3A_345 = tpu.all_reduce %gt3A_342 {dim = 0 : i64, kind = #tpu.reduction_kind<sum>} : vector<16xi1> -> vector<16xi32>
          %slice3A_346 = vector.extract_strided_slice %all_reduce_population_count3A_345 {offsets = [0], sizes = [1], strides = [1]} : vector<16xi32> to vector<1xi32>
          %squeeze3A_347 = vector.extract %slice3A_346[0] : i32 from vector<1xi32>
          %add3A_348 = arith.addi %add3A_335, %squeeze3A_347 : i32
          %add3A_349 = arith.constant 10 : i32
          %add3A_350 = vector.broadcast %add3A_349 : i32 to vector<16xi32>
          %add3A_351 = arith.addi %mul3A_6, %add3A_350 : vector<16xi32>
          %gather3A_352 = tpu.vector_load_idx %arg4[%add3A_351] : memref<32799xf32, #tpu.memory_space<vmem>>[vector<16xi32>], vector<16xf32>,
          %gt3A_353 = arith.constant 10 : i32
          %gt3A_354 = vector.broadcast %gt3A_353 : i32 to vector<16xi32>
          %gt3A_355 = arith.cmpi sgt, %while3A_192#1, %gt3A_354 : vector<16xi32>
          %swap3A_356 = arith.index_cast %add3A_348 : i32 to index
          %swap3A_357 = tpu.vector_load %arg7[%swap3A_356] masked %gt3A_355 {strides = array<i32>} : memref<32xf32, #tpu.memory_space<vmem>>, vector<16xf32>, vector<16xi1>
          tpu.vector_store %arg7[%swap3A_356], %gather3A_352 masked %gt3A_355 {strides = array<i32>} : memref<32xf32, #tpu.memory_space<vmem>>, vector<16xf32>, vector<16xi1>
          %all_reduce_population_count3A_358 = tpu.all_reduce %gt3A_355 {dim = 0 : i64, kind = #tpu.reduction_kind<sum>} : vector<16xi1> -> vector<16xi32>
          %slice3A_359 = vector.extract_strided_slice %all_reduce_population_count3A_358 {offsets = [0], sizes = [1], strides = [1]} : vector<16xi32> to vector<1xi32>
          %squeeze3A_360 = vector.extract %slice3A_359[0] : i32 from vector<1xi32>
          %add3A_361 = arith.addi %add3A_348, %squeeze3A_360 : i32
          %add3A_362 = arith.constant 11 : i32
          %add3A_363 = vector.broadcast %add3A_362 : i32 to vector<16xi32>
          %add3A_364 = arith.addi %mul3A_6, %add3A_363 : vector<16xi32>
          %gather3A_365 = tpu.vector_load_idx %arg4[%add3A_364] : memref<32799xf32, #tpu.memory_space<vmem>>[vector<16xi32>], vector<16xf32>,
          %gt3A_366 = arith.constant 11 : i32
          %gt3A_367 = vector.broadcast %gt3A_366 : i32 to vector<16xi32>
          %gt3A_368 = arith.cmpi sgt, %while3A_192#1, %gt3A_367 : vector<16xi32>
          %swap3A_369 = arith.index_cast %add3A_361 : i32 to index
          %swap3A_370 = tpu.vector_load %arg7[%swap3A_369] masked %gt3A_368 {strides = array<i32>} : memref<32xf32, #tpu.memory_space<vmem>>, vector<16xf32>, vector<16xi1>
          tpu.vector_store %arg7[%swap3A_369], %gather3A_365 masked %gt3A_368 {strides = array<i32>} : memref<32xf32, #tpu.memory_space<vmem>>, vector<16xf32>, vector<16xi1>
          %all_reduce_population_count3A_371 = tpu.all_reduce %gt3A_368 {dim = 0 : i64, kind = #tpu.reduction_kind<sum>} : vector<16xi1> -> vector<16xi32>
          %slice3A_372 = vector.extract_strided_slice %all_reduce_population_count3A_371 {offsets = [0], sizes = [1], strides = [1]} : vector<16xi32> to vector<1xi32>
          %squeeze3A_373 = vector.extract %slice3A_372[0] : i32 from vector<1xi32>
          %add3A_374 = arith.addi %add3A_361, %squeeze3A_373 : i32
          %add3A_375 = arith.constant 12 : i32
          %add3A_376 = vector.broadcast %add3A_375 : i32 to vector<16xi32>
          %add3A_377 = arith.addi %mul3A_6, %add3A_376 : vector<16xi32>
          %gather3A_378 = tpu.vector_load_idx %arg4[%add3A_377] : memref<32799xf32, #tpu.memory_space<vmem>>[vector<16xi32>], vector<16xf32>,
          %gt3A_379 = arith.constant 12 : i32
          %gt3A_380 = vector.broadcast %gt3A_379 : i32 to vector<16xi32>
          %gt3A_381 = arith.cmpi sgt, %while3A_192#1, %gt3A_380 : vector<16xi32>
          %swap3A_382 = arith.index_cast %add3A_374 : i32 to index
          %swap3A_383 = tpu.vector_load %arg7[%swap3A_382] masked %gt3A_381 {strides = array<i32>} : memref<32xf32, #tpu.memory_space<vmem>>, vector<16xf32>, vector<16xi1>
          tpu.vector_store %arg7[%swap3A_382], %gather3A_378 masked %gt3A_381 {strides = array<i32>} : memref<32xf32, #tpu.memory_space<vmem>>, vector<16xf32>, vector<16xi1>
          %all_reduce_population_count3A_384 = tpu.all_reduce %gt3A_381 {dim = 0 : i64, kind = #tpu.reduction_kind<sum>} : vector<16xi1> -> vector<16xi32>
          %slice3A_385 = vector.extract_strided_slice %all_reduce_population_count3A_384 {offsets = [0], sizes = [1], strides = [1]} : vector<16xi32> to vector<1xi32>
          %squeeze3A_386 = vector.extract %slice3A_385[0] : i32 from vector<1xi32>
          %add3A_387 = arith.addi %add3A_374, %squeeze3A_386 : i32
          %add3A_388 = arith.constant 13 : i32
          %add3A_389 = vector.broadcast %add3A_388 : i32 to vector<16xi32>
          %add3A_390 = arith.addi %mul3A_6, %add3A_389 : vector<16xi32>
          %gather3A_391 = tpu.vector_load_idx %arg4[%add3A_390] : memref<32799xf32, #tpu.memory_space<vmem>>[vector<16xi32>], vector<16xf32>,
          %gt3A_392 = arith.constant 13 : i32
          %gt3A_393 = vector.broadcast %gt3A_392 : i32 to vector<16xi32>
          %gt3A_394 = arith.cmpi sgt, %while3A_192#1, %gt3A_393 : vector<16xi32>
          %swap3A_395 = arith.index_cast %add3A_387 : i32 to index
          %swap3A_396 = tpu.vector_load %arg7[%swap3A_395] masked %gt3A_394 {strides = array<i32>} : memref<32xf32, #tpu.memory_space<vmem>>, vector<16xf32>, vector<16xi1>
          tpu.vector_store %arg7[%swap3A_395], %gather3A_391 masked %gt3A_394 {strides = array<i32>} : memref<32xf32, #tpu.memory_space<vmem>>, vector<16xf32>, vector<16xi1>
          %all_reduce_population_count3A_397 = tpu.all_reduce %gt3A_394 {dim = 0 : i64, kind = #tpu.reduction_kind<sum>} : vector<16xi1> -> vector<16xi32>
          %slice3A_398 = vector.extract_strided_slice %all_reduce_population_count3A_397 {offsets = [0], sizes = [1], strides = [1]} : vector<16xi32> to vector<1xi32>
          %squeeze3A_399 = vector.extract %slice3A_398[0] : i32 from vector<1xi32>
          %add3A_400 = arith.addi %add3A_387, %squeeze3A_399 : i32
          %add3A_401 = arith.constant 14 : i32
          %add3A_402 = vector.broadcast %add3A_401 : i32 to vector<16xi32>
          %add3A_403 = arith.addi %mul3A_6, %add3A_402 : vector<16xi32>
          %gather3A_404 = tpu.vector_load_idx %arg4[%add3A_403] : memref<32799xf32, #tpu.memory_space<vmem>>[vector<16xi32>], vector<16xf32>,
          %gt3A_405 = arith.constant 14 : i32
          %gt3A_406 = vector.broadcast %gt3A_405 : i32 to vector<16xi32>
          %gt3A_407 = arith.cmpi sgt, %while3A_192#1, %gt3A_406 : vector<16xi32>
          %swap3A_408 = arith.index_cast %add3A_400 : i32 to index
          %swap3A_409 = tpu.vector_load %arg7[%swap3A_408] masked %gt3A_407 {strides = array<i32>} : memref<32xf32, #tpu.memory_space<vmem>>, vector<16xf32>, vector<16xi1>
          tpu.vector_store %arg7[%swap3A_408], %gather3A_404 masked %gt3A_407 {strides = array<i32>} : memref<32xf32, #tpu.memory_space<vmem>>, vector<16xf32>, vector<16xi1>
          %all_reduce_population_count3A_410 = tpu.all_reduce %gt3A_407 {dim = 0 : i64, kind = #tpu.reduction_kind<sum>} : vector<16xi1> -> vector<16xi32>
          %slice3A_411 = vector.extract_strided_slice %all_reduce_population_count3A_410 {offsets = [0], sizes = [1], strides = [1]} : vector<16xi32> to vector<1xi32>
          %squeeze3A_412 = vector.extract %slice3A_411[0] : i32 from vector<1xi32>
          %add3A_413 = arith.addi %add3A_400, %squeeze3A_412 : i32
          %add3A_414 = arith.constant 15 : i32
          %add3A_415 = vector.broadcast %add3A_414 : i32 to vector<16xi32>
          %add3A_416 = arith.addi %mul3A_6, %add3A_415 : vector<16xi32>
          %gather3A_417 = tpu.vector_load_idx %arg4[%add3A_416] : memref<32799xf32, #tpu.memory_space<vmem>>[vector<16xi32>], vector<16xf32>,
          %gt3A_418 = arith.constant 15 : i32
          %gt3A_419 = vector.broadcast %gt3A_418 : i32 to vector<16xi32>
          %gt3A_420 = arith.cmpi sgt, %while3A_192#1, %gt3A_419 : vector<16xi32>
          %swap3A_421 = arith.index_cast %add3A_413 : i32 to index
          %swap3A_422 = tpu.vector_load %arg7[%swap3A_421] masked %gt3A_420 {strides = array<i32>} : memref<32xf32, #tpu.memory_space<vmem>>, vector<16xf32>, vector<16xi1>
          tpu.vector_store %arg7[%swap3A_421], %gather3A_417 masked %gt3A_420 {strides = array<i32>} : memref<32xf32, #tpu.memory_space<vmem>>, vector<16xf32>, vector<16xi1>
          %all_reduce_population_count3A_423 = tpu.all_reduce %gt3A_420 {dim = 0 : i64, kind = #tpu.reduction_kind<sum>} : vector<16xi1> -> vector<16xi32>
          %slice3A_424 = vector.extract_strided_slice %all_reduce_population_count3A_423 {offsets = [0], sizes = [1], strides = [1]} : vector<16xi32> to vector<1xi32>
          %squeeze3A_425 = vector.extract %slice3A_424[0] : i32 from vector<1xi32>
          %add3A_426 = arith.addi %add3A_413, %squeeze3A_425 : i32
          %get3A = arith.constant 0 : index
          %get3A_427 = tpu.vector_load %arg7[%get3A] {strides = array<i32>} : memref<32xf32, #tpu.memory_space<vmem>>, vector<16xf32>,
          %broadcast_in_dim3A_428 = vector.broadcast %while3A_192#2 : i32 to vector<16xi32>
          %lt3A_429 = arith.cmpi slt, %iota3A, %broadcast_in_dim3A_428 : vector<16xi32>
          %masked_sort3A, %masked_sort3A_430, %masked_sort3A_431 = tpu.sort %get3A_427, %get3A_427 masked %lt3A_429 : (vector<16xf32>, vector<16xf32>, vector<16xi1>) -> (vector<16xi1>, vector<16xf32>, vector<16xf32>)
          %broadcast_in_dim3A_432 = vector.broadcast %while3A_192#3 : i32 to vector<16xi32>
          %eq3A_433 = arith.cmpi eq, %iota3A, %broadcast_in_dim3A_432 : vector<16xi32>
          %jit3A_434 = arith.constant 0.000000e+00 : f32
          %broadcast_in_dim3A_435 = vector.broadcast %jit3A_434 : f32 to vector<16xf32>
          %select_n3A_436 = arith.select %eq3A_433, %masked_sort3A_430, %broadcast_in_dim3A_435 : vector<16xi1>, vector<16xf32>
          %broadcast_in_dim3A_437 = arith.constant true
          %broadcast_in_dim3A_438 = vector.broadcast %broadcast_in_dim3A_437 : i1 to vector<16xi1>
          %masked_cumsum3A_439 = tpu.scan <sum>, %select_n3A_436 masked %broadcast_in_dim3A_438 : vector<16xf32>, vector<16xi1> -> vector<16xf32>
          %slice3A_440 = vector.extract_strided_slice %masked_cumsum3A_439 {offsets = [15], sizes = [1], strides = [1]} : vector<16xf32> to vector<1xf32>
          %squeeze3A_441 = vector.extract %slice3A_440[0] : f32 from vector<1xf32>
          scf.yield %squeeze3A_441 : f32
        } else {
          %eq3A_219 = arith.constant 1 : i32
          %eq3A_220 = arith.cmpi eq, %while3A_192#0, %eq3A_219 : i32
          %convert_element_type3A_221 = arith.extui %eq3A_220 : i1 to i32
          %cond3A_222 = arith.constant 0 : i32
          %cond3A_223 = arith.cmpi ne, %convert_element_type3A_221, %cond3A_222 : i32
          %cond3A_224 = scf.if %cond3A_223 -> (f32) {
            %add3A_225 = arith.constant 0 : i32
            %add3A_226 = vector.broadcast %add3A_225 : i32 to vector<16xi32>
            %add3A_227 = arith.addi %mul3A_6, %add3A_226 : vector<16xi32>
            %gather3A = tpu.vector_load_idx %arg5[%add3A_227] : memref<32799xf32, #tpu.memory_space<vmem>>[vector<16xi32>], vector<16xf32>,
            %gt3A_228 = arith.constant 0 : i32
            %gt3A_229 = vector.broadcast %gt3A_228 : i32 to vector<16xi32>
            %gt3A_230 = arith.cmpi sgt, %while3A_192#1, %gt3A_229 : vector<16xi32>
            %swap3A_231 = arith.constant 0 : i32
            %swap3A_232 = arith.index_cast %swap3A_231 : i32 to index
            %swap3A_233 = tpu.vector_load %arg7[%swap3A_232] masked %gt3A_230 {strides = array<i32>} : memref<32xf32, #tpu.memory_space<vmem>>, vector<16xf32>, vector<16xi1>
            tpu.vector_store %arg7[%swap3A_232], %gather3A masked %gt3A_230 {strides = array<i32>} : memref<32xf32, #tpu.memory_space<vmem>>, vector<16xf32>, vector<16xi1>
            %all_reduce_population_count3A = tpu.all_reduce %gt3A_230 {dim = 0 : i64, kind = #tpu.reduction_kind<sum>} : vector<16xi1> -> vector<16xi32>
            %slice3A_234 = vector.extract_strided_slice %all_reduce_population_count3A {offsets = [0], sizes = [1], strides = [1]} : vector<16xi32> to vector<1xi32>
            %squeeze3A_235 = vector.extract %slice3A_234[0] : i32 from vector<1xi32>
            %add3A_236 = arith.constant 0 : i32
            %add3A_237 = arith.addi %add3A_236, %squeeze3A_235 : i32
            %add3A_238 = arith.constant 1 : i32
            %add3A_239 = vector.broadcast %add3A_238 : i32 to vector<16xi32>
            %add3A_240 = arith.addi %mul3A_6, %add3A_239 : vector<16xi32>
            %gather3A_241 = tpu.vector_load_idx %arg5[%add3A_240] : memref<32799xf32, #tpu.memory_space<vmem>>[vector<16xi32>], vector<16xf32>,
            %gt3A_242 = arith.constant 1 : i32
            %gt3A_243 = vector.broadcast %gt3A_242 : i32 to vector<16xi32>
            %gt3A_244 = arith.cmpi sgt, %while3A_192#1, %gt3A_243 : vector<16xi32>
            %swap3A_245 = arith.index_cast %add3A_237 : i32 to index
            %swap3A_246 = tpu.vector_load %arg7[%swap3A_245] masked %gt3A_244 {strides = array<i32>} : memref<32xf32, #tpu.memory_space<vmem>>, vector<16xf32>, vector<16xi1>
            tpu.vector_store %arg7[%swap3A_245], %gather3A_241 masked %gt3A_244 {strides = array<i32>} : memref<32xf32, #tpu.memory_space<vmem>>, vector<16xf32>, vector<16xi1>
            %all_reduce_population_count3A_247 = tpu.all_reduce %gt3A_244 {dim = 0 : i64, kind = #tpu.reduction_kind<sum>} : vector<16xi1> -> vector<16xi32>
            %slice3A_248 = vector.extract_strided_slice %all_reduce_population_count3A_247 {offsets = [0], sizes = [1], strides = [1]} : vector<16xi32> to vector<1xi32>
            %squeeze3A_249 = vector.extract %slice3A_248[0] : i32 from vector<1xi32>
            %add3A_250 = arith.addi %add3A_237, %squeeze3A_249 : i32
            %add3A_251 = arith.constant 2 : i32
            %add3A_252 = vector.broadcast %add3A_251 : i32 to vector<16xi32>
            %add3A_253 = arith.addi %mul3A_6, %add3A_252 : vector<16xi32>
            %gather3A_254 = tpu.vector_load_idx %arg5[%add3A_253] : memref<32799xf32, #tpu.memory_space<vmem>>[vector<16xi32>], vector<16xf32>,
            %gt3A_255 = arith.constant 2 : i32
            %gt3A_256 = vector.broadcast %gt3A_255 : i32 to vector<16xi32>
            %gt3A_257 = arith.cmpi sgt, %while3A_192#1, %gt3A_256 : vector<16xi32>
            %swap3A_258 = arith.index_cast %add3A_250 : i32 to index
            %swap3A_259 = tpu.vector_load %arg7[%swap3A_258] masked %gt3A_257 {strides = array<i32>} : memref<32xf32, #tpu.memory_space<vmem>>, vector<16xf32>, vector<16xi1>
            tpu.vector_store %arg7[%swap3A_258], %gather3A_254 masked %gt3A_257 {strides = array<i32>} : memref<32xf32, #tpu.memory_space<vmem>>, vector<16xf32>, vector<16xi1>
            %all_reduce_population_count3A_260 = tpu.all_reduce %gt3A_257 {dim = 0 : i64, kind = #tpu.reduction_kind<sum>} : vector<16xi1> -> vector<16xi32>
            %slice3A_261 = vector.extract_strided_slice %all_reduce_population_count3A_260 {offsets = [0], sizes = [1], strides = [1]} : vector<16xi32> to vector<1xi32>
            %squeeze3A_262 = vector.extract %slice3A_261[0] : i32 from vector<1xi32>
            %add3A_263 = arith.addi %add3A_250, %squeeze3A_262 : i32
            %add3A_264 = arith.constant 3 : i32
            %add3A_265 = vector.broadcast %add3A_264 : i32 to vector<16xi32>
            %add3A_266 = arith.addi %mul3A_6, %add3A_265 : vector<16xi32>
            %gather3A_267 = tpu.vector_load_idx %arg5[%add3A_266] : memref<32799xf32, #tpu.memory_space<vmem>>[vector<16xi32>], vector<16xf32>,
            %gt3A_268 = arith.constant 3 : i32
            %gt3A_269 = vector.broadcast %gt3A_268 : i32 to vector<16xi32>
            %gt3A_270 = arith.cmpi sgt, %while3A_192#1, %gt3A_269 : vector<16xi32>
            %swap3A_271 = arith.index_cast %add3A_263 : i32 to index
            %swap3A_272 = tpu.vector_load %arg7[%swap3A_271] masked %gt3A_270 {strides = array<i32>} : memref<32xf32, #tpu.memory_space<vmem>>, vector<16xf32>, vector<16xi1>
            tpu.vector_store %arg7[%swap3A_271], %gather3A_267 masked %gt3A_270 {strides = array<i32>} : memref<32xf32, #tpu.memory_space<vmem>>, vector<16xf32>, vector<16xi1>
            %all_reduce_population_count3A_273 = tpu.all_reduce %gt3A_270 {dim = 0 : i64, kind = #tpu.reduction_kind<sum>} : vector<16xi1> -> vector<16xi32>
            %slice3A_274 = vector.extract_strided_slice %all_reduce_population_count3A_273 {offsets = [0], sizes = [1], strides = [1]} : vector<16xi32> to vector<1xi32>
            %squeeze3A_275 = vector.extract %slice3A_274[0] : i32 from vector<1xi32>
            %add3A_276 = arith.addi %add3A_263, %squeeze3A_275 : i32
            %add3A_277 = arith.constant 4 : i32
            %add3A_278 = vector.broadcast %add3A_277 : i32 to vector<16xi32>
            %add3A_279 = arith.addi %mul3A_6, %add3A_278 : vector<16xi32>
            %gather3A_280 = tpu.vector_load_idx %arg5[%add3A_279] : memref<32799xf32, #tpu.memory_space<vmem>>[vector<16xi32>], vector<16xf32>,
            %gt3A_281 = arith.constant 4 : i32
            %gt3A_282 = vector.broadcast %gt3A_281 : i32 to vector<16xi32>
            %gt3A_283 = arith.cmpi sgt, %while3A_192#1, %gt3A_282 : vector<16xi32>
            %swap3A_284 = arith.index_cast %add3A_276 : i32 to index
            %swap3A_285 = tpu.vector_load %arg7[%swap3A_284] masked %gt3A_283 {strides = array<i32>} : memref<32xf32, #tpu.memory_space<vmem>>, vector<16xf32>, vector<16xi1>
            tpu.vector_store %arg7[%swap3A_284], %gather3A_280 masked %gt3A_283 {strides = array<i32>} : memref<32xf32, #tpu.memory_space<vmem>>, vector<16xf32>, vector<16xi1>
            %all_reduce_population_count3A_286 = tpu.all_reduce %gt3A_283 {dim = 0 : i64, kind = #tpu.reduction_kind<sum>} : vector<16xi1> -> vector<16xi32>
            %slice3A_287 = vector.extract_strided_slice %all_reduce_population_count3A_286 {offsets = [0], sizes = [1], strides = [1]} : vector<16xi32> to vector<1xi32>
            %squeeze3A_288 = vector.extract %slice3A_287[0] : i32 from vector<1xi32>
            %add3A_289 = arith.addi %add3A_276, %squeeze3A_288 : i32
            %add3A_290 = arith.constant 5 : i32
            %add3A_291 = vector.broadcast %add3A_290 : i32 to vector<16xi32>
            %add3A_292 = arith.addi %mul3A_6, %add3A_291 : vector<16xi32>
            %gather3A_293 = tpu.vector_load_idx %arg5[%add3A_292] : memref<32799xf32, #tpu.memory_space<vmem>>[vector<16xi32>], vector<16xf32>,
            %gt3A_294 = arith.constant 5 : i32
            %gt3A_295 = vector.broadcast %gt3A_294 : i32 to vector<16xi32>
            %gt3A_296 = arith.cmpi sgt, %while3A_192#1, %gt3A_295 : vector<16xi32>
            %swap3A_297 = arith.index_cast %add3A_289 : i32 to index
            %swap3A_298 = tpu.vector_load %arg7[%swap3A_297] masked %gt3A_296 {strides = array<i32>} : memref<32xf32, #tpu.memory_space<vmem>>, vector<16xf32>, vector<16xi1>
            tpu.vector_store %arg7[%swap3A_297], %gather3A_293 masked %gt3A_296 {strides = array<i32>} : memref<32xf32, #tpu.memory_space<vmem>>, vector<16xf32>, vector<16xi1>
            %all_reduce_population_count3A_299 = tpu.all_reduce %gt3A_296 {dim = 0 : i64, kind = #tpu.reduction_kind<sum>} : vector<16xi1> -> vector<16xi32>
            %slice3A_300 = vector.extract_strided_slice %all_reduce_population_count3A_299 {offsets = [0], sizes = [1], strides = [1]} : vector<16xi32> to vector<1xi32>
            %squeeze3A_301 = vector.extract %slice3A_300[0] : i32 from vector<1xi32>
            %add3A_302 = arith.addi %add3A_289, %squeeze3A_301 : i32
            %add3A_303 = arith.constant 6 : i32
            %add3A_304 = vector.broadcast %add3A_303 : i32 to vector<16xi32>
            %add3A_305 = arith.addi %mul3A_6, %add3A_304 : vector<16xi32>
            %gather3A_306 = tpu.vector_load_idx %arg5[%add3A_305] : memref<32799xf32, #tpu.memory_space<vmem>>[vector<16xi32>], vector<16xf32>,
            %gt3A_307 = arith.constant 6 : i32
            %gt3A_308 = vector.broadcast %gt3A_307 : i32 to vector<16xi32>
            %gt3A_309 = arith.cmpi sgt, %while3A_192#1, %gt3A_308 : vector<16xi32>
            %swap3A_310 = arith.index_cast %add3A_302 : i32 to index
            %swap3A_311 = tpu.vector_load %arg7[%swap3A_310] masked %gt3A_309 {strides = array<i32>} : memref<32xf32, #tpu.memory_space<vmem>>, vector<16xf32>, vector<16xi1>
            tpu.vector_store %arg7[%swap3A_310], %gather3A_306 masked %gt3A_309 {strides = array<i32>} : memref<32xf32, #tpu.memory_space<vmem>>, vector<16xf32>, vector<16xi1>
            %all_reduce_population_count3A_312 = tpu.all_reduce %gt3A_309 {dim = 0 : i64, kind = #tpu.reduction_kind<sum>} : vector<16xi1> -> vector<16xi32>
            %slice3A_313 = vector.extract_strided_slice %all_reduce_population_count3A_312 {offsets = [0], sizes = [1], strides = [1]} : vector<16xi32> to vector<1xi32>
            %squeeze3A_314 = vector.extract %slice3A_313[0] : i32 from vector<1xi32>
            %add3A_315 = arith.addi %add3A_302, %squeeze3A_314 : i32
            %add3A_316 = arith.constant 7 : i32
            %add3A_317 = vector.broadcast %add3A_316 : i32 to vector<16xi32>
            %add3A_318 = arith.addi %mul3A_6, %add3A_317 : vector<16xi32>
            %gather3A_319 = tpu.vector_load_idx %arg5[%add3A_318] : memref<32799xf32, #tpu.memory_space<vmem>>[vector<16xi32>], vector<16xf32>,
            %gt3A_320 = arith.constant 7 : i32
            %gt3A_321 = vector.broadcast %gt3A_320 : i32 to vector<16xi32>
            %gt3A_322 = arith.cmpi sgt, %while3A_192#1, %gt3A_321 : vector<16xi32>
            %swap3A_323 = arith.index_cast %add3A_315 : i32 to index
            %swap3A_324 = tpu.vector_load %arg7[%swap3A_323] masked %gt3A_322 {strides = array<i32>} : memref<32xf32, #tpu.memory_space<vmem>>, vector<16xf32>, vector<16xi1>
            tpu.vector_store %arg7[%swap3A_323], %gather3A_319 masked %gt3A_322 {strides = array<i32>} : memref<32xf32, #tpu.memory_space<vmem>>, vector<16xf32>, vector<16xi1>
            %all_reduce_population_count3A_325 = tpu.all_reduce %gt3A_322 {dim = 0 : i64, kind = #tpu.reduction_kind<sum>} : vector<16xi1> -> vector<16xi32>
            %slice3A_326 = vector.extract_strided_slice %all_reduce_population_count3A_325 {offsets = [0], sizes = [1], strides = [1]} : vector<16xi32> to vector<1xi32>
            %squeeze3A_327 = vector.extract %slice3A_326[0] : i32 from vector<1xi32>
            %add3A_328 = arith.addi %add3A_315, %squeeze3A_327 : i32
            %add3A_329 = arith.constant 8 : i32
            %add3A_330 = vector.broadcast %add3A_329 : i32 to vector<16xi32>
            %add3A_331 = arith.addi %mul3A_6, %add3A_330 : vector<16xi32>
            %gather3A_332 = tpu.vector_load_idx %arg5[%add3A_331] : memref<32799xf32, #tpu.memory_space<vmem>>[vector<16xi32>], vector<16xf32>,
            %gt3A_333 = arith.constant 8 : i32
            %gt3A_334 = vector.broadcast %gt3A_333 : i32 to vector<16xi32>
            %gt3A_335 = arith.cmpi sgt, %while3A_192#1, %gt3A_334 : vector<16xi32>
            %swap3A_336 = arith.index_cast %add3A_328 : i32 to index
            %swap3A_337 = tpu.vector_load %arg7[%swap3A_336] masked %gt3A_335 {strides = array<i32>} : memref<32xf32, #tpu.memory_space<vmem>>, vector<16xf32>, vector<16xi1>
            tpu.vector_store %arg7[%swap3A_336], %gather3A_332 masked %gt3A_335 {strides = array<i32>} : memref<32xf32, #tpu.memory_space<vmem>>, vector<16xf32>, vector<16xi1>
            %all_reduce_population_count3A_338 = tpu.all_reduce %gt3A_335 {dim = 0 : i64, kind = #tpu.reduction_kind<sum>} : vector<16xi1> -> vector<16xi32>
            %slice3A_339 = vector.extract_strided_slice %all_reduce_population_count3A_338 {offsets = [0], sizes = [1], strides = [1]} : vector<16xi32> to vector<1xi32>
            %squeeze3A_340 = vector.extract %slice3A_339[0] : i32 from vector<1xi32>
            %add3A_341 = arith.addi %add3A_328, %squeeze3A_340 : i32
            %add3A_342 = arith.constant 9 : i32
            %add3A_343 = vector.broadcast %add3A_342 : i32 to vector<16xi32>
            %add3A_344 = arith.addi %mul3A_6, %add3A_343 : vector<16xi32>
            %gather3A_345 = tpu.vector_load_idx %arg5[%add3A_344] : memref<32799xf32, #tpu.memory_space<vmem>>[vector<16xi32>], vector<16xf32>,
            %gt3A_346 = arith.constant 9 : i32
            %gt3A_347 = vector.broadcast %gt3A_346 : i32 to vector<16xi32>
            %gt3A_348 = arith.cmpi sgt, %while3A_192#1, %gt3A_347 : vector<16xi32>
            %swap3A_349 = arith.index_cast %add3A_341 : i32 to index
            %swap3A_350 = tpu.vector_load %arg7[%swap3A_349] masked %gt3A_348 {strides = array<i32>} : memref<32xf32, #tpu.memory_space<vmem>>, vector<16xf32>, vector<16xi1>
            tpu.vector_store %arg7[%swap3A_349], %gather3A_345 masked %gt3A_348 {strides = array<i32>} : memref<32xf32, #tpu.memory_space<vmem>>, vector<16xf32>, vector<16xi1>
            %all_reduce_population_count3A_351 = tpu.all_reduce %gt3A_348 {dim = 0 : i64, kind = #tpu.reduction_kind<sum>} : vector<16xi1> -> vector<16xi32>
            %slice3A_352 = vector.extract_strided_slice %all_reduce_population_count3A_351 {offsets = [0], sizes = [1], strides = [1]} : vector<16xi32> to vector<1xi32>
            %squeeze3A_353 = vector.extract %slice3A_352[0] : i32 from vector<1xi32>
            %add3A_354 = arith.addi %add3A_341, %squeeze3A_353 : i32
            %add3A_355 = arith.constant 10 : i32
            %add3A_356 = vector.broadcast %add3A_355 : i32 to vector<16xi32>
            %add3A_357 = arith.addi %mul3A_6, %add3A_356 : vector<16xi32>
            %gather3A_358 = tpu.vector_load_idx %arg5[%add3A_357] : memref<32799xf32, #tpu.memory_space<vmem>>[vector<16xi32>], vector<16xf32>,
            %gt3A_359 = arith.constant 10 : i32
            %gt3A_360 = vector.broadcast %gt3A_359 : i32 to vector<16xi32>
            %gt3A_361 = arith.cmpi sgt, %while3A_192#1, %gt3A_360 : vector<16xi32>
            %swap3A_362 = arith.index_cast %add3A_354 : i32 to index
            %swap3A_363 = tpu.vector_load %arg7[%swap3A_362] masked %gt3A_361 {strides = array<i32>} : memref<32xf32, #tpu.memory_space<vmem>>, vector<16xf32>, vector<16xi1>
            tpu.vector_store %arg7[%swap3A_362], %gather3A_358 masked %gt3A_361 {strides = array<i32>} : memref<32xf32, #tpu.memory_space<vmem>>, vector<16xf32>, vector<16xi1>
            %all_reduce_population_count3A_364 = tpu.all_reduce %gt3A_361 {dim = 0 : i64, kind = #tpu.reduction_kind<sum>} : vector<16xi1> -> vector<16xi32>
            %slice3A_365 = vector.extract_strided_slice %all_reduce_population_count3A_364 {offsets = [0], sizes = [1], strides = [1]} : vector<16xi32> to vector<1xi32>
            %squeeze3A_366 = vector.extract %slice3A_365[0] : i32 from vector<1xi32>
            %add3A_367 = arith.addi %add3A_354, %squeeze3A_366 : i32
            %add3A_368 = arith.constant 11 : i32
            %add3A_369 = vector.broadcast %add3A_368 : i32 to vector<16xi32>
            %add3A_370 = arith.addi %mul3A_6, %add3A_369 : vector<16xi32>
            %gather3A_371 = tpu.vector_load_idx %arg5[%add3A_370] : memref<32799xf32, #tpu.memory_space<vmem>>[vector<16xi32>], vector<16xf32>,
            %gt3A_372 = arith.constant 11 : i32
            %gt3A_373 = vector.broadcast %gt3A_372 : i32 to vector<16xi32>
            %gt3A_374 = arith.cmpi sgt, %while3A_192#1, %gt3A_373 : vector<16xi32>
            %swap3A_375 = arith.index_cast %add3A_367 : i32 to index
            %swap3A_376 = tpu.vector_load %arg7[%swap3A_375] masked %gt3A_374 {strides = array<i32>} : memref<32xf32, #tpu.memory_space<vmem>>, vector<16xf32>, vector<16xi1>
            tpu.vector_store %arg7[%swap3A_375], %gather3A_371 masked %gt3A_374 {strides = array<i32>} : memref<32xf32, #tpu.memory_space<vmem>>, vector<16xf32>, vector<16xi1>
            %all_reduce_population_count3A_377 = tpu.all_reduce %gt3A_374 {dim = 0 : i64, kind = #tpu.reduction_kind<sum>} : vector<16xi1> -> vector<16xi32>
            %slice3A_378 = vector.extract_strided_slice %all_reduce_population_count3A_377 {offsets = [0], sizes = [1], strides = [1]} : vector<16xi32> to vector<1xi32>
            %squeeze3A_379 = vector.extract %slice3A_378[0] : i32 from vector<1xi32>
            %add3A_380 = arith.addi %add3A_367, %squeeze3A_379 : i32
            %add3A_381 = arith.constant 12 : i32
            %add3A_382 = vector.broadcast %add3A_381 : i32 to vector<16xi32>
            %add3A_383 = arith.addi %mul3A_6, %add3A_382 : vector<16xi32>
            %gather3A_384 = tpu.vector_load_idx %arg5[%add3A_383] : memref<32799xf32, #tpu.memory_space<vmem>>[vector<16xi32>], vector<16xf32>,
            %gt3A_385 = arith.constant 12 : i32
            %gt3A_386 = vector.broadcast %gt3A_385 : i32 to vector<16xi32>
            %gt3A_387 = arith.cmpi sgt, %while3A_192#1, %gt3A_386 : vector<16xi32>
            %swap3A_388 = arith.index_cast %add3A_380 : i32 to index
            %swap3A_389 = tpu.vector_load %arg7[%swap3A_388] masked %gt3A_387 {strides = array<i32>} : memref<32xf32, #tpu.memory_space<vmem>>, vector<16xf32>, vector<16xi1>
            tpu.vector_store %arg7[%swap3A_388], %gather3A_384 masked %gt3A_387 {strides = array<i32>} : memref<32xf32, #tpu.memory_space<vmem>>, vector<16xf32>, vector<16xi1>
            %all_reduce_population_count3A_390 = tpu.all_reduce %gt3A_387 {dim = 0 : i64, kind = #tpu.reduction_kind<sum>} : vector<16xi1> -> vector<16xi32>
            %slice3A_391 = vector.extract_strided_slice %all_reduce_population_count3A_390 {offsets = [0], sizes = [1], strides = [1]} : vector<16xi32> to vector<1xi32>
            %squeeze3A_392 = vector.extract %slice3A_391[0] : i32 from vector<1xi32>
            %add3A_393 = arith.addi %add3A_380, %squeeze3A_392 : i32
            %add3A_394 = arith.constant 13 : i32
            %add3A_395 = vector.broadcast %add3A_394 : i32 to vector<16xi32>
            %add3A_396 = arith.addi %mul3A_6, %add3A_395 : vector<16xi32>
            %gather3A_397 = tpu.vector_load_idx %arg5[%add3A_396] : memref<32799xf32, #tpu.memory_space<vmem>>[vector<16xi32>], vector<16xf32>,
            %gt3A_398 = arith.constant 13 : i32
            %gt3A_399 = vector.broadcast %gt3A_398 : i32 to vector<16xi32>
            %gt3A_400 = arith.cmpi sgt, %while3A_192#1, %gt3A_399 : vector<16xi32>
            %swap3A_401 = arith.index_cast %add3A_393 : i32 to index
            %swap3A_402 = tpu.vector_load %arg7[%swap3A_401] masked %gt3A_400 {strides = array<i32>} : memref<32xf32, #tpu.memory_space<vmem>>, vector<16xf32>, vector<16xi1>
            tpu.vector_store %arg7[%swap3A_401], %gather3A_397 masked %gt3A_400 {strides = array<i32>} : memref<32xf32, #tpu.memory_space<vmem>>, vector<16xf32>, vector<16xi1>
            %all_reduce_population_count3A_403 = tpu.all_reduce %gt3A_400 {dim = 0 : i64, kind = #tpu.reduction_kind<sum>} : vector<16xi1> -> vector<16xi32>
            %slice3A_404 = vector.extract_strided_slice %all_reduce_population_count3A_403 {offsets = [0], sizes = [1], strides = [1]} : vector<16xi32> to vector<1xi32>
            %squeeze3A_405 = vector.extract %slice3A_404[0] : i32 from vector<1xi32>
            %add3A_406 = arith.addi %add3A_393, %squeeze3A_405 : i32
            %add3A_407 = arith.constant 14 : i32
            %add3A_408 = vector.broadcast %add3A_407 : i32 to vector<16xi32>
            %add3A_409 = arith.addi %mul3A_6, %add3A_408 : vector<16xi32>
            %gather3A_410 = tpu.vector_load_idx %arg5[%add3A_409] : memref<32799xf32, #tpu.memory_space<vmem>>[vector<16xi32>], vector<16xf32>,
            %gt3A_411 = arith.constant 14 : i32
            %gt3A_412 = vector.broadcast %gt3A_411 : i32 to vector<16xi32>
            %gt3A_413 = arith.cmpi sgt, %while3A_192#1, %gt3A_412 : vector<16xi32>
            %swap3A_414 = arith.index_cast %add3A_406 : i32 to index
            %swap3A_415 = tpu.vector_load %arg7[%swap3A_414] masked %gt3A_413 {strides = array<i32>} : memref<32xf32, #tpu.memory_space<vmem>>, vector<16xf32>, vector<16xi1>
            tpu.vector_store %arg7[%swap3A_414], %gather3A_410 masked %gt3A_413 {strides = array<i32>} : memref<32xf32, #tpu.memory_space<vmem>>, vector<16xf32>, vector<16xi1>
            %all_reduce_population_count3A_416 = tpu.all_reduce %gt3A_413 {dim = 0 : i64, kind = #tpu.reduction_kind<sum>} : vector<16xi1> -> vector<16xi32>
            %slice3A_417 = vector.extract_strided_slice %all_reduce_population_count3A_416 {offsets = [0], sizes = [1], strides = [1]} : vector<16xi32> to vector<1xi32>
            %squeeze3A_418 = vector.extract %slice3A_417[0] : i32 from vector<1xi32>
            %add3A_419 = arith.addi %add3A_406, %squeeze3A_418 : i32
            %add3A_420 = arith.constant 15 : i32
            %add3A_421 = vector.broadcast %add3A_420 : i32 to vector<16xi32>
            %add3A_422 = arith.addi %mul3A_6, %add3A_421 : vector<16xi32>
            %gather3A_423 = tpu.vector_load_idx %arg5[%add3A_422] : memref<32799xf32, #tpu.memory_space<vmem>>[vector<16xi32>], vector<16xf32>,
            %gt3A_424 = arith.constant 15 : i32
            %gt3A_425 = vector.broadcast %gt3A_424 : i32 to vector<16xi32>
            %gt3A_426 = arith.cmpi sgt, %while3A_192#1, %gt3A_425 : vector<16xi32>
            %swap3A_427 = arith.index_cast %add3A_419 : i32 to index
            %swap3A_428 = tpu.vector_load %arg7[%swap3A_427] masked %gt3A_426 {strides = array<i32>} : memref<32xf32, #tpu.memory_space<vmem>>, vector<16xf32>, vector<16xi1>
            tpu.vector_store %arg7[%swap3A_427], %gather3A_423 masked %gt3A_426 {strides = array<i32>} : memref<32xf32, #tpu.memory_space<vmem>>, vector<16xf32>, vector<16xi1>
            %all_reduce_population_count3A_429 = tpu.all_reduce %gt3A_426 {dim = 0 : i64, kind = #tpu.reduction_kind<sum>} : vector<16xi1> -> vector<16xi32>
            %slice3A_430 = vector.extract_strided_slice %all_reduce_population_count3A_429 {offsets = [0], sizes = [1], strides = [1]} : vector<16xi32> to vector<1xi32>
            %squeeze3A_431 = vector.extract %slice3A_430[0] : i32 from vector<1xi32>
            %add3A_432 = arith.addi %add3A_419, %squeeze3A_431 : i32
            %get3A = arith.constant 0 : index
            %get3A_433 = tpu.vector_load %arg7[%get3A] {strides = array<i32>} : memref<32xf32, #tpu.memory_space<vmem>>, vector<16xf32>,
            %broadcast_in_dim3A_434 = vector.broadcast %while3A_192#2 : i32 to vector<16xi32>
            %lt3A_435 = arith.cmpi slt, %iota3A, %broadcast_in_dim3A_434 : vector<16xi32>
            %masked_sort3A, %masked_sort3A_436, %masked_sort3A_437 = tpu.sort %get3A_433, %get3A_433 masked %lt3A_435 : (vector<16xf32>, vector<16xf32>, vector<16xi1>) -> (vector<16xi1>, vector<16xf32>, vector<16xf32>)
            %broadcast_in_dim3A_438 = vector.broadcast %while3A_192#3 : i32 to vector<16xi32>
            %eq3A_439 = arith.cmpi eq, %iota3A, %broadcast_in_dim3A_438 : vector<16xi32>
            %jit3A_440 = arith.constant 0.000000e+00 : f32
            %broadcast_in_dim3A_441 = vector.broadcast %jit3A_440 : f32 to vector<16xf32>
            %select_n3A_442 = arith.select %eq3A_439, %masked_sort3A_436, %broadcast_in_dim3A_441 : vector<16xi1>, vector<16xf32>
            %broadcast_in_dim3A_443 = arith.constant true
            %broadcast_in_dim3A_444 = vector.broadcast %broadcast_in_dim3A_443 : i1 to vector<16xi1>
            %masked_cumsum3A_445 = tpu.scan <sum>, %select_n3A_442 masked %broadcast_in_dim3A_444 : vector<16xf32>, vector<16xi1> -> vector<16xf32>
            %slice3A_446 = vector.extract_strided_slice %masked_cumsum3A_445 {offsets = [15], sizes = [1], strides = [1]} : vector<16xf32> to vector<1xf32>
            %squeeze3A_447 = vector.extract %slice3A_446[0] : f32 from vector<1xf32>
            scf.yield %squeeze3A_447 : f32
          } else {
            %add3A_225 = arith.constant 0 : i32
            %add3A_226 = vector.broadcast %add3A_225 : i32 to vector<16xi32>
            %add3A_227 = arith.addi %mul3A_6, %add3A_226 : vector<16xi32>
            %gather3A = tpu.vector_load_idx %arg6[%add3A_227] : memref<32799xf32, #tpu.memory_space<vmem>>[vector<16xi32>], vector<16xf32>,
            %gt3A_228 = arith.constant 0 : i32
            %gt3A_229 = vector.broadcast %gt3A_228 : i32 to vector<16xi32>
            %gt3A_230 = arith.cmpi sgt, %while3A_192#1, %gt3A_229 : vector<16xi32>
            %swap3A_231 = arith.constant 0 : i32
            %swap3A_232 = arith.index_cast %swap3A_231 : i32 to index
            %swap3A_233 = tpu.vector_load %arg7[%swap3A_232] masked %gt3A_230 {strides = array<i32>} : memref<32xf32, #tpu.memory_space<vmem>>, vector<16xf32>, vector<16xi1>
            tpu.vector_store %arg7[%swap3A_232], %gather3A masked %gt3A_230 {strides = array<i32>} : memref<32xf32, #tpu.memory_space<vmem>>, vector<16xf32>, vector<16xi1>
            %all_reduce_population_count3A = tpu.all_reduce %gt3A_230 {dim = 0 : i64, kind = #tpu.reduction_kind<sum>} : vector<16xi1> -> vector<16xi32>
            %slice3A_234 = vector.extract_strided_slice %all_reduce_population_count3A {offsets = [0], sizes = [1], strides = [1]} : vector<16xi32> to vector<1xi32>
            %squeeze3A_235 = vector.extract %slice3A_234[0] : i32 from vector<1xi32>
            %add3A_236 = arith.constant 0 : i32
            %add3A_237 = arith.addi %add3A_236, %squeeze3A_235 : i32
            %add3A_238 = arith.constant 1 : i32
            %add3A_239 = vector.broadcast %add3A_238 : i32 to vector<16xi32>
            %add3A_240 = arith.addi %mul3A_6, %add3A_239 : vector<16xi32>
            %gather3A_241 = tpu.vector_load_idx %arg6[%add3A_240] : memref<32799xf32, #tpu.memory_space<vmem>>[vector<16xi32>], vector<16xf32>,
            %gt3A_242 = arith.constant 1 : i32
            %gt3A_243 = vector.broadcast %gt3A_242 : i32 to vector<16xi32>
            %gt3A_244 = arith.cmpi sgt, %while3A_192#1, %gt3A_243 : vector<16xi32>
            %swap3A_245 = arith.index_cast %add3A_237 : i32 to index
            %swap3A_246 = tpu.vector_load %arg7[%swap3A_245] masked %gt3A_244 {strides = array<i32>} : memref<32xf32, #tpu.memory_space<vmem>>, vector<16xf32>, vector<16xi1>
            tpu.vector_store %arg7[%swap3A_245], %gather3A_241 masked %gt3A_244 {strides = array<i32>} : memref<32xf32, #tpu.memory_space<vmem>>, vector<16xf32>, vector<16xi1>
            %all_reduce_population_count3A_247 = tpu.all_reduce %gt3A_244 {dim = 0 : i64, kind = #tpu.reduction_kind<sum>} : vector<16xi1> -> vector<16xi32>
            %slice3A_248 = vector.extract_strided_slice %all_reduce_population_count3A_247 {offsets = [0], sizes = [1], strides = [1]} : vector<16xi32> to vector<1xi32>
            %squeeze3A_249 = vector.extract %slice3A_248[0] : i32 from vector<1xi32>
            %add3A_250 = arith.addi %add3A_237, %squeeze3A_249 : i32
            %add3A_251 = arith.constant 2 : i32
            %add3A_252 = vector.broadcast %add3A_251 : i32 to vector<16xi32>
            %add3A_253 = arith.addi %mul3A_6, %add3A_252 : vector<16xi32>
            %gather3A_254 = tpu.vector_load_idx %arg6[%add3A_253] : memref<32799xf32, #tpu.memory_space<vmem>>[vector<16xi32>], vector<16xf32>,
            %gt3A_255 = arith.constant 2 : i32
            %gt3A_256 = vector.broadcast %gt3A_255 : i32 to vector<16xi32>
            %gt3A_257 = arith.cmpi sgt, %while3A_192#1, %gt3A_256 : vector<16xi32>
            %swap3A_258 = arith.index_cast %add3A_250 : i32 to index
            %swap3A_259 = tpu.vector_load %arg7[%swap3A_258] masked %gt3A_257 {strides = array<i32>} : memref<32xf32, #tpu.memory_space<vmem>>, vector<16xf32>, vector<16xi1>
            tpu.vector_store %arg7[%swap3A_258], %gather3A_254 masked %gt3A_257 {strides = array<i32>} : memref<32xf32, #tpu.memory_space<vmem>>, vector<16xf32>, vector<16xi1>
            %all_reduce_population_count3A_260 = tpu.all_reduce %gt3A_257 {dim = 0 : i64, kind = #tpu.reduction_kind<sum>} : vector<16xi1> -> vector<16xi32>
            %slice3A_261 = vector.extract_strided_slice %all_reduce_population_count3A_260 {offsets = [0], sizes = [1], strides = [1]} : vector<16xi32> to vector<1xi32>
            %squeeze3A_262 = vector.extract %slice3A_261[0] : i32 from vector<1xi32>
            %add3A_263 = arith.addi %add3A_250, %squeeze3A_262 : i32
            %add3A_264 = arith.constant 3 : i32
            %add3A_265 = vector.broadcast %add3A_264 : i32 to vector<16xi32>
            %add3A_266 = arith.addi %mul3A_6, %add3A_265 : vector<16xi32>
            %gather3A_267 = tpu.vector_load_idx %arg6[%add3A_266] : memref<32799xf32, #tpu.memory_space<vmem>>[vector<16xi32>], vector<16xf32>,
            %gt3A_268 = arith.constant 3 : i32
            %gt3A_269 = vector.broadcast %gt3A_268 : i32 to vector<16xi32>
            %gt3A_270 = arith.cmpi sgt, %while3A_192#1, %gt3A_269 : vector<16xi32>
            %swap3A_271 = arith.index_cast %add3A_263 : i32 to index
            %swap3A_272 = tpu.vector_load %arg7[%swap3A_271] masked %gt3A_270 {strides = array<i32>} : memref<32xf32, #tpu.memory_space<vmem>>, vector<16xf32>, vector<16xi1>
            tpu.vector_store %arg7[%swap3A_271], %gather3A_267 masked %gt3A_270 {strides = array<i32>} : memref<32xf32, #tpu.memory_space<vmem>>, vector<16xf32>, vector<16xi1>
            %all_reduce_population_count3A_273 = tpu.all_reduce %gt3A_270 {dim = 0 : i64, kind = #tpu.reduction_kind<sum>} : vector<16xi1> -> vector<16xi32>
            %slice3A_274 = vector.extract_strided_slice %all_reduce_population_count3A_273 {offsets = [0], sizes = [1], strides = [1]} : vector<16xi32> to vector<1xi32>
            %squeeze3A_275 = vector.extract %slice3A_274[0] : i32 from vector<1xi32>
            %add3A_276 = arith.addi %add3A_263, %squeeze3A_275 : i32
            %add3A_277 = arith.constant 4 : i32
            %add3A_278 = vector.broadcast %add3A_277 : i32 to vector<16xi32>
            %add3A_279 = arith.addi %mul3A_6, %add3A_278 : vector<16xi32>
            %gather3A_280 = tpu.vector_load_idx %arg6[%add3A_279] : memref<32799xf32, #tpu.memory_space<vmem>>[vector<16xi32>], vector<16xf32>,
            %gt3A_281 = arith.constant 4 : i32
            %gt3A_282 = vector.broadcast %gt3A_281 : i32 to vector<16xi32>
            %gt3A_283 = arith.cmpi sgt, %while3A_192#1, %gt3A_282 : vector<16xi32>
            %swap3A_284 = arith.index_cast %add3A_276 : i32 to index
            %swap3A_285 = tpu.vector_load %arg7[%swap3A_284] masked %gt3A_283 {strides = array<i32>} : memref<32xf32, #tpu.memory_space<vmem>>, vector<16xf32>, vector<16xi1>
            tpu.vector_store %arg7[%swap3A_284], %gather3A_280 masked %gt3A_283 {strides = array<i32>} : memref<32xf32, #tpu.memory_space<vmem>>, vector<16xf32>, vector<16xi1>
            %all_reduce_population_count3A_286 = tpu.all_reduce %gt3A_283 {dim = 0 : i64, kind = #tpu.reduction_kind<sum>} : vector<16xi1> -> vector<16xi32>
            %slice3A_287 = vector.extract_strided_slice %all_reduce_population_count3A_286 {offsets = [0], sizes = [1], strides = [1]} : vector<16xi32> to vector<1xi32>
            %squeeze3A_288 = vector.extract %slice3A_287[0] : i32 from vector<1xi32>
            %add3A_289 = arith.addi %add3A_276, %squeeze3A_288 : i32
            %add3A_290 = arith.constant 5 : i32
            %add3A_291 = vector.broadcast %add3A_290 : i32 to vector<16xi32>
            %add3A_292 = arith.addi %mul3A_6, %add3A_291 : vector<16xi32>
            %gather3A_293 = tpu.vector_load_idx %arg6[%add3A_292] : memref<32799xf32, #tpu.memory_space<vmem>>[vector<16xi32>], vector<16xf32>,
            %gt3A_294 = arith.constant 5 : i32
            %gt3A_295 = vector.broadcast %gt3A_294 : i32 to vector<16xi32>
            %gt3A_296 = arith.cmpi sgt, %while3A_192#1, %gt3A_295 : vector<16xi32>
            %swap3A_297 = arith.index_cast %add3A_289 : i32 to index
            %swap3A_298 = tpu.vector_load %arg7[%swap3A_297] masked %gt3A_296 {strides = array<i32>} : memref<32xf32, #tpu.memory_space<vmem>>, vector<16xf32>, vector<16xi1>
            tpu.vector_store %arg7[%swap3A_297], %gather3A_293 masked %gt3A_296 {strides = array<i32>} : memref<32xf32, #tpu.memory_space<vmem>>, vector<16xf32>, vector<16xi1>
            %all_reduce_population_count3A_299 = tpu.all_reduce %gt3A_296 {dim = 0 : i64, kind = #tpu.reduction_kind<sum>} : vector<16xi1> -> vector<16xi32>
            %slice3A_300 = vector.extract_strided_slice %all_reduce_population_count3A_299 {offsets = [0], sizes = [1], strides = [1]} : vector<16xi32> to vector<1xi32>
            %squeeze3A_301 = vector.extract %slice3A_300[0] : i32 from vector<1xi32>
            %add3A_302 = arith.addi %add3A_289, %squeeze3A_301 : i32
            %add3A_303 = arith.constant 6 : i32
            %add3A_304 = vector.broadcast %add3A_303 : i32 to vector<16xi32>
            %add3A_305 = arith.addi %mul3A_6, %add3A_304 : vector<16xi32>
            %gather3A_306 = tpu.vector_load_idx %arg6[%add3A_305] : memref<32799xf32, #tpu.memory_space<vmem>>[vector<16xi32>], vector<16xf32>,
            %gt3A_307 = arith.constant 6 : i32
            %gt3A_308 = vector.broadcast %gt3A_307 : i32 to vector<16xi32>
            %gt3A_309 = arith.cmpi sgt, %while3A_192#1, %gt3A_308 : vector<16xi32>
            %swap3A_310 = arith.index_cast %add3A_302 : i32 to index
            %swap3A_311 = tpu.vector_load %arg7[%swap3A_310] masked %gt3A_309 {strides = array<i32>} : memref<32xf32, #tpu.memory_space<vmem>>, vector<16xf32>, vector<16xi1>
            tpu.vector_store %arg7[%swap3A_310], %gather3A_306 masked %gt3A_309 {strides = array<i32>} : memref<32xf32, #tpu.memory_space<vmem>>, vector<16xf32>, vector<16xi1>
            %all_reduce_population_count3A_312 = tpu.all_reduce %gt3A_309 {dim = 0 : i64, kind = #tpu.reduction_kind<sum>} : vector<16xi1> -> vector<16xi32>
            %slice3A_313 = vector.extract_strided_slice %all_reduce_population_count3A_312 {offsets = [0], sizes = [1], strides = [1]} : vector<16xi32> to vector<1xi32>
            %squeeze3A_314 = vector.extract %slice3A_313[0] : i32 from vector<1xi32>
            %add3A_315 = arith.addi %add3A_302, %squeeze3A_314 : i32
            %add3A_316 = arith.constant 7 : i32
            %add3A_317 = vector.broadcast %add3A_316 : i32 to vector<16xi32>
            %add3A_318 = arith.addi %mul3A_6, %add3A_317 : vector<16xi32>
            %gather3A_319 = tpu.vector_load_idx %arg6[%add3A_318] : memref<32799xf32, #tpu.memory_space<vmem>>[vector<16xi32>], vector<16xf32>,
            %gt3A_320 = arith.constant 7 : i32
            %gt3A_321 = vector.broadcast %gt3A_320 : i32 to vector<16xi32>
            %gt3A_322 = arith.cmpi sgt, %while3A_192#1, %gt3A_321 : vector<16xi32>
            %swap3A_323 = arith.index_cast %add3A_315 : i32 to index
            %swap3A_324 = tpu.vector_load %arg7[%swap3A_323] masked %gt3A_322 {strides = array<i32>} : memref<32xf32, #tpu.memory_space<vmem>>, vector<16xf32>, vector<16xi1>
            tpu.vector_store %arg7[%swap3A_323], %gather3A_319 masked %gt3A_322 {strides = array<i32>} : memref<32xf32, #tpu.memory_space<vmem>>, vector<16xf32>, vector<16xi1>
            %all_reduce_population_count3A_325 = tpu.all_reduce %gt3A_322 {dim = 0 : i64, kind = #tpu.reduction_kind<sum>} : vector<16xi1> -> vector<16xi32>
            %slice3A_326 = vector.extract_strided_slice %all_reduce_population_count3A_325 {offsets = [0], sizes = [1], strides = [1]} : vector<16xi32> to vector<1xi32>
            %squeeze3A_327 = vector.extract %slice3A_326[0] : i32 from vector<1xi32>
            %add3A_328 = arith.addi %add3A_315, %squeeze3A_327 : i32
            %add3A_329 = arith.constant 8 : i32
            %add3A_330 = vector.broadcast %add3A_329 : i32 to vector<16xi32>
            %add3A_331 = arith.addi %mul3A_6, %add3A_330 : vector<16xi32>
            %gather3A_332 = tpu.vector_load_idx %arg6[%add3A_331] : memref<32799xf32, #tpu.memory_space<vmem>>[vector<16xi32>], vector<16xf32>,
            %gt3A_333 = arith.constant 8 : i32
            %gt3A_334 = vector.broadcast %gt3A_333 : i32 to vector<16xi32>
            %gt3A_335 = arith.cmpi sgt, %while3A_192#1, %gt3A_334 : vector<16xi32>
            %swap3A_336 = arith.index_cast %add3A_328 : i32 to index
            %swap3A_337 = tpu.vector_load %arg7[%swap3A_336] masked %gt3A_335 {strides = array<i32>} : memref<32xf32, #tpu.memory_space<vmem>>, vector<16xf32>, vector<16xi1>
            tpu.vector_store %arg7[%swap3A_336], %gather3A_332 masked %gt3A_335 {strides = array<i32>} : memref<32xf32, #tpu.memory_space<vmem>>, vector<16xf32>, vector<16xi1>
            %all_reduce_population_count3A_338 = tpu.all_reduce %gt3A_335 {dim = 0 : i64, kind = #tpu.reduction_kind<sum>} : vector<16xi1> -> vector<16xi32>
            %slice3A_339 = vector.extract_strided_slice %all_reduce_population_count3A_338 {offsets = [0], sizes = [1], strides = [1]} : vector<16xi32> to vector<1xi32>
            %squeeze3A_340 = vector.extract %slice3A_339[0] : i32 from vector<1xi32>
            %add3A_341 = arith.addi %add3A_328, %squeeze3A_340 : i32
            %add3A_342 = arith.constant 9 : i32
            %add3A_343 = vector.broadcast %add3A_342 : i32 to vector<16xi32>
            %add3A_344 = arith.addi %mul3A_6, %add3A_343 : vector<16xi32>
            %gather3A_345 = tpu.vector_load_idx %arg6[%add3A_344] : memref<32799xf32, #tpu.memory_space<vmem>>[vector<16xi32>], vector<16xf32>,
            %gt3A_346 = arith.constant 9 : i32
            %gt3A_347 = vector.broadcast %gt3A_346 : i32 to vector<16xi32>
            %gt3A_348 = arith.cmpi sgt, %while3A_192#1, %gt3A_347 : vector<16xi32>
            %swap3A_349 = arith.index_cast %add3A_341 : i32 to index
            %swap3A_350 = tpu.vector_load %arg7[%swap3A_349] masked %gt3A_348 {strides = array<i32>} : memref<32xf32, #tpu.memory_space<vmem>>, vector<16xf32>, vector<16xi1>
            tpu.vector_store %arg7[%swap3A_349], %gather3A_345 masked %gt3A_348 {strides = array<i32>} : memref<32xf32, #tpu.memory_space<vmem>>, vector<16xf32>, vector<16xi1>
            %all_reduce_population_count3A_351 = tpu.all_reduce %gt3A_348 {dim = 0 : i64, kind = #tpu.reduction_kind<sum>} : vector<16xi1> -> vector<16xi32>
            %slice3A_352 = vector.extract_strided_slice %all_reduce_population_count3A_351 {offsets = [0], sizes = [1], strides = [1]} : vector<16xi32> to vector<1xi32>
            %squeeze3A_353 = vector.extract %slice3A_352[0] : i32 from vector<1xi32>
            %add3A_354 = arith.addi %add3A_341, %squeeze3A_353 : i32
            %add3A_355 = arith.constant 10 : i32
            %add3A_356 = vector.broadcast %add3A_355 : i32 to vector<16xi32>
            %add3A_357 = arith.addi %mul3A_6, %add3A_356 : vector<16xi32>
            %gather3A_358 = tpu.vector_load_idx %arg6[%add3A_357] : memref<32799xf32, #tpu.memory_space<vmem>>[vector<16xi32>], vector<16xf32>,
            %gt3A_359 = arith.constant 10 : i32
            %gt3A_360 = vector.broadcast %gt3A_359 : i32 to vector<16xi32>
            %gt3A_361 = arith.cmpi sgt, %while3A_192#1, %gt3A_360 : vector<16xi32>
            %swap3A_362 = arith.index_cast %add3A_354 : i32 to index
            %swap3A_363 = tpu.vector_load %arg7[%swap3A_362] masked %gt3A_361 {strides = array<i32>} : memref<32xf32, #tpu.memory_space<vmem>>, vector<16xf32>, vector<16xi1>
            tpu.vector_store %arg7[%swap3A_362], %gather3A_358 masked %gt3A_361 {strides = array<i32>} : memref<32xf32, #tpu.memory_space<vmem>>, vector<16xf32>, vector<16xi1>
            %all_reduce_population_count3A_364 = tpu.all_reduce %gt3A_361 {dim = 0 : i64, kind = #tpu.reduction_kind<sum>} : vector<16xi1> -> vector<16xi32>
            %slice3A_365 = vector.extract_strided_slice %all_reduce_population_count3A_364 {offsets = [0], sizes = [1], strides = [1]} : vector<16xi32> to vector<1xi32>
            %squeeze3A_366 = vector.extract %slice3A_365[0] : i32 from vector<1xi32>
            %add3A_367 = arith.addi %add3A_354, %squeeze3A_366 : i32
            %add3A_368 = arith.constant 11 : i32
            %add3A_369 = vector.broadcast %add3A_368 : i32 to vector<16xi32>
            %add3A_370 = arith.addi %mul3A_6, %add3A_369 : vector<16xi32>
            %gather3A_371 = tpu.vector_load_idx %arg6[%add3A_370] : memref<32799xf32, #tpu.memory_space<vmem>>[vector<16xi32>], vector<16xf32>,
            %gt3A_372 = arith.constant 11 : i32
            %gt3A_373 = vector.broadcast %gt3A_372 : i32 to vector<16xi32>
            %gt3A_374 = arith.cmpi sgt, %while3A_192#1, %gt3A_373 : vector<16xi32>
            %swap3A_375 = arith.index_cast %add3A_367 : i32 to index
            %swap3A_376 = tpu.vector_load %arg7[%swap3A_375] masked %gt3A_374 {strides = array<i32>} : memref<32xf32, #tpu.memory_space<vmem>>, vector<16xf32>, vector<16xi1>
            tpu.vector_store %arg7[%swap3A_375], %gather3A_371 masked %gt3A_374 {strides = array<i32>} : memref<32xf32, #tpu.memory_space<vmem>>, vector<16xf32>, vector<16xi1>
            %all_reduce_population_count3A_377 = tpu.all_reduce %gt3A_374 {dim = 0 : i64, kind = #tpu.reduction_kind<sum>} : vector<16xi1> -> vector<16xi32>
            %slice3A_378 = vector.extract_strided_slice %all_reduce_population_count3A_377 {offsets = [0], sizes = [1], strides = [1]} : vector<16xi32> to vector<1xi32>
            %squeeze3A_379 = vector.extract %slice3A_378[0] : i32 from vector<1xi32>
            %add3A_380 = arith.addi %add3A_367, %squeeze3A_379 : i32
            %add3A_381 = arith.constant 12 : i32
            %add3A_382 = vector.broadcast %add3A_381 : i32 to vector<16xi32>
            %add3A_383 = arith.addi %mul3A_6, %add3A_382 : vector<16xi32>
            %gather3A_384 = tpu.vector_load_idx %arg6[%add3A_383] : memref<32799xf32, #tpu.memory_space<vmem>>[vector<16xi32>], vector<16xf32>,
            %gt3A_385 = arith.constant 12 : i32
            %gt3A_386 = vector.broadcast %gt3A_385 : i32 to vector<16xi32>
            %gt3A_387 = arith.cmpi sgt, %while3A_192#1, %gt3A_386 : vector<16xi32>
            %swap3A_388 = arith.index_cast %add3A_380 : i32 to index
            %swap3A_389 = tpu.vector_load %arg7[%swap3A_388] masked %gt3A_387 {strides = array<i32>} : memref<32xf32, #tpu.memory_space<vmem>>, vector<16xf32>, vector<16xi1>
            tpu.vector_store %arg7[%swap3A_388], %gather3A_384 masked %gt3A_387 {strides = array<i32>} : memref<32xf32, #tpu.memory_space<vmem>>, vector<16xf32>, vector<16xi1>
            %all_reduce_population_count3A_390 = tpu.all_reduce %gt3A_387 {dim = 0 : i64, kind = #tpu.reduction_kind<sum>} : vector<16xi1> -> vector<16xi32>
            %slice3A_391 = vector.extract_strided_slice %all_reduce_population_count3A_390 {offsets = [0], sizes = [1], strides = [1]} : vector<16xi32> to vector<1xi32>
            %squeeze3A_392 = vector.extract %slice3A_391[0] : i32 from vector<1xi32>
            %add3A_393 = arith.addi %add3A_380, %squeeze3A_392 : i32
            %add3A_394 = arith.constant 13 : i32
            %add3A_395 = vector.broadcast %add3A_394 : i32 to vector<16xi32>
            %add3A_396 = arith.addi %mul3A_6, %add3A_395 : vector<16xi32>
            %gather3A_397 = tpu.vector_load_idx %arg6[%add3A_396] : memref<32799xf32, #tpu.memory_space<vmem>>[vector<16xi32>], vector<16xf32>,
            %gt3A_398 = arith.constant 13 : i32
            %gt3A_399 = vector.broadcast %gt3A_398 : i32 to vector<16xi32>
            %gt3A_400 = arith.cmpi sgt, %while3A_192#1, %gt3A_399 : vector<16xi32>
            %swap3A_401 = arith.index_cast %add3A_393 : i32 to index
            %swap3A_402 = tpu.vector_load %arg7[%swap3A_401] masked %gt3A_400 {strides = array<i32>} : memref<32xf32, #tpu.memory_space<vmem>>, vector<16xf32>, vector<16xi1>
            tpu.vector_store %arg7[%swap3A_401], %gather3A_397 masked %gt3A_400 {strides = array<i32>} : memref<32xf32, #tpu.memory_space<vmem>>, vector<16xf32>, vector<16xi1>
            %all_reduce_population_count3A_403 = tpu.all_reduce %gt3A_400 {dim = 0 : i64, kind = #tpu.reduction_kind<sum>} : vector<16xi1> -> vector<16xi32>
            %slice3A_404 = vector.extract_strided_slice %all_reduce_population_count3A_403 {offsets = [0], sizes = [1], strides = [1]} : vector<16xi32> to vector<1xi32>
            %squeeze3A_405 = vector.extract %slice3A_404[0] : i32 from vector<1xi32>
            %add3A_406 = arith.addi %add3A_393, %squeeze3A_405 : i32
            %add3A_407 = arith.constant 14 : i32
            %add3A_408 = vector.broadcast %add3A_407 : i32 to vector<16xi32>
            %add3A_409 = arith.addi %mul3A_6, %add3A_408 : vector<16xi32>
            %gather3A_410 = tpu.vector_load_idx %arg6[%add3A_409] : memref<32799xf32, #tpu.memory_space<vmem>>[vector<16xi32>], vector<16xf32>,
            %gt3A_411 = arith.constant 14 : i32
            %gt3A_412 = vector.broadcast %gt3A_411 : i32 to vector<16xi32>
            %gt3A_413 = arith.cmpi sgt, %while3A_192#1, %gt3A_412 : vector<16xi32>
            %swap3A_414 = arith.index_cast %add3A_406 : i32 to index
            %swap3A_415 = tpu.vector_load %arg7[%swap3A_414] masked %gt3A_413 {strides = array<i32>} : memref<32xf32, #tpu.memory_space<vmem>>, vector<16xf32>, vector<16xi1>
            tpu.vector_store %arg7[%swap3A_414], %gather3A_410 masked %gt3A_413 {strides = array<i32>} : memref<32xf32, #tpu.memory_space<vmem>>, vector<16xf32>, vector<16xi1>
            %all_reduce_population_count3A_416 = tpu.all_reduce %gt3A_413 {dim = 0 : i64, kind = #tpu.reduction_kind<sum>} : vector<16xi1> -> vector<16xi32>
            %slice3A_417 = vector.extract_strided_slice %all_reduce_population_count3A_416 {offsets = [0], sizes = [1], strides = [1]} : vector<16xi32> to vector<1xi32>
            %squeeze3A_418 = vector.extract %slice3A_417[0] : i32 from vector<1xi32>
            %add3A_419 = arith.addi %add3A_406, %squeeze3A_418 : i32
            %add3A_420 = arith.constant 15 : i32
            %add3A_421 = vector.broadcast %add3A_420 : i32 to vector<16xi32>
            %add3A_422 = arith.addi %mul3A_6, %add3A_421 : vector<16xi32>
            %gather3A_423 = tpu.vector_load_idx %arg6[%add3A_422] : memref<32799xf32, #tpu.memory_space<vmem>>[vector<16xi32>], vector<16xf32>,
            %gt3A_424 = arith.constant 15 : i32
            %gt3A_425 = vector.broadcast %gt3A_424 : i32 to vector<16xi32>
            %gt3A_426 = arith.cmpi sgt, %while3A_192#1, %gt3A_425 : vector<16xi32>
            %swap3A_427 = arith.index_cast %add3A_419 : i32 to index
            %swap3A_428 = tpu.vector_load %arg7[%swap3A_427] masked %gt3A_426 {strides = array<i32>} : memref<32xf32, #tpu.memory_space<vmem>>, vector<16xf32>, vector<16xi1>
            tpu.vector_store %arg7[%swap3A_427], %gather3A_423 masked %gt3A_426 {strides = array<i32>} : memref<32xf32, #tpu.memory_space<vmem>>, vector<16xf32>, vector<16xi1>
            %all_reduce_population_count3A_429 = tpu.all_reduce %gt3A_426 {dim = 0 : i64, kind = #tpu.reduction_kind<sum>} : vector<16xi1> -> vector<16xi32>
            %slice3A_430 = vector.extract_strided_slice %all_reduce_population_count3A_429 {offsets = [0], sizes = [1], strides = [1]} : vector<16xi32> to vector<1xi32>
            %squeeze3A_431 = vector.extract %slice3A_430[0] : i32 from vector<1xi32>
            %add3A_432 = arith.addi %add3A_419, %squeeze3A_431 : i32
            %get3A = arith.constant 0 : index
            %get3A_433 = tpu.vector_load %arg7[%get3A] {strides = array<i32>} : memref<32xf32, #tpu.memory_space<vmem>>, vector<16xf32>,
            %broadcast_in_dim3A_434 = vector.broadcast %while3A_192#2 : i32 to vector<16xi32>
            %lt3A_435 = arith.cmpi slt, %iota3A, %broadcast_in_dim3A_434 : vector<16xi32>
            %masked_sort3A, %masked_sort3A_436, %masked_sort3A_437 = tpu.sort %get3A_433, %get3A_433 masked %lt3A_435 : (vector<16xf32>, vector<16xf32>, vector<16xi1>) -> (vector<16xi1>, vector<16xf32>, vector<16xf32>)
            %broadcast_in_dim3A_438 = vector.broadcast %while3A_192#3 : i32 to vector<16xi32>
            %eq3A_439 = arith.cmpi eq, %iota3A, %broadcast_in_dim3A_438 : vector<16xi32>
            %jit3A_440 = arith.constant 0.000000e+00 : f32
            %broadcast_in_dim3A_441 = vector.broadcast %jit3A_440 : f32 to vector<16xf32>
            %select_n3A_442 = arith.select %eq3A_439, %masked_sort3A_436, %broadcast_in_dim3A_441 : vector<16xi1>, vector<16xf32>
            %broadcast_in_dim3A_443 = arith.constant true
            %broadcast_in_dim3A_444 = vector.broadcast %broadcast_in_dim3A_443 : i1 to vector<16xi1>
            %masked_cumsum3A_445 = tpu.scan <sum>, %select_n3A_442 masked %broadcast_in_dim3A_444 : vector<16xf32>, vector<16xi1> -> vector<16xf32>
            %slice3A_446 = vector.extract_strided_slice %masked_cumsum3A_445 {offsets = [15], sizes = [1], strides = [1]} : vector<16xf32> to vector<1xf32>
            %squeeze3A_447 = vector.extract %slice3A_446[0] : f32 from vector<1xf32>
            scf.yield %squeeze3A_447 : f32
          }
          scf.yield %cond3A_224 : f32
        }
        scf.yield %cond3A_218 : f32
      } else {
        %cond3A_213 = arith.constant 0.000000e+00 : f32
        scf.yield %cond3A_213 : f32
      }
      %le3A_196 = arith.constant 16 : i32
      %le3A_197 = arith.cmpi sle, %while3A_192#2, %le3A_196 : i32
      %bitcast_convert_type3A_198 = tpu.bitcast %while3A_192#5 : vector<16xi32> -> vector<16xf32>
      %slice3A_199 = vector.extract_strided_slice %bitcast_convert_type3A_198 {offsets = [0], sizes = [1], strides = [1]} : vector<16xf32> to vector<1xf32>
      %squeeze3A_200 = vector.extract %slice3A_199[0] : f32 from vector<1xf32>
      %select_n3A_201 = arith.select %le3A_197, %cond3A_195, %squeeze3A_200 : f32
      %sub3A_202 = arith.constant 5.000000e-01 : f32
      %sub3A_203 = arith.subf %select_n3A_201, %sub3A_202 : f32
      %abs3A = math.absf %sub3A_203 : f32
      %mul3A_204 = arith.mulf %mul3A_39, %abs3A : f32
      %gt3A = arith.constant 5.000000e-01 : f32
      %gt3A_205 = arith.cmpf ogt, %select_n3A_201, %gt3A : f32
      %add3A_206 = arith.constant 5.000000e-01 : f32
      %add3A_207 = arith.addf %add3A_206, %mul3A_204 : f32
      %add3A_208 = arith.addf %select_n3A_201, %mul3A_204 : f32
      %select_n3A_209 = arith.select %gt3A_205, %add3A_207, %add3A_208 : f32
      %broadcast_in_dim3A_210 = vector.broadcast %scan3A_15 : i32 to vector<16xi32>
      %eq3A = arith.cmpi eq, %iota3A, %broadcast_in_dim3A_210 : vector<16xi32>
      %broadcast_in_dim3A_211 = vector.broadcast %select_n3A_209 : f32 to vector<16xf32>
      %select_n3A_212 = arith.select %eq3A, %broadcast_in_dim3A_211, %scan3A_16 : vector<16xi1>, vector<16xf32>
      scf.yield %select_n3A_212 : vector<16xf32>
    }
    %scan3A_13 = arith.constant 4 : i32
    %swap3A = arith.constant 0 : index
    %swap3A_14 = tpu.vector_load %arg8[%swap3A] {strides = array<i32>} : memref<16xf32, #tpu.memory_space<vmem>>, vector<16xf32>,
    tpu.vector_store %arg8[%swap3A], %scan3A_12 {strides = array<i32>} : memref<16xf32, #tpu.memory_space<vmem>>, vector<16xf32>,
    "tpu.region"() ({
      %run_scoped3A = tpu.sem_alloc : memref<!tpu.dma_semaphore, #tpu.memory_space<semaphore_mem>>
      %dma_start3A = arith.constant 0 : i32
      %dma_start3A_15 = tpu.memref_slice %arg3[%add3A, %dma_start3A] : memref<32x16xf32, #tpu.memory_space<hbm>> -> memref<1x16xf32, #tpu.memory_space<hbm>>
      %dma_start3A_16 = tpu.memref_squeeze %dma_start3A_15 : memref<1x16xf32, #tpu.memory_space<hbm>> -> memref<16xf32, #tpu.memory_space<hbm>>
      %dma_start3A_17 = arith.constant 0 : i32
      %dma_start3A_18 = tpu.memref_slice %arg3[%add3A, %dma_start3A_17] : memref<32x16xf32, #tpu.memory_space<hbm>> -> memref<1x16xf32, #tpu.memory_space<hbm>>
      %dma_start3A_19 = tpu.memref_squeeze %dma_start3A_18 : memref<1x16xf32, #tpu.memory_space<hbm>> -> memref<16xf32, #tpu.memory_space<hbm>>
      tpu.enqueue_dma source(%arg8 : memref<16xf32, #tpu.memory_space<vmem>>) target(%dma_start3A_19 : memref<16xf32, #tpu.memory_space<hbm>>) target_semaphore(%run_scoped3A : memref<!tpu.dma_semaphore, #tpu.memory_space<semaphore_mem>>)
      %dma_wait3A = arith.constant 0 : i32
      %dma_wait3A_20 = tpu.memref_slice %arg3[%add3A, %dma_wait3A] : memref<32x16xf32, #tpu.memory_space<hbm>> -> memref<1x16xf32, #tpu.memory_space<hbm>>
      %dma_wait3A_21 = tpu.memref_squeeze %dma_wait3A_20 : memref<1x16xf32, #tpu.memory_space<hbm>> -> memref<16xf32, #tpu.memory_space<hbm>>
      %dma_wait3A_22 = arith.constant 0 : i32
      %dma_wait3A_23 = tpu.memref_slice %arg3[%add3A, %dma_wait3A_22] : memref<32x16xf32, #tpu.memory_space<hbm>> -> memref<1x16xf32, #tpu.memory_space<hbm>>
      %dma_wait3A_24 = tpu.memref_squeeze %dma_wait3A_23 : memref<1x16xf32, #tpu.memory_space<hbm>> -> memref<16xf32, #tpu.memory_space<hbm>>
      tpu.wait_dma2 semaphore(%run_scoped3A : memref<!tpu.dma_semaphore, #tpu.memory_space<semaphore_mem>>) src(%arg8 : memref<16xf32, #tpu.memory_space<vmem>>) dst(%dma_wait3A_24 : memref<16xf32, #tpu.memory_space<hbm>>)
      tpu.yield
    }) : () -> ()
    return
  }
}

</mosaic_0001>

<sc_bundles>
// kernel: kernel.3.cloned.1.call-start
scs
__scs_entry_jumppad:
0x0: {  	(pc) =	sbr.rel $0x88, $3  }
0x1: {  	(tag) =	ssettag $0x0;
	lr =	simm.s32 $0x1  }
0x2: {  	[smem:$0x3FA0] =	sst lr;
	_ =	strace $0xD0000000  }
0x3: {  	_ = 	snop  }
0x4: {  	_ = 	snop  }
0x5: {  	_ = 	snop  }
0x6: {  	_ = 	snop  }
0x7: {  	_ = 	snop  }
__scs_overlays_trampoline_lowered:
0x8: {  	[smem:$0x3FAF] =	sst s0  }
0x9: {  	[smem:$0x3FB0] =	sst s1  }
0xa: {  	[smem:$0x3FB1] =	sst s2  }
0xb: {  	[smem:$0x3FB2] =	sst s3  }
0xc: {  	[smem:$0x3FB3] =	sst s4  }
0xd: {  	[smem:$0x3FB4] =	sst s5  }
0xe: {  	[smem:$0x3FB5] =	sst s6  }
0xf: {  	[smem:$0x3FB6] =	sst s7  }
0x10: {  	[smem:$0x3FB7] =	sst s8  }
0x11: {  	[smem:$0x3FB8] =	sst s9;
	s0 =	simm.s32 @!p0 $0x0  }
0x12: {  	s1 =	sld [smem:$0x3F9E];
	s0 =	simm.s32 @p0 $0x1  }
0x13: {  	[smem:$0x3FB9] =	sst s0;
	s0 =	simm.s32 @!p1 $0x0  }
0x14: {  	s2 =	sld [smem:$0x3F9D];
	s0 =	simm.s32 @p1 $0x1  }
0x15: {  	[smem:$0x3FBA] =	sst s0;
	s0 =	simm.s32 @!p2 $0x0  }
0x16: {  	s3 =	sld [smem:$0x3FDB];
	s0 =	simm.s32 @p2 $0x1  }
0x17: {  	s4 =	simm.s32 $0x1BF5;
	[smem:$0x3FBC] =	sst s0  }
0x18: {  	s0 =	sld [smem:$0x3F9F];
	_ =	swait.ge [sflag:s4], $0x0  }
0x19: {  	s7 =	sld [smem:$0x3FA0]  }
0x1a: {  	s8 =	sadd.s32 $0xFFFFE003, lr  }
0x1b: {  	s9 =	sadd.s32 $0xFFFFFEF7, lr;
	s5 =	simm.s32 $0xFFFFFFFF;
	p2 =	slt.u32 s8, $0xFFFFF086  }
0x1c: {  	p1 =	slt.u32 s9, $0xF7A;
	s5 =	simm.s32 @!p2 $0x0  }
0x1d: {  	s5 =	simm.s32 @p1 $0x1;
	p0 =	seq.s32 s7, s2  }
0x1e: {  	s7 =	smul.u32 @!p0 $0xF7A, s2;
	p2 =	seq.s32 @!p0 s5, $0x0  }
0x1f: {  	s9 =	smul.u32 $0xF7A, s1;
	s8 =	simm.s32 @!p0 $0x1BF5;
	p2 =	por !p2, p0  }
0x20: {  	[sflag:s8] =	ssyncset.s32 @!p0 $0xFFFFF086;
	s6 =	sadd.s32 @!p0 s3, s7;
	s7 =	simm.s32 @!p0 $0x108  }
0x21: {  	s3 =	sadd.s32 s3, s9;
	s6 =	sadd.s32 @!p0 $0x88, s6;
	s7 =	simm.s32 @p2 $0x1082  }
0x22: {  	[simem:s7], [sflag:s8] =	dma.local @!p0 [hbm:s6], $0xF7A  }
0x23: {  	s9 =	sor.u32 $0xD0000000, s2;
	s6 =	simm.s32 $0x108;
	_ =	swait.ge @!p0 [sflag:s8], $0x0  }
0x24: {  	s3 =	sadd.s32 $0x88, s3;
	s6 =	simm.s32 @!p1 $0x1082;
	[sflag:s4] =	ssyncset.s32 $0xFFFFF086  }
0x25: {  	[simem:s6], [sflag:s4] =	dma.local [hbm:s3], $0xF7A  }
0x26: {  	[smem:$0x3FA0] =	sst s1;
	(tag) =	ssettag s2;
	_ =	strace s9  }
0x27: {  	s1 =	sld [smem:$0x3FB0]  }
0x28: {  	s2 =	sld [smem:$0x3FB1]  }
0x29: {  	s4 =	sld [smem:$0x3FB3]  }
0x2a: {  	p0 =	seq.s32 s5, $0x0;
	s5 =	sld [smem:$0x3FB4]  }
0x2b: {  	s6 =	sld [smem:$0x3FB5]  }
0x2c: {  	s7 =	sld [smem:$0x3FB6]  }
0x2d: {  	s3 =	simm.s32 $0x108;
	s8 =	sld [smem:$0x3FB7]  }
0x2e: {  	s3 =	simm.s32 @!p0 $0x1082;
	s9 =	sld [smem:$0x3FB8]  }
0x2f: {  	lr =	sadd.s32 s0, s3;
	s0 =	sld [smem:$0x3FAF]  }
0x30: {  	s3 =	sld [smem:$0x3FB2]  }
0x31: {  	[smem:$0x3FBB] =	sst s10  }
0x32: {  	s10 =	sld [smem:$0x3FB9];
	_ =	sdelay $0x3  }
0x33: {  	p0 =	seq.s32 s10, $0x1;
	s10 =	sld [smem:$0x3FBB];
	_ =	sdelay $0x3  }
0x34: {  	[smem:$0x3FBB] =	sst s10  }
0x35: {  	s10 =	sld [smem:$0x3FBA];
	_ =	sdelay $0x3  }
0x36: {  	p1 =	seq.s32 s10, $0x1;
	s10 =	sld [smem:$0x3FBB];
	_ =	sdelay $0x3  }
0x37: {  	[smem:$0x3FBB] =	sst s10  }
0x38: {  	s10 =	sld [smem:$0x3FBC]  }
0x39: {  	_ = 	snop;
	(pc) =	sbr.ind lr, $3  }
0x3a: {  	_ = 	snop  }
0x3b: {  	_ = 	snop  }
0x3c: {  	p2 =	seq.s32 s10, $0x1;
	s10 =	sld [smem:$0x3FBB]  }
0x3d: {  	_ =	shalt  }
0x3e: {  	_ =	shalt  }
0x3f: {  	_ =	shalt  }
0x40: {  	_ =	shalt  }
0x41: {  	_ =	shalt  }
0x42: {  	_ =	shalt  }
0x43: {  	_ =	shalt  }
0x44: {  	_ =	shalt  }
0x45: {  	_ =	shalt  }
0x46: {  	_ =	shalt  }
0x47: {  	_ =	shalt  }
0x48: {  	_ =	shalt  }
0x49: {  	_ =	shalt  }
0x4a: {  	_ =	shalt  }
0x4b: {  	_ =	shalt  }
0x4c: {  	_ =	shalt  }
0x4d: {  	_ =	shalt  }
0x4e: {  	_ =	shalt  }
0x4f: {  	_ =	shalt  }
0x50: {  	_ =	shalt  }
0x51: {  	_ =	shalt  }
0x52: {  	_ =	shalt  }
0x53: {  	_ =	shalt  }
0x54: {  	_ =	shalt  }
0x55: {  	_ =	shalt  }
0x56: {  	_ =	shalt  }
0x57: {  	_ =	shalt  }
0x58: {  	_ =	shalt  }
0x59: {  	_ =	shalt  }
0x5a: {  	_ =	shalt  }
0x5b: {  	_ =	shalt  }
0x5c: {  	_ =	shalt  }
0x5d: {  	_ =	shalt  }
0x5e: {  	_ =	shalt  }
0x5f: {  	_ =	shalt  }
0x60: {  	_ =	shalt  }
0x61: {  	_ =	shalt  }
0x62: {  	_ =	shalt  }
0x63: {  	_ =	shalt  }
0x64: {  	_ =	shalt  }
0x65: {  	_ =	shalt  }
0x66: {  	_ =	shalt  }
0x67: {  	_ =	shalt  }
0x68: {  	_ =	shalt  }
0x69: {  	_ =	shalt  }
0x6a: {  	_ =	shalt  }
0x6b: {  	_ =	shalt  }
0x6c: {  	_ =	shalt  }
0x6d: {  	_ =	shalt  }
0x6e: {  	_ =	shalt  }
0x6f: {  	_ =	shalt  }
0x70: {  	_ =	shalt  }
0x71: {  	_ =	shalt  }
0x72: {  	_ =	shalt  }
0x73: {  	_ =	shalt  }
0x74: {  	_ =	shalt  }
0x75: {  	_ =	shalt  }
0x76: {  	_ =	shalt  }
0x77: {  	_ =	shalt  }
0x78: {  	_ =	shalt  }
0x79: {  	_ =	shalt  }
0x7a: {  	_ =	shalt  }
0x7b: {  	_ =	shalt  }
0x7c: {  	_ =	shalt  }
0x7d: {  	_ =	shalt  }
0x7e: {  	_ =	shalt  }
0x7f: {  	_ =	shalt  }
0x80: {  	_ =	shalt  }
0x81: {  	_ =	shalt  }
0x82: {  	_ =	shalt  }
0x83: {  	_ =	shalt  }
0x84: {  	_ =	shalt  }
0x85: {  	_ =	shalt  }
0x86: {  	_ =	shalt  }
0x87: {  	_ =	shalt  }
.Lfunc_end0:
.L_simem_size_0:
called_computation_lowered:
.L_overlay_start_0:
0x88: {  	s2 =	sld [smem:$0x3FD9]  }
0x89: {  	s3 =	sld [smem:$0x3FFE];
	_ =	sdelay $0x1  }
0x8a: {  	s1 =	srdreg.scid  }
0x8b: {  	s0 =	sand.u32 $0x1, s1  }
0x8c: {  	s17 =	sshll.u32 s0, $0xA;
	s2 =	sadd.s32 s3, s2  }
0x8d: {  	s2 =	sadd.s32 s2, s17  }
0x8e: {  	[smem:$0x3FC7] =	sst s2  }
0x8f: {  	_ = 	snop  }
0x90: {  	s2 =	sld [smem:$0x3FC9];
	(tm) =	ssettm $0x1  }
0x91: {  	s18 =	sld [smem:$0x3FFB];
	_ =	sdelay $0x3  }
0x92: {  	_ =	strace s18  }
0x93: {  	s3 =	sld [smem:$0x3FFC];
	_ =	sdelay $0x3  }
0x94: {  	_ =	strace s3  }
0x95: {  	s3 =	sld [smem:$0x3FFD];
	_ =	sdelay $0x3  }
0x96: {  	_ =	strace s3  }
0x97: {  	_ =	strace $0x8FFFFFFF  }
0x98: {  	s19 =	sld [smem:$0x3FDB];
	_ =	sdelay $0x1  }
0x99: {  	s4 =	simm.s32 $_scs_section_size  }
0x9a: {  	s5 =	simm.s32 $_size__tile_overlayer_lowered;
	s6 =	simm.s32 $_tile_overlayer_lowered  }
0x9b: {  	s22 =	simm.s32 $0x1BFF;
	s21 =	sshll.u32 s6, $0x1;
	s3 =	sadd.s32 s4, s19  }
0x9c: {  	s7 =	simm.s32 $0x0;
	s20 =	sshll.u32 s5, $0x1;
	s5 =	sadd.s32 s21, s3  }
0x9d: {  	[timem:s7], [sflag:s22] =	dma.local [hbm:s5], s20  }
0x9e: {  	_ =	swait.ge [sflag:s22], s20  }
0x9f: {  	s4 =	ssub.s32 $0x0, s20;
	[sflag:s22] =	ssyncset.done $0x0  }
0xa0: {  	[sflag:s22] =	ssyncadd.s32 s4;
	_ =	sdelay $0x1  }
0xa1: {  	s23 =	simm.s32 $0x1B8B  }
0xa2: {  	_ =	swait.ge [sflag:s23], $0x1  }
0xa3: {  	[sflag:s23] =	ssyncset.done $0x0  }
0xa4: {  	s25 =	simm.s32 $0x1B8E;
	s24 =	sld [smem:$0x3FFE];
	[sflag:s23] =	ssyncadd.s32 $0xFFFFFFFF  }
0xa5: {  	s26 =	simm.s32 $execute0_lowered;
	[smem:$0x3FD2] =	sst s25  }
0xa6: {  	s5 =	sshll.u32 s26, $0x1;
	_ =	strace $0x80000046;
	[dreg:$0x1] =	wrdreg $0xFFFFFFFF  }
0xa7: {  	s28 =	simm.s32 $_size_execute0_lowered;
	s3 =	sadd.s32 s3, s5;
	[dreg:$0x0] =	wrdreg $0x0  }
0xa8: {  	s5 =	sshll.u32 s28, $0x1;
	[dreg:$0x2] =	wrdreg s3  }
0xa9: {  	[dreg:$0x3] =	wrdreg s5  }
0xaa: {  	[dreg:$0x4] =	wrdreg $0xC0  }
0xab: {  	_ =	task [dreg:s7], $0x5FFFF  }
0xac: {  	[dreg:$0x1] =	wrdreg $0xFFFFFFFF  }
0xad: {  	[dreg:$0x0] =	wrdreg $0x60  }
0xae: {  	[dreg:$0x2] =	wrdreg s2  }
0xaf: {  	[dreg:$0x3] =	wrdreg s24  }
0xb0: {  	[dreg:$0x4] =	wrdreg $0x9  }
0xb1: {  	_ =	task.clear_ibuf [dreg:s7], $0x5FFFF;
	_ =	strace $0x90000046  }
0xb2: {  	s29 =	simm.s32 $0x9;
	_ =	strace $0x80000048  }
0xb3: {  	_ =	swait.ge [sflag:s29], $0x1  }
0xb4: {  	[sflag:s29] =	ssyncadd.s32 $0xFFFFFFFF  }
0xb5: {  	_ =	strace $0x90000048  }
0xb6: {  	_ =	sfence  }
0xb7: {  	s30 =	sld [smem:$0x0];
	_ =	sdelay $0x2  }
0xb8: {  	s31 =	sshll.u32 s1, $0xD;
	s1 =	sshrl.u32 s1, $0x2  }
0xb9: {  	s3 =	sand.u32 $0x4000, s31;
	s1 =	sadd.s32 s1, s30  }
0xba: {  	s0 =	sor.u32 s3, s0;
	s1 =	sshll.u32 s1, $0x11  }
0xbb: {  	s0 =	sor.u32 s1, s0  }
0xbc: {  	s0 =	sadd.s32 $0x8F2B, s0  }
0xbd: {  	[sflag:s0] =	ssyncadd.remote.s32 $0x1  }
0xbe: {  	_ =	sfence.sel $0xFFFF  }
0xbf: {  	[dreg:$0x0] =	wrdreg $0xFFFFFFFF;
	(pc) =	sbr.abs _section_cstart, $3  }
0xc0: {  	[dreg:$0x1] =	wrdreg $0xFFFFFFFF  }
0xc1: {  	_ =	task.clear_ibuf [dreg:s7], $0x2FFFF;
	_ =	strace $0x9FFFFFFF  }
0xc2: {  	(tm) =	ssettm $0x7FFFFFFF  }
0xc3: {  	_ =	shalt  }
tec
execute0_lowered:
.L_overlay_start_1:
0x0: {  	(tag) =	ssettag $0x1  }
0x1: {  	s3 =	rddreg [dreg:$0x0]  }
0x2: {  	s2 =	rddreg [dreg:$0x1]  }
0x3: {  	s0 =	rddreg [dreg:$0x2];
	s1 =	simm.s32 $0x0  }
0x4: {  	s4 =	srdreg.scid;
	s10 =	simm.s32 $0x10100;
	s11 =	simm.s32 $0x18180  }
0x5: {  	s12 =	simm.s32 $0x18200;
	[smem:$0x7FF] =	sst s1;
	s4 =	sand.u32 $0x1, s4  }
0x6: {  	s13 =	simm.s32 $0x0;
	_ =	strace $0x80000047;
	s5 =	sshll.u32 s4, $0x4  }
0x7: {  	s6 =	ssub.s32 $0x2, s4;
	s4 =	sshll.u32 s4, $0x6;
	s5 =	sadd.s32 s5, s2  }
.Ltmp0:
0x8: {  	s2 =	stileid.u32;
	s7 =	sshrl.u32 s6, $0x1;
	(pc) =	sbr.rel .LBB2_1-.Ltmp0, $4  }
0x9: {  	s3 =	sadd.s32 s3, s4;
	s8 =	sshll.u32 s2, $0x5;
	s9 =	sshll.u32 s2, $0xF  }
0xa: {  	s31 =	ssub.s32 s6, s7;
	s6 =	simm.s32 $0x80;
	s7 =	simm.s32 $0x400  }
0xb: {  	v0 =	vlaneseq.u32;
	v1 =	vimm.s32 $0x3F000000;
	s30 =	sadd.s32 s8, s5;
	s3 =	sadd.s32 s9, s3;
	s5 =	smax.u32 s31, $0x1  }
0xc: {  	v3 =	vimm.s32 $0x0;
	v5 =	vimm.f32 $0.0e+00;
	v2 =	vmul.u32 $0x801, v0;
	s8 =	simm.s32 $0x1;
	s9 =	simm.s32 $0x8080;
	s4 =	sadd.s32 $0x400, s30  }
.LBB2_32:
0xd: {  	s13 =	sadd.s32 $0x1, s13  }
0xe: {  	p0 =	sne.s32 s13, s5  }
.Ltmp1:
0xf: {  	[tilespmem:$0x18200] =	vst v4;
	(pc) =	sbr.rel @!p0 .LBB2_33-.Ltmp1, $4  }
0x10: {  	[hbm4b:s4+s1] =	stream.linear.scatter [tilespmem:s12], [sflag:$0x1], $0x80, $0x38;
	[tilespmem:$0x18280] =	vst v63  }
0x11: {  	_ =	swait.ge [sflag:s8], $0x80  }
0x12: {  	[sflag:s8] =	ssyncset.done $0x0  }
0x13: {  	[sflag:s8] =	ssyncadd.s32 $0xFFFFFF80  }
.LBB2_1:
.Ltmp2:
0x14: {  	(pc) =	sbr.rel .LBB2_2-.Ltmp2, $2  }
0x15: {  	_ =	sdelay $0x2  }
0x16: {  	v4 =	vimm.f32 $0.0e+00;
	s14 =	simm.s32 $0x0  }
.LBB2_31:
0x17: {  	(v2sf) =	vpush v6, $0x0;
	_ =	sdelay $0xe  }
0x18: {  	p0 =	slt.s32 s16, $0x11;
	s16 =	spop (v2sf)  }
0x19: {  	s16 =	smov.u32 @p0 s19  }
0x1a: {  	s17 =	sadd.f32 $-5.000000000e-01, s16  }
0x1b: {  	s15 =	smul.f32 $3.051757810e-05, s15;
	p0 =	sgt.f32 s16, $5.000000000e-01  }
0x1c: {  	v6 =	vmov s14;
	s14 =	sadd.s32 $0x1, s14;
	s17 =	sand.u32 $0x7FFFFFFF, s17  }
0x1d: {  	s16 =	simm.s32 @p0 $0x3F000000;
	p0 =	sne.s32 s14, $0x4;
	s15 =	smul.f32 s17, s15  }
.Ltmp3:
0x1e: {  	_ = 	snop;
	(pc) =	sbr.rel @!p0 .LBB2_32-.Ltmp3, $4  }
0x1f: {  	_ = 	snop  }
0x20: {  	s15 =	sadd.f32 s15, s16  }
0x21: {  	vm0 =	veq.s32 v6, v0  }
0x22: {  	v4 =	vsel vm0, s15, v4  }
.LBB2_2:
0x23: {  	s15 =	sshll.u32 s14, $0x4  }
0x24: {  	s16 =	simm.s32 $0x0;
	s15 =	sadd.s32 s15, s3  }
0x25: {  	[tilespmem:s16], [sflag:$0x1] =	stream.strided.gather [hbm4b:s15+s6], $0x8000, s7, s6, $0x38;
	[tilespmem:$0x18280] =	vst v63  }
0x26: {  	_ =	swait.ge [sflag:s8], $0x8000  }
0x27: {  	[sflag:s8] =	ssyncset.done $0x0  }
0x28: {  	s31 =	simm.s32 $0x0;
	[sflag:s8] =	ssyncadd.s32 $0xFFFF8000  }
0x29: {  	v7 =	vld [tilespmem:s31+$0x0];
	_ =	sdelay $0x1  }
0x2a: {  	v8 =	vld [tilespmem:s31+$0x10];
	_ =	sdelay $0x1  }
0x2b: {  	v9 =	vld [tilespmem:s31+$0x20]  }
0x2c: {  	v10 =	vadd.f32 v7, v5  }
0x2d: {  	v12 =	vld [tilespmem:s31+$0x30]  }
0x2e: {  	v6 =	vld [tilespmem:s31+$0x60];
	v10 =	vadd.f32 v8, v10  }
0x2f: {  	v11 =	vld [tilespmem:s31+$0x40]  }
0x30: {  	vm1 =	vle.f32 v7, $5.000000000e-01;
	v7 =	vadd.f32 v9, v10;
	_ =	sdelay $0x1  }
0x31: {  	v13 =	vimm.s32 $0x0;
	v14 =	vld [tilespmem:s31+$0x50];
	v7 =	vadd.f32 v12, v7  }
0x32: {  	vm0 =	vle.f32 v6, $5.000000000e-01;
	v10 =	vmpcnt.ones.xlane vm1;
	vm1 =	vle.f32 v8, $5.000000000e-01  }
0x33: {  	v8 =	vmpcnt.ones.xlane vm1;
	vm1 =	vle.f32 v9, $5.000000000e-01;
	v63 =	vadd.f32 v11, v7;
	v7 =	vld [tilespmem:s31+$0x70]  }
0x34: {  	v9 =	vadd.s32 v13, v10;
	v10 =	vmpcnt.ones.xlane vm1;
	vm1 =	vle.f32 v12, $5.000000000e-01  }
0x35: {  	vm2 =	vle.f32 v11, $5.000000000e-01;
	v8 =	vadd.s32 v8, v9;
	v12 =	vmpcnt.ones.xlane vm1  }
0x36: {  	v9 =	vmpcnt.ones.xlane vm2;
	vm1 =	vle.f32 v14, $5.000000000e-01;
	v8 =	vadd.s32 v10, v8  }
0x37: {  	s15 =	simm.s32 $0x80;
	s16 =	simm.s32 $0x400;
	v10 =	vmpcnt.ones.xlane vm1;
	v11 =	vadd.s32 v12, v8;
	v8 =	vadd.f32 v14, v63  }
.LBB2_3:
0x38: {  	p0 =	sne.s32 s16, $0x1FE00;
	v12 =	vld [tilespmem:s15+$0x0];
	v9 =	vadd.s32 v9, v11;
	v11 =	vmpcnt.ones.xlane vm0;
	vm0 =	vle.f32 v7, $5.000000000e-01  }
0x39: {  	v9 =	vadd.s32 v10, v9;
	v8 =	vadd.f32 v6, v8;
	v10 =	vmpcnt.ones.xlane vm0  }
0x3a: {  	v13 =	vld [tilespmem:s15+$0x10];
	v9 =	vadd.s32 v11, v9  }
0x3b: {  	v6 =	vld [tilespmem:s15+$0x60];
	v9 =	vadd.s32 v10, v9;
	v7 =	vadd.f32 v7, v8  }
0x3c: {  	v8 =	vld [tilespmem:s15+$0x20]  }
0x3d: {  	v7 =	vadd.f32 v12, v7;
	v10 =	vld [tilespmem:s15+$0x40]  }
0x3e: {  	v11 =	vld [tilespmem:s15+$0x30]  }
0x3f: {  	v7 =	vadd.f32 v13, v7;
	_ =	sdelay $0x1  }
0x40: {  	vm1 =	vle.f32 v12, $5.000000000e-01;
	vm0 =	vle.f32 v6, $5.000000000e-01;
	v7 =	vadd.f32 v8, v7;
	v12 =	vld [tilespmem:s15+$0x50]  }
0x41: {  	v14 =	vmpcnt.ones.xlane vm1;
	vm1 =	vle.f32 v13, $5.000000000e-01;
	vm2 =	vle.f32 v10, $5.000000000e-01  }
.Ltmp4:
0x42: {  	v13 =	vmpcnt.ones.xlane vm1;
	vm1 =	vle.f32 v8, $5.000000000e-01;
	v8 =	vadd.f32 v11, v7;
	v7 =	vld [tilespmem:s15+$0x70];
	(pc) =	sbr.rel @p0 .LBB2_3-.Ltmp4, $4  }
0x43: {  	v9 =	vadd.s32 v9, v14;
	v14 =	vmpcnt.ones.xlane vm1;
	vm1 =	vle.f32 v11, $5.000000000e-01  }
0x44: {  	v9 =	vadd.s32 v13, v9;
	v11 =	vmpcnt.ones.xlane vm1;
	v8 =	vadd.f32 v10, v8  }
0x45: {  	v10 =	vadd.s32 v14, v9;
	v9 =	vmpcnt.ones.xlane vm2;
	vm1 =	vle.f32 v12, $5.000000000e-01  }
0x46: {  	s15 =	sshra.s32 s16, $0x2;
	s16 =	sadd.s32 $0x200, s16;
	v11 =	vadd.s32 v11, v10;
	v10 =	vmpcnt.ones.xlane vm1;
	v8 =	vadd.f32 v12, v8  }
0x47: {  	v12 =	vld [tilespmem:s15+$0x0]  }
0x48: {  	v13 =	vld [tilespmem:s15+$0x10]  }
0x49: {  	v14 =	vld [tilespmem:s15+$0x20]  }
0x4a: {  	v16 =	vld [tilespmem:s15+$0x30]  }
0x4b: {  	v9 =	vadd.s32 v9, v11;
	v11 =	vmpcnt.ones.xlane vm0;
	vm0 =	vle.f32 v7, $5.000000000e-01;
	v17 =	vld [tilespmem:s15+$0x40]  }
0x4c: {  	v18 =	vld [tilespmem:s15+$0x50];
	v9 =	vadd.s32 v10, v9;
	v10 =	vmpcnt.ones.xlane vm0;
	vm0 =	vle.f32 v12, $5.000000000e-01  }
0x4d: {  	v19 =	vld [tilespmem:s15+$0x60];
	v9 =	vadd.s32 v11, v9;
	v11 =	vmpcnt.ones.xlane vm0;
	vm0 =	vle.f32 v13, $5.000000000e-01  }
0x4e: {  	v20 =	vld [tilespmem:s15+$0x70];
	v9 =	vadd.s32 v10, v9;
	v10 =	vmpcnt.ones.xlane vm0;
	vm0 =	vle.f32 v14, $5.000000000e-01  }
0x4f: {  	v9 =	vadd.s32 v9, v11;
	v11 =	vmpcnt.ones.xlane vm0;
	vm0 =	vle.f32 v16, $5.000000000e-01  }
0x50: {  	vm1 =	vle.f32 v17, $5.000000000e-01;
	v9 =	vadd.s32 v10, v9;
	v10 =	vmpcnt.ones.xlane vm0  }
0x51: {  	vm0 =	vle.f32 v18, $5.000000000e-01;
	v9 =	vadd.s32 v11, v9;
	v11 =	vmpcnt.ones.xlane vm1  }
0x52: {  	vm1 =	vle.f32 v19, $5.000000000e-01;
	v9 =	vadd.s32 v10, v9;
	v10 =	vmpcnt.ones.xlane vm0  }
0x53: {  	vm0 =	vle.f32 v20, $5.000000000e-01;
	v9 =	vadd.s32 v11, v9;
	v11 =	vmpcnt.ones.xlane vm1  }
0x54: {  	v9 =	vadd.s32 v10, v9;
	v10 =	vmpcnt.ones.xlane vm0  }
0x55: {  	v9 =	vadd.s32 v11, v9  }
0x56: {  	v9 =	vadd.s32 v10, v9  }
0x57: {  	(v2sf) =	vpush v9, $0x0;
	_ =	sdelay $0x7  }
0x58: {  	v6 =	vadd.f32 v6, v8;
	_ =	sdelay $0x1  }
0x59: {  	v6 =	vadd.f32 v7, v6;
	_ =	sdelay $0x1  }
0x5a: {  	v6 =	vadd.f32 v12, v6;
	_ =	sdelay $0x1  }
0x5b: {  	v6 =	vadd.f32 v13, v6  }
0x5c: {  	s15 =	spop (v2sf)  }
0x5d: {  	v15 =	vimm.s32 $0x0;
	v6 =	vadd.f32 v14, v6;
	p0 =	sgt.s32 s15, $0x3FFF  }
0x5e: {  	v7 =	vpsel !p0, $0x3F7FFFFF, v1;
	v8 =	vpsel !p0, $0x3F000001, v15  }
0x5f: {  	v6 =	vadd.f32 v16, v6;
	v9 =	vadd.f32 v7, v8  }
0x60: {  	s18 =	simm.s32 $0x0  }
0x61: {  	v13 =	vld [tilespmem:s18+$0x0];
	v6 =	vadd.f32 v17, v6;
	v9 =	vmul.f32 $5.000000000e-01, v9  }
0x62: {  	v14 =	vld [tilespmem:s18+$0x10]  }
0x63: {  	v6 =	vadd.f32 v18, v6;
	v18 =	vld [tilespmem:s18+$0x20];
	vm0 =	vgt.s32 v9, v8  }
0x64: {  	v11 =	vld [tilespmem:s18+$0x30];
	v10 =	vadd.s32 $0xFFFFFFFF, v7;
	v9 =	vsel vm0, v9, v8  }
0x65: {  	v12 =	vld [tilespmem:s18+$0x40];
	v9 =	vmin.u32 v9, v10  }
0x66: {  	v6 =	vadd.f32 v19, v6;
	v10 =	vld [tilespmem:s18+$0x50];
	vm0 =	vle.f32 v13, v9  }
0x67: {  	vm1 =	vle.f32 v14, v9;
	v13 =	vld [tilespmem:s18+$0x60];
	v17 =	vmpcnt.ones.xlane vm0  }
0x68: {  	s16 =	simm.s32 $0x80;
	s17 =	simm.s32 $0x400;
	v6 =	vadd.f32 v20, v6;
	v14 =	vld [tilespmem:s18+$0x70];
	v16 =	vmpcnt.ones.xlane vm1;
	vm0 =	vle.f32 v18, v9  }
.LBB2_5:
0x69: {  	p1 =	sne.s32 s17, $0x1FE00;
	v18 =	vld [tilespmem:s16+$0x0];
	v15 =	vadd.s32 v15, v17;
	v17 =	vmpcnt.ones.xlane vm0;
	vm0 =	vle.f32 v11, v9  }
0x6a: {  	v19 =	vld [tilespmem:s16+$0x10];
	v11 =	vadd.s32 v16, v15;
	v15 =	vmpcnt.ones.xlane vm0;
	vm0 =	vle.f32 v12, v9  }
0x6b: {  	v20 =	vld [tilespmem:s16+$0x20];
	v12 =	vadd.s32 v17, v11;
	v16 =	vmpcnt.ones.xlane vm0;
	vm0 =	vle.f32 v10, v9  }
.Ltmp5:
0x6c: {  	v11 =	vld [tilespmem:s16+$0x30];
	v10 =	vadd.s32 v15, v12;
	v15 =	vmpcnt.ones.xlane vm0;
	vm0 =	vle.f32 v13, v9;
	(pc) =	sbr.rel @p1 .LBB2_5-.Ltmp5, $4  }
0x6d: {  	v12 =	vld [tilespmem:s16+$0x40];
	v13 =	vadd.s32 v16, v10;
	v16 =	vmpcnt.ones.xlane vm0;
	vm0 =	vle.f32 v14, v9  }
0x6e: {  	vm1 =	vle.f32 v18, v9;
	v10 =	vld [tilespmem:s16+$0x50];
	v14 =	vadd.s32 v15, v13;
	v15 =	vmpcnt.ones.xlane vm0  }
0x6f: {  	v17 =	vmpcnt.ones.xlane vm1;
	vm0 =	vle.f32 v19, v9;
	v13 =	vld [tilespmem:s16+$0x60];
	v18 =	vadd.s32 v16, v14  }
0x70: {  	v16 =	vmpcnt.ones.xlane vm0;
	vm0 =	vle.f32 v20, v9;
	v14 =	vld [tilespmem:s16+$0x70];
	s16 =	sshra.s32 s17, $0x2;
	s17 =	sadd.s32 $0x200, s17;
	v15 =	vadd.s32 v15, v18  }
0x71: {  	v18 =	vld [tilespmem:s16+$0x0];
	v15 =	vadd.s32 v15, v17;
	v17 =	vmpcnt.ones.xlane vm0;
	vm0 =	vle.f32 v11, v9  }
0x72: {  	v11 =	vld [tilespmem:s16+$0x10];
	v15 =	vadd.s32 v16, v15;
	v16 =	vmpcnt.ones.xlane vm0;
	vm0 =	vle.f32 v12, v9  }
0x73: {  	v12 =	vld [tilespmem:s16+$0x20];
	v15 =	vadd.s32 v17, v15;
	v17 =	vmpcnt.ones.xlane vm0;
	vm0 =	vle.f32 v10, v9  }
0x74: {  	v10 =	vld [tilespmem:s16+$0x30];
	v15 =	vadd.s32 v16, v15;
	v16 =	vmpcnt.ones.xlane vm0;
	vm0 =	vle.f32 v13, v9  }
0x75: {  	v13 =	vld [tilespmem:s16+$0x40];
	v15 =	vadd.s32 v17, v15;
	v17 =	vmpcnt.ones.xlane vm0;
	vm0 =	vle.f32 v14, v9  }
0x76: {  	v14 =	vld [tilespmem:s16+$0x50];
	vm1 =	vle.f32 v18, v9;
	v15 =	vadd.s32 v16, v15;
	v16 =	vmpcnt.ones.xlane vm0  }
0x77: {  	vm0 =	vle.f32 v11, v9;
	v11 =	vld [tilespmem:s16+$0x60];
	v18 =	vmpcnt.ones.xlane vm1;
	v15 =	vadd.s32 v17, v15  }
0x78: {  	v17 =	vmpcnt.ones.xlane vm0;
	vm0 =	vle.f32 v12, v9;
	v12 =	vld [tilespmem:s16+$0x70];
	v15 =	vadd.s32 v16, v15  }
0x79: {  	v16 =	vmpcnt.ones.xlane vm0;
	vm0 =	vle.f32 v10, v9;
	v15 =	vadd.s32 v15, v18  }
0x7a: {  	v10 =	vadd.s32 v17, v15;
	v15 =	vmpcnt.ones.xlane vm0;
	vm0 =	vle.f32 v13, v9  }
0x7b: {  	v10 =	vadd.s32 v16, v10;
	v13 =	vmpcnt.ones.xlane vm0;
	vm0 =	vle.f32 v14, v9  }
0x7c: {  	v10 =	vadd.s32 v15, v10;
	v14 =	vmpcnt.ones.xlane vm0;
	vm0 =	vle.f32 v11, v9  }
0x7d: {  	v10 =	vadd.s32 v13, v10;
	v11 =	vmpcnt.ones.xlane vm0;
	vm0 =	vle.f32 v12, v9  }
0x7e: {  	v10 =	vadd.s32 v14, v10;
	v12 =	vmpcnt.ones.xlane vm0  }
0x7f: {  	v10 =	vadd.s32 v11, v10  }
0x80: {  	v10 =	vadd.s32 v12, v10  }
0x81: {  	(v2sf) =	vpush v10, $0x0;
	_ =	sdelay $0xe  }
0x82: {  	s17 =	ssub.s32 $0x3FFF, s15;
	s15 =	simm.s32 @p0 $0x0;
	s16 =	spop (v2sf)  }
0x83: {  	s17 =	simm.s32 @p0 $0x3FFF;
	s18 =	ssub.s32 s16, s15  }
0x84: {  	v10 =	vadd.s32 $0x1, v9;
	p0 =	slt.s32 s17, s18  }
0x85: {  	v7 =	vpsel p0, v9, v7;
	v8 =	vpsel p0, v8, v10  }
0x86: {  	v9 =	vadd.f32 v7, v8;
	_ =	sdelay $0x1  }
0x87: {  	s21 =	simm.s32 $0x0;
	v9 =	vmul.f32 $5.000000000e-01, v9  }
0x88: {  	v12 =	vld [tilespmem:s21+$0x0]  }
0x89: {  	v14 =	vld [tilespmem:s21+$0x10];
	vm0 =	vgt.s32 v9, v8  }
0x8a: {  	v18 =	vld [tilespmem:s21+$0x20];
	v10 =	vadd.s32 $0xFFFFFFFF, v7;
	v9 =	vsel vm0, v9, v8  }
0x8b: {  	v13 =	vld [tilespmem:s21+$0x30];
	vm0 =	vlt.s32 v9, v10  }
0x8c: {  	v11 =	vld [tilespmem:s21+$0x40];
	v9 =	vsel vm0, v9, v10  }
0x8d: {  	v10 =	vld [tilespmem:s21+$0x50];
	vm0 =	vle.f32 v12, v9  }
0x8e: {  	vm1 =	vle.f32 v14, v9;
	v12 =	vld [tilespmem:s21+$0x60];
	v16 =	vmpcnt.ones.xlane vm0  }
0x8f: {  	s19 =	simm.s32 $0x80;
	s20 =	simm.s32 $0x400;
	v17 =	vimm.s32 $0x0;
	v14 =	vld [tilespmem:s21+$0x70];
	v15 =	vmpcnt.ones.xlane vm1;
	vm0 =	vle.f32 v18, v9  }
.LBB2_7:
0x90: {  	p1 =	sne.s32 s20, $0x1FE00;
	v18 =	vld [tilespmem:s19+$0x0];
	v16 =	vadd.s32 v17, v16;
	v17 =	vmpcnt.ones.xlane vm0;
	vm0 =	vle.f32 v13, v9  }
0x91: {  	v19 =	vld [tilespmem:s19+$0x10];
	v13 =	vadd.s32 v15, v16;
	v15 =	vmpcnt.ones.xlane vm0;
	vm0 =	vle.f32 v11, v9  }
0x92: {  	v20 =	vld [tilespmem:s19+$0x20];
	v11 =	vadd.s32 v17, v13;
	v16 =	vmpcnt.ones.xlane vm0;
	vm0 =	vle.f32 v10, v9  }
.Ltmp6:
0x93: {  	v13 =	vld [tilespmem:s19+$0x30];
	v10 =	vadd.s32 v15, v11;
	v15 =	vmpcnt.ones.xlane vm0;
	vm0 =	vle.f32 v12, v9;
	(pc) =	sbr.rel @p1 .LBB2_7-.Ltmp6, $4  }
0x94: {  	v11 =	vld [tilespmem:s19+$0x40];
	v12 =	vadd.s32 v16, v10;
	v17 =	vmpcnt.ones.xlane vm0;
	vm0 =	vle.f32 v14, v9  }
0x95: {  	vm1 =	vle.f32 v18, v9;
	v10 =	vld [tilespmem:s19+$0x50];
	v14 =	vadd.s32 v15, v12;
	v18 =	vmpcnt.ones.xlane vm0  }
0x96: {  	v16 =	vmpcnt.ones.xlane vm1;
	vm0 =	vle.f32 v19, v9;
	v12 =	vld [tilespmem:s19+$0x60];
	v17 =	vadd.s32 v17, v14  }
0x97: {  	v15 =	vmpcnt.ones.xlane vm0;
	vm0 =	vle.f32 v20, v9;
	v14 =	vld [tilespmem:s19+$0x70];
	s19 =	sshra.s32 s20, $0x2;
	s20 =	sadd.s32 $0x200, s20;
	v17 =	vadd.s32 v18, v17  }
0x98: {  	v18 =	vld [tilespmem:s19+$0x0];
	v16 =	vadd.s32 v17, v16;
	v17 =	vmpcnt.ones.xlane vm0;
	vm0 =	vle.f32 v13, v9  }
0x99: {  	v13 =	vld [tilespmem:s19+$0x10];
	v15 =	vadd.s32 v15, v16;
	v16 =	vmpcnt.ones.xlane vm0;
	vm0 =	vle.f32 v11, v9  }
0x9a: {  	v11 =	vld [tilespmem:s19+$0x20];
	v15 =	vadd.s32 v17, v15;
	v17 =	vmpcnt.ones.xlane vm0;
	vm0 =	vle.f32 v10, v9  }
0x9b: {  	v10 =	vld [tilespmem:s19+$0x30];
	v15 =	vadd.s32 v16, v15;
	v16 =	vmpcnt.ones.xlane vm0;
	vm0 =	vle.f32 v12, v9  }
0x9c: {  	v12 =	vld [tilespmem:s19+$0x40];
	v15 =	vadd.s32 v17, v15;
	v17 =	vmpcnt.ones.xlane vm0;
	vm0 =	vle.f32 v14, v9  }
0x9d: {  	v14 =	vld [tilespmem:s19+$0x50];
	vm1 =	vle.f32 v18, v9;
	v15 =	vadd.s32 v16, v15;
	v16 =	vmpcnt.ones.xlane vm0  }
0x9e: {  	vm0 =	vle.f32 v13, v9;
	v13 =	vld [tilespmem:s19+$0x60];
	v18 =	vmpcnt.ones.xlane vm1;
	v15 =	vadd.s32 v17, v15  }
0x9f: {  	v17 =	vmpcnt.ones.xlane vm0;
	vm0 =	vle.f32 v11, v9;
	v11 =	vld [tilespmem:s19+$0x70];
	v15 =	vadd.s32 v16, v15  }
0xa0: {  	v16 =	vmpcnt.ones.xlane vm0;
	vm0 =	vle.f32 v10, v9;
	v15 =	vadd.s32 v15, v18  }
0xa1: {  	v10 =	vadd.s32 v17, v15;
	v15 =	vmpcnt.ones.xlane vm0;
	vm0 =	vle.f32 v12, v9  }
0xa2: {  	v10 =	vadd.s32 v16, v10;
	v12 =	vmpcnt.ones.xlane vm0;
	vm0 =	vle.f32 v14, v9  }
0xa3: {  	v10 =	vadd.s32 v15, v10;
	v14 =	vmpcnt.ones.xlane vm0;
	vm0 =	vle.f32 v13, v9  }
0xa4: {  	v10 =	vadd.s32 v12, v10;
	v12 =	vmpcnt.ones.xlane vm0;
	vm0 =	vle.f32 v11, v9  }
0xa5: {  	v10 =	vadd.s32 v14, v10;
	v11 =	vmpcnt.ones.xlane vm0  }
0xa6: {  	v10 =	vadd.s32 v12, v10  }
0xa7: {  	v10 =	vadd.s32 v11, v10  }
0xa8: {  	(v2sf) =	vpush v10, $0x0;
	_ =	sdelay $0xe  }
0xa9: {  	s18 =	simm.s32 @p0 $0x0;
	s16 =	smov.u32 @p0 s15;
	s15 =	spop (v2sf)  }
0xaa: {  	s17 =	ssub.s32 s17, s18;
	s18 =	ssub.s32 s15, s16  }
0xab: {  	v10 =	vadd.s32 $0x1, v9;
	p0 =	slt.s32 s17, s18  }
0xac: {  	v7 =	vpsel p0, v9, v7;
	v8 =	vpsel p0, v8, v10  }
0xad: {  	v9 =	vadd.f32 v7, v8;
	_ =	sdelay $0x1  }
0xae: {  	s21 =	simm.s32 $0x0;
	v9 =	vmul.f32 $5.000000000e-01, v9  }
0xaf: {  	v12 =	vld [tilespmem:s21+$0x0]  }
0xb0: {  	v14 =	vld [tilespmem:s21+$0x10];
	vm0 =	vgt.s32 v9, v8  }
0xb1: {  	v18 =	vld [tilespmem:s21+$0x20];
	v10 =	vadd.s32 $0xFFFFFFFF, v7;
	v9 =	vsel vm0, v9, v8  }
0xb2: {  	v13 =	vld [tilespmem:s21+$0x30];
	vm0 =	vlt.s32 v9, v10  }
0xb3: {  	v11 =	vld [tilespmem:s21+$0x40];
	v9 =	vsel vm0, v9, v10  }
0xb4: {  	v10 =	vld [tilespmem:s21+$0x50];
	vm0 =	vle.f32 v12, v9  }
0xb5: {  	vm1 =	vle.f32 v14, v9;
	v12 =	vld [tilespmem:s21+$0x60];
	v16 =	vmpcnt.ones.xlane vm0  }
0xb6: {  	s20 =	simm.s32 $0x400;
	s19 =	simm.s32 $0x80;
	v17 =	vimm.s32 $0x0;
	v14 =	vld [tilespmem:s21+$0x70];
	v15 =	vmpcnt.ones.xlane vm1;
	vm0 =	vle.f32 v18, v9  }
.LBB2_9:
0xb7: {  	p1 =	sne.s32 s20, $0x1FE00;
	v18 =	vld [tilespmem:s19+$0x0];
	v16 =	vadd.s32 v17, v16;
	v17 =	vmpcnt.ones.xlane vm0;
	vm0 =	vle.f32 v13, v9  }
0xb8: {  	v19 =	vld [tilespmem:s19+$0x10];
	v13 =	vadd.s32 v15, v16;
	v15 =	vmpcnt.ones.xlane vm0;
	vm0 =	vle.f32 v11, v9  }
0xb9: {  	v20 =	vld [tilespmem:s19+$0x20];
	v11 =	vadd.s32 v17, v13;
	v16 =	vmpcnt.ones.xlane vm0;
	vm0 =	vle.f32 v10, v9  }
.Ltmp7:
0xba: {  	v13 =	vld [tilespmem:s19+$0x30];
	v10 =	vadd.s32 v15, v11;
	v15 =	vmpcnt.ones.xlane vm0;
	vm0 =	vle.f32 v12, v9;
	(pc) =	sbr.rel @p1 .LBB2_9-.Ltmp7, $4  }
0xbb: {  	v11 =	vld [tilespmem:s19+$0x40];
	v12 =	vadd.s32 v16, v10;
	v17 =	vmpcnt.ones.xlane vm0;
	vm0 =	vle.f32 v14, v9  }
0xbc: {  	vm1 =	vle.f32 v18, v9;
	v10 =	vld [tilespmem:s19+$0x50];
	v14 =	vadd.s32 v15, v12;
	v18 =	vmpcnt.ones.xlane vm0  }
0xbd: {  	v16 =	vmpcnt.ones.xlane vm1;
	vm0 =	vle.f32 v19, v9;
	v12 =	vld [tilespmem:s19+$0x60];
	v17 =	vadd.s32 v17, v14  }
0xbe: {  	v15 =	vmpcnt.ones.xlane vm0;
	vm0 =	vle.f32 v20, v9;
	v14 =	vld [tilespmem:s19+$0x70];
	s19 =	sshra.s32 s20, $0x2;
	s20 =	sadd.s32 $0x200, s20;
	v17 =	vadd.s32 v18, v17  }
0xbf: {  	v18 =	vld [tilespmem:s19+$0x0];
	v16 =	vadd.s32 v17, v16;
	v17 =	vmpcnt.ones.xlane vm0;
	vm0 =	vle.f32 v13, v9  }
0xc0: {  	v13 =	vld [tilespmem:s19+$0x10];
	v15 =	vadd.s32 v15, v16;
	v16 =	vmpcnt.ones.xlane vm0;
	vm0 =	vle.f32 v11, v9  }
0xc1: {  	v11 =	vld [tilespmem:s19+$0x20];
	v15 =	vadd.s32 v17, v15;
	v17 =	vmpcnt.ones.xlane vm0;
	vm0 =	vle.f32 v10, v9  }
0xc2: {  	v10 =	vld [tilespmem:s19+$0x30];
	v15 =	vadd.s32 v16, v15;
	v16 =	vmpcnt.ones.xlane vm0;
	vm0 =	vle.f32 v12, v9  }
0xc3: {  	v12 =	vld [tilespmem:s19+$0x40];
	v15 =	vadd.s32 v17, v15;
	v17 =	vmpcnt.ones.xlane vm0;
	vm0 =	vle.f32 v14, v9  }
0xc4: {  	v14 =	vld [tilespmem:s19+$0x50];
	vm1 =	vle.f32 v18, v9;
	v15 =	vadd.s32 v16, v15;
	v16 =	vmpcnt.ones.xlane vm0  }
0xc5: {  	vm0 =	vle.f32 v13, v9;
	v13 =	vld [tilespmem:s19+$0x60];
	v18 =	vmpcnt.ones.xlane vm1;
	v15 =	vadd.s32 v17, v15  }
0xc6: {  	v17 =	vmpcnt.ones.xlane vm0;
	vm0 =	vle.f32 v11, v9;
	v11 =	vld [tilespmem:s19+$0x70];
	v15 =	vadd.s32 v16, v15  }
0xc7: {  	v16 =	vmpcnt.ones.xlane vm0;
	vm0 =	vle.f32 v10, v9;
	v15 =	vadd.s32 v15, v18  }
0xc8: {  	v10 =	vadd.s32 v17, v15;
	v15 =	vmpcnt.ones.xlane vm0;
	vm0 =	vle.f32 v12, v9  }
0xc9: {  	v10 =	vadd.s32 v16, v10;
	v12 =	vmpcnt.ones.xlane vm0;
	vm0 =	vle.f32 v14, v9  }
0xca: {  	v10 =	vadd.s32 v15, v10;
	v14 =	vmpcnt.ones.xlane vm0;
	vm0 =	vle.f32 v13, v9  }
0xcb: {  	v10 =	vadd.s32 v12, v10;
	v12 =	vmpcnt.ones.xlane vm0;
	vm0 =	vle.f32 v11, v9  }
0xcc: {  	v10 =	vadd.s32 v14, v10;
	v11 =	vmpcnt.ones.xlane vm0  }
0xcd: {  	v10 =	vadd.s32 v12, v10  }
0xce: {  	v10 =	vadd.s32 v11, v10  }
0xcf: {  	(v2sf) =	vpush v10, $0x0;
	_ =	sdelay $0xe  }
0xd0: {  	s18 =	simm.s32 @p0 $0x0;
	s15 =	smov.u32 @p0 s16;
	s16 =	spop (v2sf)  }
0xd1: {  	s17 =	ssub.s32 s17, s18;
	s18 =	ssub.s32 s16, s15  }
0xd2: {  	v10 =	vadd.s32 $0x1, v9;
	p0 =	slt.s32 s17, s18  }
0xd3: {  	v7 =	vpsel p0, v9, v7;
	v9 =	vpsel p0, v8, v10  }
0xd4: {  	v8 =	vadd.f32 v7, v9;
	_ =	sdelay $0x1  }
0xd5: {  	s21 =	simm.s32 $0x0;
	v8 =	vmul.f32 $5.000000000e-01, v8  }
0xd6: {  	v12 =	vld [tilespmem:s21+$0x0]  }
0xd7: {  	v14 =	vld [tilespmem:s21+$0x10];
	vm0 =	vgt.s32 v8, v9  }
0xd8: {  	v18 =	vld [tilespmem:s21+$0x20];
	v10 =	vadd.s32 $0xFFFFFFFF, v7;
	v8 =	vsel vm0, v8, v9  }
0xd9: {  	v13 =	vld [tilespmem:s21+$0x30];
	vm0 =	vlt.s32 v8, v10  }
0xda: {  	v11 =	vld [tilespmem:s21+$0x40];
	v8 =	vsel vm0, v8, v10  }
0xdb: {  	v10 =	vld [tilespmem:s21+$0x50];
	vm0 =	vle.f32 v12, v8  }
0xdc: {  	vm1 =	vle.f32 v14, v8;
	v12 =	vld [tilespmem:s21+$0x60];
	v16 =	vmpcnt.ones.xlane vm0  }
0xdd: {  	s20 =	simm.s32 $0x400;
	s19 =	simm.s32 $0x80;
	v17 =	vimm.s32 $0x0;
	v14 =	vld [tilespmem:s21+$0x70];
	v15 =	vmpcnt.ones.xlane vm1;
	vm0 =	vle.f32 v18, v8  }
.LBB2_11:
0xde: {  	p1 =	sne.s32 s20, $0x1FE00;
	v18 =	vld [tilespmem:s19+$0x0];
	v16 =	vadd.s32 v17, v16;
	v17 =	vmpcnt.ones.xlane vm0;
	vm0 =	vle.f32 v13, v8  }
0xdf: {  	v19 =	vld [tilespmem:s19+$0x10];
	v13 =	vadd.s32 v15, v16;
	v15 =	vmpcnt.ones.xlane vm0;
	vm0 =	vle.f32 v11, v8  }
0xe0: {  	v20 =	vld [tilespmem:s19+$0x20];
	v11 =	vadd.s32 v17, v13;
	v16 =	vmpcnt.ones.xlane vm0;
	vm0 =	vle.f32 v10, v8  }
.Ltmp8:
0xe1: {  	v13 =	vld [tilespmem:s19+$0x30];
	v10 =	vadd.s32 v15, v11;
	v15 =	vmpcnt.ones.xlane vm0;
	vm0 =	vle.f32 v12, v8;
	(pc) =	sbr.rel @p1 .LBB2_11-.Ltmp8, $4  }
0xe2: {  	v11 =	vld [tilespmem:s19+$0x40];
	v12 =	vadd.s32 v16, v10;
	v17 =	vmpcnt.ones.xlane vm0;
	vm0 =	vle.f32 v14, v8  }
0xe3: {  	vm1 =	vle.f32 v18, v8;
	v10 =	vld [tilespmem:s19+$0x50];
	v14 =	vadd.s32 v15, v12;
	v18 =	vmpcnt.ones.xlane vm0  }
0xe4: {  	v16 =	vmpcnt.ones.xlane vm1;
	vm0 =	vle.f32 v19, v8;
	v12 =	vld [tilespmem:s19+$0x60];
	v17 =	vadd.s32 v17, v14  }
0xe5: {  	v15 =	vmpcnt.ones.xlane vm0;
	vm0 =	vle.f32 v20, v8;
	v14 =	vld [tilespmem:s19+$0x70];
	s19 =	sshra.s32 s20, $0x2;
	s20 =	sadd.s32 $0x200, s20;
	v17 =	vadd.s32 v18, v17  }
0xe6: {  	v18 =	vld [tilespmem:s19+$0x0];
	v16 =	vadd.s32 v17, v16;
	v50 =	vmpcnt.ones.xlane vm0;
	vm4 =	vle.f32 v13, v8  }
0xe7: {  	v51 =	vld [tilespmem:s19+$0x10];
	v15 =	vadd.s32 v15, v16;
	v52 =	vmpcnt.ones.xlane vm4;
	vm5 =	vle.f32 v11, v8  }
0xe8: {  	v11 =	vld [tilespmem:s19+$0x20];
	v15 =	vadd.s32 v50, v15;
	v53 =	vmpcnt.ones.xlane vm5;
	vm6 =	vle.f32 v10, v8  }
0xe9: {  	v10 =	vld [tilespmem:s19+$0x30];
	v15 =	vadd.s32 v52, v15;
	v54 =	vmpcnt.ones.xlane vm6;
	vm7 =	vle.f32 v12, v8  }
0xea: {  	v55 =	vld [tilespmem:s19+$0x40];
	v15 =	vadd.s32 v53, v15;
	v56 =	vmpcnt.ones.xlane vm7;
	vm8 =	vle.f32 v14, v8  }
0xeb: {  	v57 =	vld [tilespmem:s19+$0x50];
	vm1 =	vle.f32 v18, v8;
	v15 =	vadd.s32 v54, v15;
	v58 =	vmpcnt.ones.xlane vm8  }
0xec: {  	v59 =	vld [tilespmem:s19+$0x60];
	vm9 =	vle.f32 v51, v8;
	v18 =	vmpcnt.ones.xlane vm1;
	v15 =	vadd.s32 v56, v15  }
0xed: {  	v60 =	vmpcnt.ones.xlane vm9;
	vm10 =	vle.f32 v11, v8;
	v11 =	vld [tilespmem:s19+$0x70];
	v15 =	vadd.s32 v58, v15  }
0xee: {  	v61 =	vmpcnt.ones.xlane vm10;
	vm11 =	vle.f32 v10, v8;
	v15 =	vadd.s32 v15, v18  }
0xef: {  	vm12 =	vle.f32 v55, v8;
	v62 =	vmpcnt.ones.xlane vm11;
	v10 =	vadd.s32 v60, v15  }
0xf0: {  	vm13 =	vle.f32 v57, v8;
	v12 =	vmpcnt.ones.xlane vm12;
	v10 =	vadd.s32 v61, v10  }
0xf1: {  	vm14 =	vle.f32 v59, v8;
	v14 =	vmpcnt.ones.xlane vm13;
	v10 =	vadd.s32 v62, v10  }
0xf2: {  	v63 =	vmpcnt.ones.xlane vm14;
	vm15 =	vle.f32 v11, v8;
	v10 =	vadd.s32 v12, v10  }
0xf3: {  	v11 =	vmpcnt.ones.xlane vm15;
	v10 =	vadd.s32 v14, v10  }
0xf4: {  	v10 =	vadd.s32 v63, v10  }
0xf5: {  	v10 =	vadd.s32 v11, v10  }
0xf6: {  	(v2sf) =	vpush v10, $0x0;
	_ =	sdelay $0xe  }
0xf7: {  	s18 =	simm.s32 @p0 $0x0;
	s16 =	smov.u32 @p0 s15;
	s31 =	spop (v2sf)  }
0xf8: {  	s17 =	ssub.s32 s17, s18;
	s18 =	ssub.s32 s31, s16  }
0xf9: {  	v10 =	vadd.s32 $0x1, v8;
	p0 =	slt.s32 s17, s18  }
0xfa: {  	s15 =	simm.s32 $0x0;
	v8 =	vpsel p0, v8, v7;
	v7 =	vpsel p0, v9, v10;
	v9 =	vmov v2  }
.LBB2_13:
0xfb: {  	s16 =	sshra.s32 s15, $0x2  }
0xfc: {  	v10 =	vld [tilespmem:s16+$0x0];
	_ =	sdelay $0x4  }
0xfd: {  	vm0 =	vge.f32 v10, v7;
	vm1 =	vle.f32 v10, v8  }
0xfe: {  	vm0 =	vmand vm0, vm1;
	_ =	sdelay $0x5  }
0xff: {  	[tilespmem:v9+s9+$0x0] =	vst.idx.msk vm0, v10  }
0x100: {  	v10 =	vld [tilespmem:s16+$0x10];
	_ =	sdelay $0x4  }
0x101: {  	vm9 =	vge.f32 v10, v7;
	vm2 =	vle.f32 v10, v8  }
0x102: {  	v11 =	vsel vm0, $0x1, v3;
	vm10 =	vmand vm9, vm2  }
0x103: {  	v9 =	vadd.s32 v11, v9;
	_ =	sdelay $0x4  }
0x104: {  	[tilespmem:v9+s9+$0x0] =	vst.idx.msk vm10, v10  }
0x105: {  	v10 =	vld [tilespmem:s16+$0x20];
	_ =	sdelay $0x4  }
0x106: {  	vm11 =	vge.f32 v10, v7;
	vm12 =	vle.f32 v10, v8  }
0x107: {  	v11 =	vsel vm10, $0x1, v3;
	vm13 =	vmand vm11, vm12  }
0x108: {  	v9 =	vadd.s32 v11, v9;
	_ =	sdelay $0x4  }
0x109: {  	[tilespmem:v9+s9+$0x0] =	vst.idx.msk vm13, v10  }
0x10a: {  	v10 =	vld [tilespmem:s16+$0x30];
	_ =	sdelay $0x4  }
0x10b: {  	vm14 =	vge.f32 v10, v7;
	vm15 =	vle.f32 v10, v8  }
0x10c: {  	v11 =	vsel vm13, $0x1, v3;
	vm4 =	vmand vm14, vm15  }
0x10d: {  	v9 =	vadd.s32 v11, v9;
	_ =	sdelay $0x4  }
0x10e: {  	[tilespmem:v9+s9+$0x0] =	vst.idx.msk vm4, v10  }
0x10f: {  	v10 =	vld [tilespmem:s16+$0x40];
	_ =	sdelay $0x4  }
0x110: {  	vm5 =	vge.f32 v10, v7;
	vm6 =	vle.f32 v10, v8  }
0x111: {  	v11 =	vsel vm4, $0x1, v3;
	vm7 =	vmand vm5, vm6  }
0x112: {  	v9 =	vadd.s32 v11, v9;
	_ =	sdelay $0x4  }
0x113: {  	[tilespmem:v9+s9+$0x0] =	vst.idx.msk vm7, v10  }
0x114: {  	v10 =	vld [tilespmem:s16+$0x50];
	_ =	sdelay $0x4  }
0x115: {  	vm8 =	vge.f32 v10, v7;
	vm9 =	vle.f32 v10, v8  }
0x116: {  	v11 =	vsel vm7, $0x1, v3;
	vm10 =	vmand vm8, vm9  }
0x117: {  	v9 =	vadd.s32 v11, v9;
	_ =	sdelay $0x4  }
0x118: {  	[tilespmem:v9+s9+$0x0] =	vst.idx.msk vm10, v10  }
0x119: {  	v10 =	vld [tilespmem:s16+$0x60];
	_ =	sdelay $0x4  }
0x11a: {  	vm11 =	vge.f32 v10, v7;
	vm12 =	vle.f32 v10, v8  }
0x11b: {  	v11 =	vsel vm10, $0x1, v3;
	vm13 =	vmand vm11, vm12  }
0x11c: {  	v9 =	vadd.s32 v11, v9;
	_ =	sdelay $0x4  }
0x11d: {  	[tilespmem:v9+s9+$0x0] =	vst.idx.msk vm13, v10  }
0x11e: {  	v10 =	vld [tilespmem:s16+$0x70];
	_ =	sdelay $0x4  }
0x11f: {  	vm14 =	vge.f32 v10, v7;
	vm15 =	vle.f32 v10, v8  }
0x120: {  	v11 =	vsel vm13, $0x1, v3;
	vm1 =	vmand vm14, vm15  }
0x121: {  	p1 =	sne.s32 s15, $0x1FE00;
	v9 =	vadd.s32 v11, v9  }
.Ltmp9:
0x122: {  	_ = 	snop;
	(pc) =	sbr.rel @p1 .LBB2_13-.Ltmp9, $3  }
0x123: {  	_ =	sdelay $0x1  }
0x124: {  	v11 =	vsel vm1, $0x1, v3  }
0x125: {  	s15 =	sadd.s32 $0x200, s15;
	[tilespmem:v9+s9+$0x0] =	vst.idx.msk vm1, v10;
	v9 =	vadd.s32 v11, v9  }
0x126: {  	(xrf2) =	vadd.scan.msk.f32 $0xffff, v6;
	_ =	sdelay $0x1  }
0x127: {  	v6 =	vmul.u32 $0xFFFFF7FF, v0;
	_ =	sdelay $0x1  }
0x128: {  	v9 =	vadd.s32 v6, v9  }
0x129: {  	(xrf0) =	vadd.scan.msk.s32 $0xffff, v9;
	_ =	sdelay $0x4  }
0x12a: {  	v10, _, _ =	vpop (xrf2)  }
0x12b: {  	(v2sf) =	vpush v10, $0xF;
	v10, _, _ =	vpop (xrf0)  }
0x12c: {  	(v2sf) =	vpush v10, $0xF  }
0x12d: {  	(v2sf) =	vpush v7, $0x0  }
0x12e: {  	(v2sf) =	vpush v8, $0x0;
	_ =	sdelay $0xb  }
0x12f: {  	s15 =	spop (v2sf)  }
0x130: {  	s16 =	spop (v2sf)  }
0x131: {  	s19 =	spop (v2sf)  }
0x132: {  	p1 =	slt.s32 s16, $0x11;
	s20 =	spop (v2sf)  }
0x133: {  	p2 =	sge.s32 @!p1 s19, s20  }
0x134: {  	s18 =	simm.s32 @p0 $0x0;
	p0 =	por p1, p2  }
.Ltmp10:
0x135: {  	_ = 	snop;
	(pc) =	sbr.rel @!p0 .LBB2_16-.Ltmp10, $2  }
0x136: {  	_ =	sdelay $0x2  }
0x137: {  	s17 =	ssub.s32 s17, s18;
	s18 =	simm.s32 $0x1;
	s19 =	simm.s32 $0x0  }
.Ltmp11:
0x138: {  	(pc) =	sbr.rel .LBB2_29-.Ltmp11, $2  }
0x139: {  	_ =	sdelay $0x2  }
0x13a: {  	s18 =	simm.s32 @p1 $0x1;
	v8 =	vpsel p1, v9, v9;
	s16 =	smov.u32 @p1 s16;
	s17 =	smov.u32 @p1 s17;
	v6 =	vpsel p1, v7, v7  }
.LBB2_18:
0x13b: {  	v13 =	vmov v11;
	v12 =	vmov v11  }
.LBB2_27:
0x13c: {  	v9 =	vadd.s32 v6, v13  }
0x13d: {  	(xrf0) =	vadd.scan.msk.s32 $0xffff, v9;
	_ =	sdelay $0x5  }
0x13e: {  	v11, _, _ =	vpop (xrf0)  }
0x13f: {  	(v2sf) =	vpush v11, $0xF;
	_ =	sdelay $0xe  }
0x140: {  	s20 =	spop (v2sf)  }
0x141: {  	v11 =	vadd.s32 $0x1, v10;
	p2 =	slt.s32 s17, s20  }
0x142: {  	v7 =	vpsel p2, v7, v11  }
0x143: {  	v8 =	vpsel p2, v10, v8;
	(v2sf) =	vpush v7, $0x0  }
0x144: {  	(v2sf) =	vpush v8, $0x0;
	_ =	sdelay $0xb  }
0x145: {  	s16 =	ssub.s32 s16, s20  }
0x146: {  	p0 =	sgt.u32 s19, $0x3E;
	s16 =	smov.u32 @p2 s20  }
0x147: {  	p1 =	slt.s32 @!p0 s16, $0x11;
	s21 =	spop (v2sf)  }
0x148: {  	p1 =	por p0, p1;
	s23 =	spop (v2sf)  }
0x149: {  	p3 =	seq.s32 s18, $0x0;
	s22 =	simm.s32 $0x1;
	p5 =	slt.s32 @!p1 s21, s23  }
0x14a: {  	s22 =	simm.s32 @!p3 $0x0;
	p3 =	por p1, !p5  }
.Ltmp12:
0x14b: {  	_ = 	snop;
	(pc) =	sbr.rel @p3 .LBB2_28-.Ltmp12, $4  }
0x14c: {  	_ = 	snop  }
0x14d: {  	p4 =	seq.s32 s18, $0x2;
	s18 =	simm.s32 $0x1  }
0x14e: {  	s18 =	simm.s32 @!p4 $0x2;
	v10 =	vadd.s32 v6, v12;
	s20 =	simm.s32 @p2 $0x0  }
0x14f: {  	s19 =	sadd.s32 $0x1, s19;
	s18 =	smov.u32 @p2 s22;
	v9 =	vpsel p2, v9, v10;
	s17 =	ssub.s32 s17, s20  }
.LBB2_16:
0x150: {  	v10 =	vadd.f32 v8, v7;
	_ =	sdelay $0x1  }
0x151: {  	p0 =	sne.s32 s18, $0x0;
	v10 =	vmul.f32 $5.000000000e-01, v10  }
.Ltmp13:
0x152: {  	_ = 	snop;
	(pc) =	sbr.rel @!p0 .LBB2_17-.Ltmp13, $4  }
0x153: {  	vm0 =	vgt.s32 v10, v7  }
0x154: {  	v11 =	vadd.s32 $0xFFFFFFFF, v8;
	v10 =	vsel vm0, v10, v7  }
0x155: {  	vm0 =	vlt.s32 v10, v11  }
0x156: {  	v10 =	vsel vm0, v10, v11;
	v11 =	vxor.u32 $0x80000000, v9  }
0x157: {  	(xrf0) =	vmax.scan.msk.u32 $0xffff, v11;
	_ =	sdelay $0x5  }
0x158: {  	v11, _, _ =	vpop (xrf0)  }
0x159: {  	(v2sf) =	vpush v11, $0xF;
	_ =	sdelay $0xe  }
0x15a: {  	s20 =	spop (v2sf)  }
0x15b: {  	s20 =	sadd.s32 $0x80000007, s20  }
0x15c: {  	s21 =	sand.u32 $0x7, s20  }
0x15d: {  	p1 =	slt.s32 s20, $0x1;
	p0 =	sne.s32 s21, $0x0  }
0x15e: {  	s31 =	sshra.s32 s20, $0x1F;
	p0 =	por !p1, !p0;
	p1 =	sne.s32 s18, $0x1  }
.Ltmp14:
0x15f: {  	s21 =	sshrl.u32 s31, $0x1D;
	(pc) =	sbr.rel @p1 .LBB2_24-.Ltmp14, $4  }
0x160: {  	s20 =	sadd.s32 s21, s20;
	s21 =	simm.s32 $0x1;
	p0 =	por !p0, !p0  }
0x161: {  	v11 =	vmul.u32 $0x801, v0;
	s20 =	sshra.s32 s20, $0x3;
	s21 =	simm.s32 @!p0 $0x0  }
0x162: {  	s20 =	ssub.s32 s20, s21  }
0x163: {  	v12 =	vmov v11;
	v13 =	vmov v11;
	s21 =	simm.s32 $0x7;
	p0 =	slt.s32 s20, $0x1  }
.Ltmp15:
0x164: {  	(pc) =	sbr.rel @p0 .LBB2_22-.Ltmp15, $1  }
0x165: {  	_ =	sdelay $0x3  }
.LBB2_23:
0x166: {  	s22 =	sadd.s32 $0xFFFFFFF9, s21  }
0x167: {  	v14 =	vadd.s32 s22, v11;
	_ =	sdelay $0x4  }
0x168: {  	v14 =	vld.idx.msk [tilespmem:v14+s9+$0x0], $0xffff;
	_ =	sdelay $0x4  }
0x169: {  	vm0 =	vgt.s32 v9, s22;
	vm1 =	vle.f32 v14, v10  }
0x16a: {  	vm2 =	vmneg vm1;
	vm1 =	vmand vm0, vm1  }
0x16b: {  	vm0 =	vmand vm0, vm2  }
0x16c: {  	s25 =	sadd.s32 $0xFFFFFFFA, s21  }
0x16d: {  	v15 =	vadd.s32 s25, v11;
	_ =	sdelay $0x2  }
0x16e: {  	[tilespmem:v13+s1+$0x0] =	vst.idx.msk vm1, v14  }
0x16f: {  	[tilespmem:v12+s10+$0x0] =	vst.idx.msk vm0, v14  }
0x170: {  	v14 =	vld.idx.msk [tilespmem:v15+s9+$0x0], $0xffff;
	_ =	sdelay $0x4  }
0x171: {  	vm10 =	vgt.s32 v9, s25;
	vm3 =	vle.f32 v14, v10  }
0x172: {  	v15 =	vsel vm1, $0x1, v3;
	vm11 =	vmneg vm3;
	vm3 =	vmand vm10, vm3  }
0x173: {  	v13 =	vadd.s32 v15, v13;
	v15 =	vsel vm0, $0x1, v3;
	vm12 =	vmand vm10, vm11  }
0x174: {  	s26 =	sadd.s32 $0xFFFFFFFB, s21;
	v12 =	vadd.s32 v15, v12  }
0x175: {  	v15 =	vadd.s32 s26, v11;
	_ =	sdelay $0x2  }
0x176: {  	[tilespmem:v13+s1+$0x0] =	vst.idx.msk vm3, v14  }
0x177: {  	[tilespmem:v12+s10+$0x0] =	vst.idx.msk vm12, v14  }
0x178: {  	v14 =	vld.idx.msk [tilespmem:v15+s9+$0x0], $0xffff;
	_ =	sdelay $0x4  }
0x179: {  	vm13 =	vgt.s32 v9, s26;
	vm14 =	vle.f32 v14, v10  }
0x17a: {  	v15 =	vsel vm3, $0x1, v3;
	vm15 =	vmneg vm14;
	vm2 =	vmand vm13, vm14  }
0x17b: {  	v13 =	vadd.s32 v15, v13;
	v15 =	vsel vm12, $0x1, v3;
	vm6 =	vmand vm13, vm15  }
0x17c: {  	s28 =	sadd.s32 $0xFFFFFFFC, s21;
	v12 =	vadd.s32 v15, v12  }
0x17d: {  	v15 =	vadd.s32 s28, v11;
	_ =	sdelay $0x2  }
0x17e: {  	[tilespmem:v13+s1+$0x0] =	vst.idx.msk vm2, v14  }
0x17f: {  	[tilespmem:v12+s10+$0x0] =	vst.idx.msk vm6, v14  }
0x180: {  	v14 =	vld.idx.msk [tilespmem:v15+s9+$0x0], $0xffff;
	_ =	sdelay $0x4  }
0x181: {  	vm7 =	vgt.s32 v9, s28;
	vm8 =	vle.f32 v14, v10  }
0x182: {  	v15 =	vsel vm2, $0x1, v3;
	vm9 =	vmneg vm8;
	vm3 =	vmand vm7, vm8  }
0x183: {  	v13 =	vadd.s32 v15, v13;
	v15 =	vsel vm6, $0x1, v3;
	vm10 =	vmand vm7, vm9  }
0x184: {  	s29 =	sadd.s32 $0xFFFFFFFD, s21;
	v12 =	vadd.s32 v15, v12  }
0x185: {  	v15 =	vadd.s32 s29, v11;
	_ =	sdelay $0x2  }
0x186: {  	[tilespmem:v13+s1+$0x0] =	vst.idx.msk vm3, v14  }
0x187: {  	[tilespmem:v12+s10+$0x0] =	vst.idx.msk vm10, v14  }
0x188: {  	v14 =	vld.idx.msk [tilespmem:v15+s9+$0x0], $0xffff;
	_ =	sdelay $0x4  }
0x189: {  	vm11 =	vgt.s32 v9, s29;
	vm12 =	vle.f32 v14, v10  }
0x18a: {  	v15 =	vsel vm3, $0x1, v3;
	vm13 =	vmneg vm12;
	vm2 =	vmand vm11, vm12  }
0x18b: {  	v13 =	vadd.s32 v15, v13;
	v15 =	vsel vm10, $0x1, v3;
	vm14 =	vmand vm11, vm13  }
0x18c: {  	s30 =	sadd.s32 $0xFFFFFFFE, s21;
	v12 =	vadd.s32 v15, v12  }
0x18d: {  	v15 =	vadd.s32 s30, v11;
	_ =	sdelay $0x2  }
0x18e: {  	[tilespmem:v13+s1+$0x0] =	vst.idx.msk vm2, v14  }
0x18f: {  	[tilespmem:v12+s10+$0x0] =	vst.idx.msk vm14, v14  }
0x190: {  	v14 =	vld.idx.msk [tilespmem:v15+s9+$0x0], $0xffff;
	_ =	sdelay $0x4  }
0x191: {  	vm15 =	vgt.s32 v9, s30;
	vm6 =	vle.f32 v14, v10  }
0x192: {  	v15 =	vsel vm2, $0x1, v3;
	vm7 =	vmneg vm6;
	vm3 =	vmand vm15, vm6  }
0x193: {  	v13 =	vadd.s32 v15, v13;
	v15 =	vsel vm14, $0x1, v3;
	vm8 =	vmand vm15, vm7  }
0x194: {  	s31 =	sadd.s32 $0xFFFFFFFF, s21;
	v12 =	vadd.s32 v15, v12  }
0x195: {  	v15 =	vadd.s32 s31, v11;
	_ =	sdelay $0x2  }
0x196: {  	[tilespmem:v13+s1+$0x0] =	vst.idx.msk vm3, v14  }
0x197: {  	[tilespmem:v12+s10+$0x0] =	vst.idx.msk vm8, v14  }
0x198: {  	v14 =	vld.idx.msk [tilespmem:v15+s9+$0x0], $0xffff;
	_ =	sdelay $0x4  }
0x199: {  	vm9 =	vgt.s32 v9, s31;
	vm10 =	vle.f32 v14, v10  }
0x19a: {  	v15 =	vsel vm3, $0x1, v3;
	vm11 =	vmneg vm10;
	vm2 =	vmand vm9, vm10  }
0x19b: {  	v13 =	vadd.s32 v15, v13;
	v15 =	vsel vm8, $0x1, v3;
	vm12 =	vmand vm9, vm11  }
0x19c: {  	v12 =	vadd.s32 v15, v12  }
0x19d: {  	v15 =	vadd.s32 s21, v11;
	_ =	sdelay $0x2  }
0x19e: {  	[tilespmem:v13+s1+$0x0] =	vst.idx.msk vm2, v14  }
0x19f: {  	[tilespmem:v12+s10+$0x0] =	vst.idx.msk vm12, v14  }
0x1a0: {  	v14 =	vld.idx.msk [tilespmem:v15+s9+$0x0], $0xffff;
	_ =	sdelay $0x4  }
0x1a1: {  	vm13 =	vgt.s32 v9, s21;
	vm14 =	vle.f32 v14, v10  }
0x1a2: {  	v15 =	vsel vm2, $0x1, v3;
	vm15 =	vmneg vm14;
	vm3 =	vmand vm13, vm14  }
0x1a3: {  	v13 =	vadd.s32 v15, v13;
	v15 =	vsel vm12, $0x1, v3;
	vm1 =	vmand vm13, vm15  }
0x1a4: {  	p0 =	seq.s32 s20, $0x1;
	v12 =	vadd.s32 v15, v12  }
.Ltmp16:
0x1a5: {  	_ = 	snop;
	(pc) =	sbr.rel @!p0 .LBB2_23-.Ltmp16, $3  }
0x1a6: {  	_ =	sdelay $0x1  }
0x1a7: {  	v15 =	vsel vm3, $0x1, v3;
	v16 =	vsel vm1, $0x1, v3;
	[tilespmem:v13+s1+$0x0] =	vst.idx.msk vm3, v14  }
0x1a8: {  	s20 =	sadd.s32 $0xFFFFFFFF, s20;
	s21 =	sadd.s32 $0x8, s21;
	v13 =	vadd.s32 v15, v13;
	[tilespmem:v12+s10+$0x0] =	vst.idx.msk vm1, v14;
	v12 =	vadd.s32 v16, v12  }
.Ltmp17:
0x1a9: {  	_ = 	snop;
	(pc) =	sbr.rel .LBB2_27-.Ltmp17, $1  }
0x1aa: {  	_ =	sdelay $0x3  }
.LBB2_17:
0x1ab: {  	(xrf0) =	vmax.scan.msk.u32 $0xffff, v11;
	_ =	sdelay $0x5  }
0x1ac: {  	v11, _, _ =	vpop (xrf0)  }
0x1ad: {  	(v2sf) =	vpush v11, $0xF;
	_ =	sdelay $0xe  }
0x1ae: {  	s20 =	spop (v2sf)  }
0x1af: {  	s20 =	sadd.s32 $0x80000007, s20  }
0x1b0: {  	s21 =	sand.u32 $0x7, s20  }
0x1b1: {  	s31 =	sshra.s32 s20, $0x1F;
	p1 =	slt.s32 s20, $0x1;
	p0 =	sne.s32 s21, $0x0  }
0x1b2: {  	s21 =	sshrl.u32 s31, $0x1D;
	p0 =	por !p1, !p0  }
0x1b3: {  	s20 =	sadd.s32 s21, s20;
	s21 =	simm.s32 $0x1;
	p0 =	por !p0, !p0  }
0x1b4: {  	s20 =	sshra.s32 s20, $0x3;
	s21 =	simm.s32 @!p0 $0x0  }
0x1b5: {  	s20 =	ssub.s32 s20, s21  }
0x1b6: {  	p0 =	slt.s32 s20, $0x1  }
.Ltmp18:
0x1b7: {  	_ = 	snop;
	(pc) =	sbr.rel @p0 .LBB2_18-.Ltmp18, $3  }
0x1b8: {  	_ = 	snop  }
0x1b9: {  	v11 =	vmul.u32 $0x801, v0;
	_ =	sdelay $0x1  }
0x1ba: {  	v12 =	vmov v11;
	v13 =	vmov v11;
	s21 =	simm.s32 $0x7  }
.LBB2_19:
0x1bb: {  	s22 =	sadd.s32 $0xFFFFFFF9, s21  }
0x1bc: {  	v14 =	vadd.s32 s22, v11;
	_ =	sdelay $0x4  }
0x1bd: {  	v14 =	vld.idx.msk [tilespmem:v14+s1+$0x0], $0xffff;
	_ =	sdelay $0x4  }
0x1be: {  	vm0 =	vgt.s32 v9, s22;
	vm1 =	vle.f32 v14, v10  }
0x1bf: {  	vm2 =	vmneg vm1;
	vm1 =	vmand vm0, vm1  }
0x1c0: {  	vm0 =	vmand vm0, vm2  }
0x1c1: {  	s25 =	sadd.s32 $0xFFFFFFFA, s21  }
0x1c2: {  	v15 =	vadd.s32 s25, v11;
	_ =	sdelay $0x2  }
0x1c3: {  	[tilespmem:v13+s9+$0x0] =	vst.idx.msk vm1, v14  }
0x1c4: {  	[tilespmem:v12+s10+$0x0] =	vst.idx.msk vm0, v14  }
0x1c5: {  	v14 =	vld.idx.msk [tilespmem:v15+s1+$0x0], $0xffff;
	_ =	sdelay $0x4  }
0x1c6: {  	vm10 =	vgt.s32 v9, s25;
	vm3 =	vle.f32 v14, v10  }
0x1c7: {  	v15 =	vsel vm1, $0x1, v3;
	vm11 =	vmneg vm3;
	vm3 =	vmand vm10, vm3  }
0x1c8: {  	v13 =	vadd.s32 v15, v13;
	v15 =	vsel vm0, $0x1, v3;
	vm12 =	vmand vm10, vm11  }
0x1c9: {  	s26 =	sadd.s32 $0xFFFFFFFB, s21;
	v12 =	vadd.s32 v15, v12  }
0x1ca: {  	v15 =	vadd.s32 s26, v11;
	_ =	sdelay $0x2  }
0x1cb: {  	[tilespmem:v13+s9+$0x0] =	vst.idx.msk vm3, v14  }
0x1cc: {  	[tilespmem:v12+s10+$0x0] =	vst.idx.msk vm12, v14  }
0x1cd: {  	v14 =	vld.idx.msk [tilespmem:v15+s1+$0x0], $0xffff;
	_ =	sdelay $0x4  }
0x1ce: {  	vm13 =	vgt.s32 v9, s26;
	vm14 =	vle.f32 v14, v10  }
0x1cf: {  	v15 =	vsel vm3, $0x1, v3;
	vm15 =	vmneg vm14;
	vm2 =	vmand vm13, vm14  }
0x1d0: {  	v13 =	vadd.s32 v15, v13;
	v15 =	vsel vm12, $0x1, v3;
	vm6 =	vmand vm13, vm15  }
0x1d1: {  	s28 =	sadd.s32 $0xFFFFFFFC, s21;
	v12 =	vadd.s32 v15, v12  }
0x1d2: {  	v15 =	vadd.s32 s28, v11;
	_ =	sdelay $0x2  }
0x1d3: {  	[tilespmem:v13+s9+$0x0] =	vst.idx.msk vm2, v14  }
0x1d4: {  	[tilespmem:v12+s10+$0x0] =	vst.idx.msk vm6, v14  }
0x1d5: {  	v14 =	vld.idx.msk [tilespmem:v15+s1+$0x0], $0xffff;
	_ =	sdelay $0x4  }
0x1d6: {  	vm7 =	vgt.s32 v9, s28;
	vm8 =	vle.f32 v14, v10  }
0x1d7: {  	v15 =	vsel vm2, $0x1, v3;
	vm9 =	vmneg vm8;
	vm3 =	vmand vm7, vm8  }
0x1d8: {  	v13 =	vadd.s32 v15, v13;
	v15 =	vsel vm6, $0x1, v3;
	vm10 =	vmand vm7, vm9  }
0x1d9: {  	s29 =	sadd.s32 $0xFFFFFFFD, s21;
	v12 =	vadd.s32 v15, v12  }
0x1da: {  	v15 =	vadd.s32 s29, v11;
	_ =	sdelay $0x2  }
0x1db: {  	[tilespmem:v13+s9+$0x0] =	vst.idx.msk vm3, v14  }
0x1dc: {  	[tilespmem:v12+s10+$0x0] =	vst.idx.msk vm10, v14  }
0x1dd: {  	v14 =	vld.idx.msk [tilespmem:v15+s1+$0x0], $0xffff;
	_ =	sdelay $0x4  }
0x1de: {  	vm11 =	vgt.s32 v9, s29;
	vm12 =	vle.f32 v14, v10  }
0x1df: {  	v15 =	vsel vm3, $0x1, v3;
	vm13 =	vmneg vm12;
	vm2 =	vmand vm11, vm12  }
0x1e0: {  	v13 =	vadd.s32 v15, v13;
	v15 =	vsel vm10, $0x1, v3;
	vm14 =	vmand vm11, vm13  }
0x1e1: {  	s30 =	sadd.s32 $0xFFFFFFFE, s21;
	v12 =	vadd.s32 v15, v12  }
0x1e2: {  	v15 =	vadd.s32 s30, v11;
	_ =	sdelay $0x2  }
0x1e3: {  	[tilespmem:v13+s9+$0x0] =	vst.idx.msk vm2, v14  }
0x1e4: {  	[tilespmem:v12+s10+$0x0] =	vst.idx.msk vm14, v14  }
0x1e5: {  	v14 =	vld.idx.msk [tilespmem:v15+s1+$0x0], $0xffff;
	_ =	sdelay $0x4  }
0x1e6: {  	vm15 =	vgt.s32 v9, s30;
	vm6 =	vle.f32 v14, v10  }
0x1e7: {  	v15 =	vsel vm2, $0x1, v3;
	vm7 =	vmneg vm6;
	vm3 =	vmand vm15, vm6  }
0x1e8: {  	v13 =	vadd.s32 v15, v13;
	v15 =	vsel vm14, $0x1, v3;
	vm8 =	vmand vm15, vm7  }
0x1e9: {  	s31 =	sadd.s32 $0xFFFFFFFF, s21;
	v12 =	vadd.s32 v15, v12  }
0x1ea: {  	v15 =	vadd.s32 s31, v11;
	_ =	sdelay $0x2  }
0x1eb: {  	[tilespmem:v13+s9+$0x0] =	vst.idx.msk vm3, v14  }
0x1ec: {  	[tilespmem:v12+s10+$0x0] =	vst.idx.msk vm8, v14  }
0x1ed: {  	v14 =	vld.idx.msk [tilespmem:v15+s1+$0x0], $0xffff;
	_ =	sdelay $0x4  }
0x1ee: {  	vm9 =	vgt.s32 v9, s31;
	vm10 =	vle.f32 v14, v10  }
0x1ef: {  	v15 =	vsel vm3, $0x1, v3;
	vm11 =	vmneg vm10;
	vm2 =	vmand vm9, vm10  }
0x1f0: {  	v13 =	vadd.s32 v15, v13;
	v15 =	vsel vm8, $0x1, v3;
	vm12 =	vmand vm9, vm11  }
0x1f1: {  	v12 =	vadd.s32 v15, v12  }
0x1f2: {  	v15 =	vadd.s32 s21, v11;
	_ =	sdelay $0x2  }
0x1f3: {  	[tilespmem:v13+s9+$0x0] =	vst.idx.msk vm2, v14  }
0x1f4: {  	[tilespmem:v12+s10+$0x0] =	vst.idx.msk vm12, v14  }
0x1f5: {  	v14 =	vld.idx.msk [tilespmem:v15+s1+$0x0], $0xffff;
	_ =	sdelay $0x4  }
0x1f6: {  	vm13 =	vgt.s32 v9, s21;
	vm14 =	vle.f32 v14, v10  }
0x1f7: {  	v15 =	vsel vm2, $0x1, v3;
	vm15 =	vmneg vm14;
	vm3 =	vmand vm13, vm14  }
0x1f8: {  	v13 =	vadd.s32 v15, v13;
	v15 =	vsel vm12, $0x1, v3;
	vm1 =	vmand vm13, vm15  }
0x1f9: {  	p0 =	seq.s32 s20, $0x1;
	v12 =	vadd.s32 v15, v12  }
.Ltmp19:
0x1fa: {  	_ = 	snop;
	(pc) =	sbr.rel @!p0 .LBB2_19-.Ltmp19, $3  }
0x1fb: {  	_ =	sdelay $0x1  }
0x1fc: {  	v15 =	vsel vm3, $0x1, v3;
	v16 =	vsel vm1, $0x1, v3;
	[tilespmem:v13+s9+$0x0] =	vst.idx.msk vm3, v14  }
0x1fd: {  	s20 =	sadd.s32 $0xFFFFFFFF, s20;
	s21 =	sadd.s32 $0x8, s21;
	v13 =	vadd.s32 v15, v13;
	[tilespmem:v12+s10+$0x0] =	vst.idx.msk vm1, v14;
	v12 =	vadd.s32 v16, v12  }
.Ltmp20:
0x1fe: {  	_ = 	snop;
	(pc) =	sbr.rel .LBB2_27-.Ltmp20, $1  }
0x1ff: {  	_ =	sdelay $0x3  }
.LBB2_24:
.Ltmp21:
0x200: {  	(pc) =	sbr.rel @p0 .LBB2_25-.Ltmp21, $1  }
0x201: {  	_ =	sdelay $0x3  }
.LBB2_26:
0x202: {  	s22 =	sadd.s32 $0xFFFFFFF9, s21  }
0x203: {  	v14 =	vadd.s32 s22, v11;
	_ =	sdelay $0x4  }
0x204: {  	v14 =	vld.idx.msk [tilespmem:v14+s10+$0x0], $0xffff;
	_ =	sdelay $0x4  }
0x205: {  	vm0 =	vgt.s32 v9, s22;
	vm1 =	vle.f32 v14, v10  }
0x206: {  	vm2 =	vmneg vm1;
	vm1 =	vmand vm0, vm1  }
0x207: {  	vm0 =	vmand vm0, vm2  }
0x208: {  	s25 =	sadd.s32 $0xFFFFFFFA, s21  }
0x209: {  	v15 =	vadd.s32 s25, v11;
	_ =	sdelay $0x2  }
0x20a: {  	[tilespmem:v13+s1+$0x0] =	vst.idx.msk vm1, v14  }
0x20b: {  	[tilespmem:v12+s9+$0x0] =	vst.idx.msk vm0, v14  }
0x20c: {  	v14 =	vld.idx.msk [tilespmem:v15+s10+$0x0], $0xffff;
	_ =	sdelay $0x4  }
0x20d: {  	vm10 =	vgt.s32 v9, s25;
	vm3 =	vle.f32 v14, v10  }
0x20e: {  	v15 =	vsel vm1, $0x1, v3;
	vm11 =	vmneg vm3;
	vm3 =	vmand vm10, vm3  }
0x20f: {  	v13 =	vadd.s32 v15, v13;
	v15 =	vsel vm0, $0x1, v3;
	vm12 =	vmand vm10, vm11  }
0x210: {  	s26 =	sadd.s32 $0xFFFFFFFB, s21;
	v12 =	vadd.s32 v15, v12  }
0x211: {  	v15 =	vadd.s32 s26, v11;
	_ =	sdelay $0x2  }
0x212: {  	[tilespmem:v13+s1+$0x0] =	vst.idx.msk vm3, v14  }
0x213: {  	[tilespmem:v12+s9+$0x0] =	vst.idx.msk vm12, v14  }
0x214: {  	v14 =	vld.idx.msk [tilespmem:v15+s10+$0x0], $0xffff;
	_ =	sdelay $0x4  }
0x215: {  	vm13 =	vgt.s32 v9, s26;
	vm14 =	vle.f32 v14, v10  }
0x216: {  	v15 =	vsel vm3, $0x1, v3;
	vm15 =	vmneg vm14;
	vm2 =	vmand vm13, vm14  }
0x217: {  	v13 =	vadd.s32 v15, v13;
	v15 =	vsel vm12, $0x1, v3;
	vm6 =	vmand vm13, vm15  }
0x218: {  	s28 =	sadd.s32 $0xFFFFFFFC, s21;
	v12 =	vadd.s32 v15, v12  }
0x219: {  	v15 =	vadd.s32 s28, v11;
	_ =	sdelay $0x2  }
0x21a: {  	[tilespmem:v13+s1+$0x0] =	vst.idx.msk vm2, v14  }
0x21b: {  	[tilespmem:v12+s9+$0x0] =	vst.idx.msk vm6, v14  }
0x21c: {  	v14 =	vld.idx.msk [tilespmem:v15+s10+$0x0], $0xffff;
	_ =	sdelay $0x4  }
0x21d: {  	vm7 =	vgt.s32 v9, s28;
	vm8 =	vle.f32 v14, v10  }
0x21e: {  	v15 =	vsel vm2, $0x1, v3;
	vm9 =	vmneg vm8;
	vm3 =	vmand vm7, vm8  }
0x21f: {  	v13 =	vadd.s32 v15, v13;
	v15 =	vsel vm6, $0x1, v3;
	vm10 =	vmand vm7, vm9  }
0x220: {  	s29 =	sadd.s32 $0xFFFFFFFD, s21;
	v12 =	vadd.s32 v15, v12  }
0x221: {  	v15 =	vadd.s32 s29, v11;
	_ =	sdelay $0x2  }
0x222: {  	[tilespmem:v13+s1+$0x0] =	vst.idx.msk vm3, v14  }
0x223: {  	[tilespmem:v12+s9+$0x0] =	vst.idx.msk vm10, v14  }
0x224: {  	v14 =	vld.idx.msk [tilespmem:v15+s10+$0x0], $0xffff;
	_ =	sdelay $0x4  }
0x225: {  	vm11 =	vgt.s32 v9, s29;
	vm12 =	vle.f32 v14, v10  }
0x226: {  	v15 =	vsel vm3, $0x1, v3;
	vm13 =	vmneg vm12;
	vm2 =	vmand vm11, vm12  }
0x227: {  	v13 =	vadd.s32 v15, v13;
	v15 =	vsel vm10, $0x1, v3;
	vm14 =	vmand vm11, vm13  }
0x228: {  	s30 =	sadd.s32 $0xFFFFFFFE, s21;
	v12 =	vadd.s32 v15, v12  }
0x229: {  	v15 =	vadd.s32 s30, v11;
	_ =	sdelay $0x2  }
0x22a: {  	[tilespmem:v13+s1+$0x0] =	vst.idx.msk vm2, v14  }
0x22b: {  	[tilespmem:v12+s9+$0x0] =	vst.idx.msk vm14, v14  }
0x22c: {  	v14 =	vld.idx.msk [tilespmem:v15+s10+$0x0], $0xffff;
	_ =	sdelay $0x4  }
0x22d: {  	vm15 =	vgt.s32 v9, s30;
	vm6 =	vle.f32 v14, v10  }
0x22e: {  	v15 =	vsel vm2, $0x1, v3;
	vm7 =	vmneg vm6;
	vm3 =	vmand vm15, vm6  }
0x22f: {  	v13 =	vadd.s32 v15, v13;
	v15 =	vsel vm14, $0x1, v3;
	vm8 =	vmand vm15, vm7  }
0x230: {  	s31 =	sadd.s32 $0xFFFFFFFF, s21;
	v12 =	vadd.s32 v15, v12  }
0x231: {  	v15 =	vadd.s32 s31, v11;
	_ =	sdelay $0x2  }
0x232: {  	[tilespmem:v13+s1+$0x0] =	vst.idx.msk vm3, v14  }
0x233: {  	[tilespmem:v12+s9+$0x0] =	vst.idx.msk vm8, v14  }
0x234: {  	v14 =	vld.idx.msk [tilespmem:v15+s10+$0x0], $0xffff;
	_ =	sdelay $0x4  }
0x235: {  	vm9 =	vgt.s32 v9, s31;
	vm10 =	vle.f32 v14, v10  }
0x236: {  	v15 =	vsel vm3, $0x1, v3;
	vm11 =	vmneg vm10;
	vm2 =	vmand vm9, vm10  }
0x237: {  	v13 =	vadd.s32 v15, v13;
	v15 =	vsel vm8, $0x1, v3;
	vm12 =	vmand vm9, vm11  }
0x238: {  	v12 =	vadd.s32 v15, v12  }
0x239: {  	v15 =	vadd.s32 s21, v11;
	_ =	sdelay $0x2  }
0x23a: {  	[tilespmem:v13+s1+$0x0] =	vst.idx.msk vm2, v14  }
0x23b: {  	[tilespmem:v12+s9+$0x0] =	vst.idx.msk vm12, v14  }
0x23c: {  	v14 =	vld.idx.msk [tilespmem:v15+s10+$0x0], $0xffff;
	_ =	sdelay $0x4  }
0x23d: {  	vm13 =	vgt.s32 v9, s21;
	vm14 =	vle.f32 v14, v10  }
0x23e: {  	v15 =	vsel vm2, $0x1, v3;
	vm15 =	vmneg vm14;
	vm3 =	vmand vm13, vm14  }
0x23f: {  	v13 =	vadd.s32 v15, v13;
	v15 =	vsel vm12, $0x1, v3;
	vm1 =	vmand vm13, vm15  }
0x240: {  	p0 =	sne.s32 s20, $0x1;
	v12 =	vadd.s32 v15, v12  }
.Ltmp22:
0x241: {  	_ = 	snop;
	(pc) =	sbr.rel @p0 .LBB2_26-.Ltmp22, $3  }
0x242: {  	_ =	sdelay $0x1  }
0x243: {  	v15 =	vsel vm3, $0x1, v3;
	v16 =	vsel vm1, $0x1, v3;
	[tilespmem:v13+s1+$0x0] =	vst.idx.msk vm3, v14  }
0x244: {  	s20 =	sadd.s32 $0xFFFFFFFF, s20;
	s21 =	sadd.s32 $0x8, s21;
	v13 =	vadd.s32 v15, v13;
	[tilespmem:v12+s9+$0x0] =	vst.idx.msk vm1, v14;
	v12 =	vadd.s32 v16, v12  }
.Ltmp23:
0x245: {  	_ = 	snop;
	(pc) =	sbr.rel .LBB2_27-.Ltmp23, $1  }
0x246: {  	_ =	sdelay $0x3  }
.LBB2_22:
.Ltmp24:
0x247: {  	(pc) =	sbr.rel .LBB2_27-.Ltmp24, $2  }
0x248: {  	_ =	sdelay $0x2  }
0x249: {  	v13 =	vmov v11;
	v12 =	vmov v11  }
.LBB2_25:
.Ltmp25:
0x24a: {  	(pc) =	sbr.rel .LBB2_27-.Ltmp25, $2  }
0x24b: {  	_ =	sdelay $0x2  }
0x24c: {  	v13 =	vmov v11;
	v12 =	vmov v11  }
.LBB2_28:
0x24d: {  	s19 =	smov.u32 s18;
	s20 =	smov.u32 s16;
	s21 =	smov.u32 s17  }
0x24e: {  	v6 =	vpsel p0, v9, v9;
	v10 =	vpsel p0, v7, v7;
	s19 =	smov.u32 @p0 s18;
	s20 =	smov.u32 @p0 s16;
	s21 =	smov.u32 @p0 s17  }
0x24f: {  	v8 =	vpsel p1, v6, v9;
	v6 =	vpsel p1, v10, v7;
	s18 =	smov.u32 @p1 s19;
	s16 =	smov.u32 @p1 s20;
	s17 =	smov.u32 @p1 s21  }
.LBB2_29:
0x250: {  	p0 =	sgt.s32 s16, $0x10  }
.Ltmp26:
0x251: {  	_ = 	snop;
	(pc) =	sbr.rel @p0 .LBB2_31-.Ltmp26, $2  }
0x252: {  	_ =	sdelay $0x2  }
0x253: {  	s19 =	simm.f32 $0.0e+00  }
0x254: {  	vm0 =	vgt.s32 v8, $0x0  }
0x255: {  	v7 =	vmpcnt.ones.xlane vm0  }
0x256: {  	p0 =	seq.s32 s18, $0x0;
	v9 =	vmul.u32 $0x801, v0  }
0x257: {  	p1 =	sne.s32 @!p0 s18, $0x1;
	(v2sf) =	vpush v7, $0x0  }
0x258: {  	p1 =	por !p1, p0  }
0x259: {  	vm1 =	vgt.s32 v8, $0x1;
	s18 =	simm.s32 @!p1 $0x10100  }
0x25a: {  	v7 =	vmpcnt.ones.xlane vm1;
	s18 =	simm.s32 @p1 $0x8080  }
0x25b: {  	s18 =	simm.s32 @p0 $0x0  }
0x25c: {  	(v2sf) =	vpush v7, $0x0;
	v10 =	vld.idx.msk [tilespmem:v9+s18+$0x0], $0xffff  }
0x25d: {  	v7 =	vadd.s32 $0x1, v9;
	_ =	sdelay $0x1  }
0x25e: {  	vm2 =	vgt.s32 v8, $0x2  }
0x25f: {  	v11 =	vmpcnt.ones.xlane vm2  }
0x260: {  	[tilespmem:s11+$0x0] =	vst.msk vm0, v10  }
0x261: {  	(v2sf) =	vpush v11, $0x0;
	v7 =	vld.idx.msk [tilespmem:v7+s18+$0x0], $0xffff  }
0x262: {  	v39 =	vadd.s32 $0x2, v9;
	_ =	sdelay $0x1  }
0x263: {  	vm13 =	vgt.s32 v8, $0x3  }
0x264: {  	v40 =	vmpcnt.ones.xlane vm13;
	s19 =	spop (v2sf)  }
0x265: {  	[tilespmem:s19+$0x18180] =	vst.msk vm1, v7  }
0x266: {  	(v2sf) =	vpush v40, $0x0;
	v7 =	vld.idx.msk [tilespmem:v39+s18+$0x0], $0xffff  }
0x267: {  	v41 =	vadd.s32 $0x3, v9;
	_ =	sdelay $0x1  }
0x268: {  	vm14 =	vgt.s32 v8, $0x4;
	s19 =	sadd.s32 $0x18180, s19;
	s20 =	spop (v2sf)  }
0x269: {  	v42 =	vmpcnt.ones.xlane vm14;
	s19 =	sadd.s32 s20, s19  }
0x26a: {  	[tilespmem:s19+$0x0] =	vst.msk vm2, v7  }
0x26b: {  	(v2sf) =	vpush v42, $0x0;
	v7 =	vld.idx.msk [tilespmem:v41+s18+$0x0], $0xffff  }
0x26c: {  	v43 =	vadd.s32 $0x4, v9;
	_ =	sdelay $0x1  }
0x26d: {  	vm15 =	vgt.s32 v8, $0x5;
	s29 =	spop (v2sf)  }
0x26e: {  	v44 =	vmpcnt.ones.xlane vm15;
	s19 =	sadd.s32 s29, s19  }
0x26f: {  	[tilespmem:s19+$0x0] =	vst.msk vm13, v7  }
0x270: {  	(v2sf) =	vpush v44, $0x0;
	v7 =	vld.idx.msk [tilespmem:v43+s18+$0x0], $0xffff  }
0x271: {  	v45 =	vadd.s32 $0x5, v9;
	_ =	sdelay $0x1  }
0x272: {  	vm4 =	vgt.s32 v8, $0x6;
	s30 =	spop (v2sf)  }
0x273: {  	v46 =	vmpcnt.ones.xlane vm4;
	s19 =	sadd.s32 s30, s19  }
0x274: {  	[tilespmem:s19+$0x0] =	vst.msk vm14, v7  }
0x275: {  	(v2sf) =	vpush v46, $0x0;
	v7 =	vld.idx.msk [tilespmem:v45+s18+$0x0], $0xffff  }
0x276: {  	v47 =	vadd.s32 $0x6, v9;
	_ =	sdelay $0x1  }
0x277: {  	vm5 =	vgt.s32 v8, $0x7;
	s31 =	spop (v2sf)  }
0x278: {  	v48 =	vmpcnt.ones.xlane vm5;
	s19 =	sadd.s32 s31, s19  }
0x279: {  	[tilespmem:s19+$0x0] =	vst.msk vm15, v7  }
0x27a: {  	(v2sf) =	vpush v48, $0x0;
	v7 =	vld.idx.msk [tilespmem:v47+s18+$0x0], $0xffff  }
0x27b: {  	v49 =	vadd.s32 $0x7, v9;
	_ =	sdelay $0x1  }
0x27c: {  	vm6 =	vgt.s32 v8, $0x8;
	s21 =	spop (v2sf)  }
0x27d: {  	v50 =	vmpcnt.ones.xlane vm6;
	s19 =	sadd.s32 s21, s19  }
0x27e: {  	[tilespmem:s19+$0x0] =	vst.msk vm4, v7  }
0x27f: {  	(v2sf) =	vpush v50, $0x0;
	v7 =	vld.idx.msk [tilespmem:v49+s18+$0x0], $0xffff  }
0x280: {  	v51 =	vadd.s32 $0x8, v9;
	_ =	sdelay $0x1  }
0x281: {  	vm7 =	vgt.s32 v8, $0x9;
	s22 =	spop (v2sf)  }
0x282: {  	v52 =	vmpcnt.ones.xlane vm7;
	s19 =	sadd.s32 s22, s19  }
0x283: {  	[tilespmem:s19+$0x0] =	vst.msk vm5, v7  }
0x284: {  	(v2sf) =	vpush v52, $0x0;
	v7 =	vld.idx.msk [tilespmem:v51+s18+$0x0], $0xffff  }
0x285: {  	v53 =	vadd.s32 $0x9, v9;
	_ =	sdelay $0x1  }
0x286: {  	vm8 =	vgt.s32 v8, $0xA;
	s23 =	spop (v2sf)  }
0x287: {  	v54 =	vmpcnt.ones.xlane vm8;
	s19 =	sadd.s32 s23, s19  }
0x288: {  	[tilespmem:s19+$0x0] =	vst.msk vm6, v7  }
0x289: {  	(v2sf) =	vpush v54, $0x0;
	v7 =	vld.idx.msk [tilespmem:v53+s18+$0x0], $0xffff  }
0x28a: {  	v55 =	vadd.s32 $0xA, v9;
	_ =	sdelay $0x1  }
0x28b: {  	vm9 =	vgt.s32 v8, $0xB;
	s24 =	spop (v2sf)  }
0x28c: {  	v56 =	vmpcnt.ones.xlane vm9;
	s19 =	sadd.s32 s24, s19  }
0x28d: {  	[tilespmem:s19+$0x0] =	vst.msk vm7, v7  }
0x28e: {  	(v2sf) =	vpush v56, $0x0;
	v7 =	vld.idx.msk [tilespmem:v55+s18+$0x0], $0xffff  }
0x28f: {  	v57 =	vadd.s32 $0xB, v9;
	_ =	sdelay $0x1  }
0x290: {  	vm10 =	vgt.s32 v8, $0xC;
	s25 =	spop (v2sf)  }
0x291: {  	v58 =	vmpcnt.ones.xlane vm10;
	s19 =	sadd.s32 s25, s19  }
0x292: {  	[tilespmem:s19+$0x0] =	vst.msk vm8, v7  }
0x293: {  	(v2sf) =	vpush v58, $0x0;
	v7 =	vld.idx.msk [tilespmem:v57+s18+$0x0], $0xffff  }
0x294: {  	v59 =	vadd.s32 $0xC, v9;
	_ =	sdelay $0x1  }
0x295: {  	vm11 =	vgt.s32 v8, $0xD;
	s26 =	spop (v2sf)  }
0x296: {  	v60 =	vmpcnt.ones.xlane vm11;
	s19 =	sadd.s32 s26, s19  }
0x297: {  	[tilespmem:s19+$0x0] =	vst.msk vm9, v7  }
0x298: {  	(v2sf) =	vpush v60, $0x0;
	v7 =	vld.idx.msk [tilespmem:v59+s18+$0x0], $0xffff  }
0x299: {  	v61 =	vadd.s32 $0xD, v9;
	_ =	sdelay $0x1  }
0x29a: {  	vm12 =	vgt.s32 v8, $0xE;
	s28 =	spop (v2sf)  }
0x29b: {  	v62 =	vmpcnt.ones.xlane vm12;
	s19 =	sadd.s32 s28, s19  }
0x29c: {  	[tilespmem:s19+$0x0] =	vst.msk vm10, v7  }
0x29d: {  	(v2sf) =	vpush v62, $0x0;
	v7 =	vld.idx.msk [tilespmem:v61+s18+$0x0], $0xffff  }
0x29e: {  	v63 =	vadd.s32 $0xE, v9;
	_ =	sdelay $0x1  }
0x29f: {  	s29 =	spop (v2sf)  }
0x2a0: {  	s19 =	sadd.s32 s29, s19  }
0x2a1: {  	[tilespmem:s19+$0x0] =	vst.msk vm11, v7  }
0x2a2: {  	v7 =	vld.idx.msk [tilespmem:v63+s18+$0x0], $0xffff  }
0x2a3: {  	v9 =	vadd.s32 $0xF, v9;
	_ =	sdelay $0x1  }
0x2a4: {  	s30 =	spop (v2sf)  }
0x2a5: {  	s19 =	sadd.s32 s30, s19  }
0x2a6: {  	[tilespmem:s19+$0x0] =	vst.msk vm12, v7  }
0x2a7: {  	v7 =	vld.idx.msk [tilespmem:v9+s18+$0x0], $0xffff;
	_ =	sdelay $0x2  }
0x2a8: {  	s31 =	spop (v2sf)  }
0x2a9: {  	vm13 =	vgt.s32 v8, $0xF;
	s18 =	sadd.s32 s31, s19  }
0x2aa: {  	[tilespmem:s18+$0x0] =	vst.msk vm13, v7  }
0x2ab: {  	v7 =	vld [tilespmem:$0x18180];
	_ =	sdelay $0x2  }
0x2ac: {  	v8 =	vmov s16  }
0x2ad: {  	vm14 =	vgt.s32 v8, v0  }
0x2ae: {  	(xrf1) =	vsort.ascd.msk.f32 vm14, v7, v7;
	_ =	sdelay $0xc  }
0x2af: {  	v7 =	vmov s17  }
0x2b0: {  	vm15 =	veq.s32 v7, v0;
	v8, _, _ =	vpop (xrf1)  }
0x2b1: {  	v7 =	vnsel vm15, $0x0, v8  }
0x2b2: {  	(xrf2) =	vadd.scan.msk.f32 $0xffff, v7;
	_ =	sdelay $0x9  }
0x2b3: {  	v7, _, _ =	vpop (xrf2)  }
0x2b4: {  	(v2sf) =	vpush v7, $0xF;
	_ =	sdelay $0xa  }
.Ltmp27:
0x2b5: {  	_ = 	snop;
	(pc) =	sbr.rel .LBB2_31-.Ltmp27, $2  }
0x2b6: {  	_ =	sdelay $0x2  }
0x2b7: {  	s19 =	spop (v2sf)  }
.LBB2_33:
0x2b8: {  	_ =	sfence.sel $0x180000  }
0x2b9: {  	[bflag:$0x0] =	sbarrier.arrive $0xFFFF  }
0x2ba: {  	p0 =	sne.s32 s2, $0x0;
	_ =	strace $0x90000047  }
0x2bb: {  	s0 =	sadd.s32 @!p0 $0x100000, s0;
	[bflag:$0x2] =	sbarrier.arrive $0xFFFF  }
0x2bc: {  	[sflag:s0] =	ssyncadd.tile.s32 @!p0 $0x1;
	_ =	shalt  }
.Lfunc_end2:
_tile_overlayer_lowered:
.L_overlay_start_2:
0x2bd: {  	(tag) =	ssettag $0x2  }
0x2be: {  	s0 =	rddreg [dreg:$0x0];
	s2 =	stileid.u32  }
0x2bf: {  	s1 =	rddreg [dreg:$0x1];
	p0 =	sne.s32 s2, $0x0  }
0x2c0: {  	s3 =	rddreg [dreg:$0x2];
	[bflag:$0x3] =	sbarrier.arrive $0xFFFF;
	s2 =	simm.s32 @!p0 $0x1C01  }
0x2c1: {  	[timem:s3], [sflag:s2] =	dma.local @!p0 [hbm:s0], s1  }
0x2c2: {  	s0 =	simm.s32 @!p0 $0x1  }
0x2c3: {  	_ =	swait.ge @!p0 [sflag:s0], s1  }
0x2c4: {  	s1 =	ssub.s32 @!p0 $0x0, s1;
	[sflag:s0] =	ssyncset.done @!p0 $0x0  }
0x2c5: {  	[sflag:s0] =	ssyncadd.s32 @!p0 s1  }
0x2c6: {  	[bflag:$0x3] =	sbarrier.arrive $0xFFFF  }
0x2c7: {  	_ =	shalt  }

</sc_bundles>
